<compile_context>
chip_gen: v7x
topology: tpu7x:2x2x1
jax: 0.10.2.dev20260603
libtpu: 0.0.44.dev20260713+nightly
codegen_flags: <defaults>
</compile_context>

<pallas_src>
import functools

import jax
import jax.numpy as jnp
from jax import lax
from jax.experimental import pallas as pl
from jax.experimental.pallas import tpu as pltpu
from jax.experimental.pallas import tpu_sc as plsc

_B, _NEX, _ENC = 1024, 50, 64
_H, _OUT = 32, 32
_LEX = 100000

_BLK = 2048


def _mlp_body(tab_ref, w1_ref, b1_ref, w2_ref, b2_ref, out_ref):
    x = tab_ref[...]
    h = jnp.dot(x, w1_ref[...], preferred_element_type=jnp.float32) + b1_ref[...]
    h = jnp.where(h >= 0, h, 0.01 * h)
    h = jnp.dot(h, w2_ref[...], preferred_element_type=jnp.float32) + b2_ref[...]
    h = jnp.where(h >= 0, h, 0.01 * h)
    lo = jax.lax.bitcast_convert_type(
        h[:, : _OUT // 2].astype(jnp.bfloat16), jnp.uint16
    ).astype(jnp.int32)
    hi = jax.lax.bitcast_convert_type(
        h[:, _OUT // 2 :].astype(jnp.bfloat16), jnp.uint16
    ).astype(jnp.int32)
    out_ref[...] = lo | (hi << 16)


def _transform_table(table, W1, b1, W2, b2):
    grid = pl.cdiv(_LEX, _BLK)
    return pl.pallas_call(
        _mlp_body,
        grid=(grid,),
        in_specs=[
            pl.BlockSpec((_BLK, _H), lambda i: (i, 0)),
            pl.BlockSpec((_H, _H), lambda i: (0, 0)),
            pl.BlockSpec((1, _H), lambda i: (0, 0)),
            pl.BlockSpec((_H, _OUT), lambda i: (0, 0)),
            pl.BlockSpec((1, _OUT), lambda i: (0, 0)),
        ],
        out_specs=pl.BlockSpec((_BLK, _OUT // 2), lambda i: (i, 0)),
        out_shape=jax.ShapeDtypeStruct((_LEX, _OUT // 2), jnp.int32),
    )(table, W1, b1.reshape(1, _H), W2, b2.reshape(1, _OUT))


_NC, _NS = 2, 16
_NW = _NC * _NS
_BPW = _B // _NW
_NIDX = _NEX * _ENC
_CW = 128
_NCHUNK = _NIDX // _CW


def _make_gather_mean():
    mesh = plsc.VectorSubcoreMesh(core_axis_name="c", subcore_axis_name="s")

    @functools.partial(
        pl.kernel,
        out_type=jax.ShapeDtypeStruct((_B, _ENC, _OUT), jnp.float32),
        mesh=mesh,
        compiler_params=pltpu.CompilerParams(use_tc_tiling_on_sc=False),
        scratch_types=[
            pltpu.VMEM((2, _NIDX), jnp.int32),
            pltpu.VMEM((2, _NIDX, _OUT // 2), jnp.int32),
            pltpu.VMEM((2, _ENC, _OUT), jnp.float32),
            pltpu.SemaphoreType.DMA,
            pltpu.SemaphoreType.DMA,
            pltpu.SemaphoreType.DMA,
            pltpu.SemaphoreType.DMA,
        ],
    )
    def gather_mean(t2_hbm, idx_hbm, out_hbm, idx_v, rows_v, acc_v, gsem, isem,
                    osem0, osem1):
        wid = lax.axis_index("s") * _NC + lax.axis_index("c")
        base = wid * _BPW
        osems = (osem0, osem1)

        def issue_gathers(p, b):
            pltpu.async_copy(t2_hbm.at[idx_v.at[p]], rows_v.at[p], gsem)

        def drain_rows(p):
            pltpu.make_async_copy(
                t2_hbm.at[pl.ds(0, _NIDX)], rows_v.at[p], gsem
            ).wait()

        def drain_idx(p):
            pltpu.make_async_copy(idx_hbm.at[0], idx_v.at[p], isem).wait()

        def accumulate(p, b, t):
            @pl.when(t > 0)
            def _():
                pltpu.make_async_copy(
                    out_hbm.at[base], acc_v.at[p], osems[p]
                ).wait()

            def e_body(e, carry):
                a0 = jnp.zeros((16,), jnp.float32)
                a1 = jnp.zeros((16,), jnp.float32)
                c0 = jnp.zeros((16,), jnp.float32)
                c1 = jnp.zeros((16,), jnp.float32)
                for n in range(0, _NEX, 2):
                    r0 = n * _ENC + e
                    v0 = rows_v[p, r0, :]
                    a0 = a0 + jax.lax.bitcast_convert_type(v0 << 16, jnp.float32)
                    a1 = a1 + jax.lax.bitcast_convert_type(v0, jnp.float32)
                    v1 = rows_v[p, r0 + _ENC, :]
                    c0 = c0 + jax.lax.bitcast_convert_type(v1 << 16, jnp.float32)
                    c1 = c1 + jax.lax.bitcast_convert_type(v1, jnp.float32)
                acc_v[p, e, pl.ds(0, 16)] = (a0 + c0) * (1.0 / _NEX)
                acc_v[p, e, pl.ds(16, 16)] = (a1 + c1) * (1.0 / _NEX)
                return carry

            lax.fori_loop(0, _ENC, e_body, 0)
            pltpu.async_copy(acc_v.at[p], out_hbm.at[b], osems[p])

        pltpu.sync_copy(idx_hbm.at[base], idx_v.at[0])
        issue_gathers(0, base)
        pltpu.async_copy(idx_hbm.at[base + 1], idx_v.at[1], isem)

        nsteps = _BPW // 2

        def t_body(t, carry):
            b0 = base + 2 * t
            drain_rows(0)
            drain_idx(1)
            issue_gathers(1, b0 + 1)

            @pl.when(t < nsteps - 1)
            def _():
                pltpu.async_copy(idx_hbm.at[b0 + 2], idx_v.at[0], isem)

            accumulate(0, b0, t)

            drain_rows(1)

            @pl.when(t < nsteps - 1)
            def _():
                drain_idx(0)
                issue_gathers(0, b0 + 2)
                pltpu.async_copy(idx_hbm.at[b0 + 3], idx_v.at[1], isem)

            accumulate(1, b0 + 1, t)
            return carry

        lax.fori_loop(0, nsteps, t_body, 0)

        pltpu.make_async_copy(out_hbm.at[base], acc_v.at[0], osem0).wait()
        pltpu.make_async_copy(out_hbm.at[base], acc_v.at[1], osem1).wait()

    return gather_mean


_gather_mean = _make_gather_mean()


def kernel(indices, table, W1, b1, W2, b2):
    t2 = _transform_table(table, W1, b1, W2, b2)
    idx = indices.reshape(_B, _NIDX)
    out = _gather_mean(t2, idx)
    return out.reshape(_B, _ENC * _OUT)

# --- scband reference (transcript-rebuilt; emitter-appended) ---
"""Pipeline reference for scband-simple-embedding-13855564496931 (READ-ONLY COPY).

The authoritative reference and input builder live on the scoring server;
editing this copy changes nothing except your own understanding.
"""

import jax, jax.numpy as jnp
import numpy as np

B, NEX, ENC = 1024, 50, 64
LEX, H, OUT = 100000, 32, 32


def leaky_relu(x, slope=0.01):
    return jnp.where(x >= 0, x, slope * x)


def setup_inputs(seed: int = 0):
    key = jax.random.key(seed)
    k1, k2, k3, k4 = jax.random.split(key, 4)
    indices = jax.random.randint(k1, (B, NEX, ENC), 0, LEX, dtype=jnp.int64 if jax.config.jax_enable_x64 else jnp.int32)
    table = jax.random.normal(k2, (LEX, H), dtype=jnp.float32)
    W1 = jax.random.normal(k3, (H, H), dtype=jnp.float32) * (1.0 / np.sqrt(H))
    b1 = jnp.zeros((H,), dtype=jnp.float32)
    W2 = jax.random.normal(k4, (H, OUT), dtype=jnp.float32) * (1.0 / np.sqrt(H))
    b2 = jnp.zeros((OUT,), dtype=jnp.float32)
    return {"indices": indices, "table": table, "W1": W1, "b1": b1, "W2": W2, "b2": b2}


def reference(indices, table, W1, b1, W2, b2):
    # indices: [B, NEX, ENC] int -- pre-encoded IO token ids (IOEncoder.encode_IOs output, batched)
    # embedding lookup (SparseCore gather)
    e = jnp.take(table, indices, axis=0)            # [B, NEX, ENC, H]
    # hidden = Linear -> LeakyReLU -> Linear -> LeakyReLU
    h = leaky_relu(jnp.einsum('bnef,fg->bneg', e, W1) + b1)
    h = leaky_relu(jnp.einsum('bnef,fg->bneg', h, W2) + b2)  # [B, NEX, ENC, OUT]
    # per-IO-set mean over the examples axis (torch.mean(e, 0) inside forward_IOs)
    m = jnp.mean(h, axis=1)                         # [B, ENC, OUT]
    # flatten per batch element and stack
    return m.reshape(m.shape[0], ENC * OUT)         # [B, ENC*OUT]

if __name__ == "__main__":
    import jax
    _d = setup_inputs()
    print(jax.jit(kernel)(*tuple(_d.values())))

</pallas_src>

<mosaic_0001>
#map = affine_map<(d0, d1) -> (0, 0)>
#map1 = affine_map<(d0, d1) -> (0, 0, 0)>
module attributes {stable_mosaic.version = 14 : i64} {
  func.func @gather_mean(%arg0: i32, %arg1: i32, %arg2: memref<100000x16xi32, #tpu.memory_space<hbm>>, %arg3: memref<1024x3200xi32, #tpu.memory_space<hbm>>, %arg4: memref<1024x64x32xf32, #tpu.memory_space<hbm>>, %arg5: memref<2x3200xi32, #tpu.memory_space<vmem>>, %arg6: memref<2x3200x16xi32, #tpu.memory_space<vmem>>, %arg7: memref<2x64x32xf32, #tpu.memory_space<vmem>>, %arg8: memref<!tpu.dma_semaphore, #tpu.memory_space<semaphore_mem>>, %arg9: memref<!tpu.dma_semaphore, #tpu.memory_space<semaphore_mem>>, %arg10: memref<!tpu.dma_semaphore, #tpu.memory_space<semaphore_mem>>, %arg11: memref<!tpu.dma_semaphore, #tpu.memory_space<semaphore_mem>>) attributes {dimension_semantics = [#tpu.dimension_semantics<core_parallel>, #tpu.dimension_semantics<subcore_parallel>], iteration_bounds = array<i64: 2, 16>, scalar_prefetch = 0 : i64, scratch_operands = 7 : i64, tpu.core_type = #tpu.core_type<sc_vector_subcore>, window_params = [{transform_indices = #map}, {transform_indices = #map}, {transform_indices = #map1}]} {
    %mul3A = arith.constant 2 : i32
    %mul3A_0 = arith.muli %arg1, %mul3A : i32
    %add3A = arith.addi %mul3A_0, %arg0 : i32
    %mul3A_1 = arith.constant 32 : i32
    %mul3A_2 = arith.muli %add3A, %mul3A_1 : i32
    %run_scoped3A = arith.constant 0 : i32
    "tpu.region"() ({
      %run_scoped3A_67 = tpu.sem_alloc : memref<!tpu.dma_semaphore, #tpu.memory_space<semaphore_mem>>
      %dma_start3A_68 = arith.constant 0 : i32
      %dma_start3A_69 = tpu.memref_slice %arg5[%run_scoped3A, %dma_start3A_68] : memref<2x3200xi32, #tpu.memory_space<vmem>> -> memref<1x3200xi32, #tpu.memory_space<vmem>>
      %dma_start3A_70 = tpu.memref_squeeze %dma_start3A_69 : memref<1x3200xi32, #tpu.memory_space<vmem>> -> memref<3200xi32, #tpu.memory_space<vmem>>
      %dma_start3A_71 = arith.constant 0 : i32
      %dma_start3A_72 = tpu.memref_slice %arg3[%mul3A_2, %dma_start3A_71] : memref<1024x3200xi32, #tpu.memory_space<hbm>> -> memref<1x3200xi32, #tpu.memory_space<hbm>>
      %dma_start3A_73 = tpu.memref_squeeze %dma_start3A_72 : memref<1x3200xi32, #tpu.memory_space<hbm>> -> memref<3200xi32, #tpu.memory_space<hbm>>
      %dma_start3A_74 = arith.constant 0 : i32
      %dma_start3A_75 = tpu.memref_slice %arg5[%run_scoped3A, %dma_start3A_74] : memref<2x3200xi32, #tpu.memory_space<vmem>> -> memref<1x3200xi32, #tpu.memory_space<vmem>>
      %dma_start3A_76 = tpu.memref_squeeze %dma_start3A_75 : memref<1x3200xi32, #tpu.memory_space<vmem>> -> memref<3200xi32, #tpu.memory_space<vmem>>
      %dma_start3A_77 = arith.constant 0 : i32
      %dma_start3A_78 = tpu.memref_slice %arg3[%mul3A_2, %dma_start3A_77] : memref<1024x3200xi32, #tpu.memory_space<hbm>> -> memref<1x3200xi32, #tpu.memory_space<hbm>>
      %dma_start3A_79 = tpu.memref_squeeze %dma_start3A_78 : memref<1x3200xi32, #tpu.memory_space<hbm>> -> memref<3200xi32, #tpu.memory_space<hbm>>
      tpu.enqueue_dma source(%dma_start3A_79 : memref<3200xi32, #tpu.memory_space<hbm>>) target(%dma_start3A_76 : memref<3200xi32, #tpu.memory_space<vmem>>) target_semaphore(%run_scoped3A_67 : memref<!tpu.dma_semaphore, #tpu.memory_space<semaphore_mem>>)
      %dma_wait3A_80 = arith.constant 0 : i32
      %dma_wait3A_81 = tpu.memref_slice %arg5[%run_scoped3A, %dma_wait3A_80] : memref<2x3200xi32, #tpu.memory_space<vmem>> -> memref<1x3200xi32, #tpu.memory_space<vmem>>
      %dma_wait3A_82 = tpu.memref_squeeze %dma_wait3A_81 : memref<1x3200xi32, #tpu.memory_space<vmem>> -> memref<3200xi32, #tpu.memory_space<vmem>>
      %dma_wait3A_83 = arith.constant 0 : i32
      %dma_wait3A_84 = tpu.memref_slice %arg3[%mul3A_2, %dma_wait3A_83] : memref<1024x3200xi32, #tpu.memory_space<hbm>> -> memref<1x3200xi32, #tpu.memory_space<hbm>>
      %dma_wait3A_85 = tpu.memref_squeeze %dma_wait3A_84 : memref<1x3200xi32, #tpu.memory_space<hbm>> -> memref<3200xi32, #tpu.memory_space<hbm>>
      %dma_wait3A_86 = arith.constant 0 : i32
      %dma_wait3A_87 = tpu.memref_slice %arg5[%run_scoped3A, %dma_wait3A_86] : memref<2x3200xi32, #tpu.memory_space<vmem>> -> memref<1x3200xi32, #tpu.memory_space<vmem>>
      %dma_wait3A_88 = tpu.memref_squeeze %dma_wait3A_87 : memref<1x3200xi32, #tpu.memory_space<vmem>> -> memref<3200xi32, #tpu.memory_space<vmem>>
      %dma_wait3A_89 = arith.constant 0 : i32
      %dma_wait3A_90 = tpu.memref_slice %arg3[%mul3A_2, %dma_wait3A_89] : memref<1024x3200xi32, #tpu.memory_space<hbm>> -> memref<1x3200xi32, #tpu.memory_space<hbm>>
      %dma_wait3A_91 = tpu.memref_squeeze %dma_wait3A_90 : memref<1x3200xi32, #tpu.memory_space<hbm>> -> memref<3200xi32, #tpu.memory_space<hbm>>
      tpu.wait_dma2 semaphore(%run_scoped3A_67 : memref<!tpu.dma_semaphore, #tpu.memory_space<semaphore_mem>>) src(%dma_wait3A_91 : memref<3200xi32, #tpu.memory_space<hbm>>) dst(%dma_wait3A_88 : memref<3200xi32, #tpu.memory_space<vmem>>)
      tpu.yield
    }) : () -> ()
    %dma_start3A = arith.constant 0 : i32
    %dma_start3A_3 = arith.constant 0 : i32
    %dma_start3A_4 = arith.constant 0 : i32
    %dma_start3A_5 = arith.constant 0 : i32
    %dma_start3A_6 = tpu.memref_slice %arg6[%dma_start3A_3, %dma_start3A_4, %dma_start3A_5] : memref<2x3200x16xi32, #tpu.memory_space<vmem>> -> memref<1x3200x16xi32, #tpu.memory_space<vmem>>
    %dma_start3A_7 = tpu.memref_squeeze %dma_start3A_6 : memref<1x3200x16xi32, #tpu.memory_space<vmem>> -> memref<3200x16xi32, #tpu.memory_space<vmem>>
    %dma_start3A_8 = arith.constant 0 : i32
    %dma_start3A_9 = tpu.memref_slice %arg5[%dma_start3A, %dma_start3A_8] : memref<2x3200xi32, #tpu.memory_space<vmem>> -> memref<1x3200xi32, #tpu.memory_space<vmem>>
    %dma_start3A_10 = tpu.memref_squeeze %dma_start3A_9 : memref<1x3200xi32, #tpu.memory_space<vmem>> -> memref<3200xi32, #tpu.memory_space<vmem>>
    %dma_start3A_11 = arith.constant 0 : i32
    %dma_start3A_12 = arith.constant 0 : i32
    %dma_start3A_13 = tpu.memref_slice %arg2[%dma_start3A_11, %dma_start3A_12] : memref<100000x16xi32, #tpu.memory_space<hbm>> -> memref<100000x16xi32, #tpu.memory_space<hbm>>
    tpu.enqueue_indirect_dma source(%dma_start3A_13 : memref<100000x16xi32, #tpu.memory_space<hbm>>) target(%dma_start3A_7 : memref<3200x16xi32, #tpu.memory_space<vmem>>) offsets(%dma_start3A_10 : memref<3200xi32, #tpu.memory_space<vmem>>) semaphore(%arg8 : memref<!tpu.dma_semaphore, #tpu.memory_space<semaphore_mem>>)
    %add3A_14 = arith.constant 1 : i32
    %add3A_15 = arith.addi %mul3A_2, %add3A_14 : i32
    %dma_start3A_16 = arith.constant 1 : i32
    %dma_start3A_17 = arith.constant 0 : i32
    %dma_start3A_18 = tpu.memref_slice %arg5[%dma_start3A_16, %dma_start3A_17] : memref<2x3200xi32, #tpu.memory_space<vmem>> -> memref<1x3200xi32, #tpu.memory_space<vmem>>
    %dma_start3A_19 = tpu.memref_squeeze %dma_start3A_18 : memref<1x3200xi32, #tpu.memory_space<vmem>> -> memref<3200xi32, #tpu.memory_space<vmem>>
    %dma_start3A_20 = arith.constant 0 : i32
    %dma_start3A_21 = tpu.memref_slice %arg3[%add3A_15, %dma_start3A_20] : memref<1024x3200xi32, #tpu.memory_space<hbm>> -> memref<1x3200xi32, #tpu.memory_space<hbm>>
    %dma_start3A_22 = tpu.memref_squeeze %dma_start3A_21 : memref<1x3200xi32, #tpu.memory_space<hbm>> -> memref<3200xi32, #tpu.memory_space<hbm>>
    %dma_start3A_23 = arith.constant 0 : i32
    %dma_start3A_24 = tpu.memref_slice %arg5[%dma_start3A_16, %dma_start3A_23] : memref<2x3200xi32, #tpu.memory_space<vmem>> -> memref<1x3200xi32, #tpu.memory_space<vmem>>
    %dma_start3A_25 = tpu.memref_squeeze %dma_start3A_24 : memref<1x3200xi32, #tpu.memory_space<vmem>> -> memref<3200xi32, #tpu.memory_space<vmem>>
    %dma_start3A_26 = arith.constant 0 : i32
    %dma_start3A_27 = tpu.memref_slice %arg3[%add3A_15, %dma_start3A_26] : memref<1024x3200xi32, #tpu.memory_space<hbm>> -> memref<1x3200xi32, #tpu.memory_space<hbm>>
    %dma_start3A_28 = tpu.memref_squeeze %dma_start3A_27 : memref<1x3200xi32, #tpu.memory_space<hbm>> -> memref<3200xi32, #tpu.memory_space<hbm>>
    tpu.enqueue_dma source(%dma_start3A_28 : memref<3200xi32, #tpu.memory_space<hbm>>) target(%dma_start3A_25 : memref<3200xi32, #tpu.memory_space<vmem>>) target_semaphore(%arg9 : memref<!tpu.dma_semaphore, #tpu.memory_space<semaphore_mem>>)
    %scan3A = arith.constant 0 : i32
    %scan3A_29 = arith.constant 0 : i32
    %scan3A_30 = arith.constant 16 : i32
    %scan3A_31 = arith.addi %scan3A_29, %scan3A_30 : i32
    %scan3A_32 = arith.constant 1 : i32
    scf.for %scan3A_67 = %scan3A_29 to %scan3A_31 step %scan3A_32  : i32 {
      %mul3A_68 = arith.constant 2 : i32
      %mul3A_69 = arith.muli %mul3A_68, %scan3A_67 : i32
      %add3A_70 = arith.addi %mul3A_2, %mul3A_69 : i32
      %dma_wait3A_71 = arith.constant 0 : i32
      %dma_wait3A_72 = arith.constant 0 : i32
      %dma_wait3A_73 = arith.constant 0 : i32
      %dma_wait3A_74 = tpu.memref_slice %arg6[%dma_wait3A_71, %dma_wait3A_72, %dma_wait3A_73] : memref<2x3200x16xi32, #tpu.memory_space<vmem>> -> memref<1x3200x16xi32, #tpu.memory_space<vmem>>
      %dma_wait3A_75 = tpu.memref_squeeze %dma_wait3A_74 : memref<1x3200x16xi32, #tpu.memory_space<vmem>> -> memref<3200x16xi32, #tpu.memory_space<vmem>>
      %dma_wait3A_76 = arith.constant 0 : i32
      %dma_wait3A_77 = arith.constant 0 : i32
      %dma_wait3A_78 = tpu.memref_slice %arg2[%dma_wait3A_76, %dma_wait3A_77] : memref<100000x16xi32, #tpu.memory_space<hbm>> -> memref<3200x16xi32, #tpu.memory_space<hbm>>
      %dma_wait3A_79 = arith.constant 0 : i32
      %dma_wait3A_80 = arith.constant 0 : i32
      %dma_wait3A_81 = tpu.memref_slice %arg6[%dma_wait3A_71, %dma_wait3A_79, %dma_wait3A_80] : memref<2x3200x16xi32, #tpu.memory_space<vmem>> -> memref<1x3200x16xi32, #tpu.memory_space<vmem>>
      %dma_wait3A_82 = tpu.memref_squeeze %dma_wait3A_81 : memref<1x3200x16xi32, #tpu.memory_space<vmem>> -> memref<3200x16xi32, #tpu.memory_space<vmem>>
      %dma_wait3A_83 = arith.constant 0 : i32
      %dma_wait3A_84 = arith.constant 0 : i32
      %dma_wait3A_85 = tpu.memref_slice %arg2[%dma_wait3A_83, %dma_wait3A_84] : memref<100000x16xi32, #tpu.memory_space<hbm>> -> memref<3200x16xi32, #tpu.memory_space<hbm>>
      tpu.wait_dma2 semaphore(%arg8 : memref<!tpu.dma_semaphore, #tpu.memory_space<semaphore_mem>>) src(%dma_wait3A_85 : memref<3200x16xi32, #tpu.memory_space<hbm>>) dst(%dma_wait3A_82 : memref<3200x16xi32, #tpu.memory_space<vmem>>)
      %dma_wait3A_86 = arith.constant 0 : i32
      %dma_wait3A_87 = arith.constant 1 : i32
      %dma_wait3A_88 = arith.constant 0 : i32
      %dma_wait3A_89 = tpu.memref_slice %arg5[%dma_wait3A_87, %dma_wait3A_88] : memref<2x3200xi32, #tpu.memory_space<vmem>> -> memref<1x3200xi32, #tpu.memory_space<vmem>>
      %dma_wait3A_90 = tpu.memref_squeeze %dma_wait3A_89 : memref<1x3200xi32, #tpu.memory_space<vmem>> -> memref<3200xi32, #tpu.memory_space<vmem>>
      %dma_wait3A_91 = arith.constant 0 : i32
      %dma_wait3A_92 = tpu.memref_slice %arg3[%dma_wait3A_86, %dma_wait3A_91] : memref<1024x3200xi32, #tpu.memory_space<hbm>> -> memref<1x3200xi32, #tpu.memory_space<hbm>>
      %dma_wait3A_93 = tpu.memref_squeeze %dma_wait3A_92 : memref<1x3200xi32, #tpu.memory_space<hbm>> -> memref<3200xi32, #tpu.memory_space<hbm>>
      %dma_wait3A_94 = arith.constant 0 : i32
      %dma_wait3A_95 = tpu.memref_slice %arg5[%dma_wait3A_87, %dma_wait3A_94] : memref<2x3200xi32, #tpu.memory_space<vmem>> -> memref<1x3200xi32, #tpu.memory_space<vmem>>
      %dma_wait3A_96 = tpu.memref_squeeze %dma_wait3A_95 : memref<1x3200xi32, #tpu.memory_space<vmem>> -> memref<3200xi32, #tpu.memory_space<vmem>>
      %dma_wait3A_97 = arith.constant 0 : i32
      %dma_wait3A_98 = tpu.memref_slice %arg3[%dma_wait3A_86, %dma_wait3A_97] : memref<1024x3200xi32, #tpu.memory_space<hbm>> -> memref<1x3200xi32, #tpu.memory_space<hbm>>
      %dma_wait3A_99 = tpu.memref_squeeze %dma_wait3A_98 : memref<1x3200xi32, #tpu.memory_space<hbm>> -> memref<3200xi32, #tpu.memory_space<hbm>>
      tpu.wait_dma2 semaphore(%arg9 : memref<!tpu.dma_semaphore, #tpu.memory_space<semaphore_mem>>) src(%dma_wait3A_99 : memref<3200xi32, #tpu.memory_space<hbm>>) dst(%dma_wait3A_96 : memref<3200xi32, #tpu.memory_space<vmem>>)
      %add3A_100 = arith.constant 1 : i32
      %add3A_101 = arith.addi %add3A_70, %add3A_100 : i32
      %dma_start3A_102 = arith.constant 1 : i32
      %dma_start3A_103 = arith.constant 1 : i32
      %dma_start3A_104 = arith.constant 0 : i32
      %dma_start3A_105 = arith.constant 0 : i32
      %dma_start3A_106 = tpu.memref_slice %arg6[%dma_start3A_103, %dma_start3A_104, %dma_start3A_105] : memref<2x3200x16xi32, #tpu.memory_space<vmem>> -> memref<1x3200x16xi32, #tpu.memory_space<vmem>>
      %dma_start3A_107 = tpu.memref_squeeze %dma_start3A_106 : memref<1x3200x16xi32, #tpu.memory_space<vmem>> -> memref<3200x16xi32, #tpu.memory_space<vmem>>
      %dma_start3A_108 = arith.constant 0 : i32
      %dma_start3A_109 = tpu.memref_slice %arg5[%dma_start3A_102, %dma_start3A_108] : memref<2x3200xi32, #tpu.memory_space<vmem>> -> memref<1x3200xi32, #tpu.memory_space<vmem>>
      %dma_start3A_110 = tpu.memref_squeeze %dma_start3A_109 : memref<1x3200xi32, #tpu.memory_space<vmem>> -> memref<3200xi32, #tpu.memory_space<vmem>>
      %dma_start3A_111 = arith.constant 0 : i32
      %dma_start3A_112 = arith.constant 0 : i32
      %dma_start3A_113 = tpu.memref_slice %arg2[%dma_start3A_111, %dma_start3A_112] : memref<100000x16xi32, #tpu.memory_space<hbm>> -> memref<100000x16xi32, #tpu.memory_space<hbm>>
      tpu.enqueue_indirect_dma source(%dma_start3A_113 : memref<100000x16xi32, #tpu.memory_space<hbm>>) target(%dma_start3A_107 : memref<3200x16xi32, #tpu.memory_space<vmem>>) offsets(%dma_start3A_110 : memref<3200xi32, #tpu.memory_space<vmem>>) semaphore(%arg8 : memref<!tpu.dma_semaphore, #tpu.memory_space<semaphore_mem>>)
      %lt3A = arith.constant 15 : i32
      %lt3A_114 = arith.cmpi slt, %scan3A_67, %lt3A : i32
      %convert_element_type3A = arith.extui %lt3A_114 : i1 to i32
      %cond3A = arith.constant 0 : i32
      %cond3A_115 = arith.cmpi ne, %convert_element_type3A, %cond3A : i32
      scf.if %cond3A_115 {
        %add3A_193 = arith.constant 2 : i32
        %add3A_194 = arith.addi %add3A_70, %add3A_193 : i32
        %dma_start3A_195 = arith.constant 0 : i32
        %dma_start3A_196 = arith.constant 0 : i32
        %dma_start3A_197 = tpu.memref_slice %arg5[%dma_start3A_195, %dma_start3A_196] : memref<2x3200xi32, #tpu.memory_space<vmem>> -> memref<1x3200xi32, #tpu.memory_space<vmem>>
        %dma_start3A_198 = tpu.memref_squeeze %dma_start3A_197 : memref<1x3200xi32, #tpu.memory_space<vmem>> -> memref<3200xi32, #tpu.memory_space<vmem>>
        %dma_start3A_199 = arith.constant 0 : i32
        %dma_start3A_200 = tpu.memref_slice %arg3[%add3A_194, %dma_start3A_199] : memref<1024x3200xi32, #tpu.memory_space<hbm>> -> memref<1x3200xi32, #tpu.memory_space<hbm>>
        %dma_start3A_201 = tpu.memref_squeeze %dma_start3A_200 : memref<1x3200xi32, #tpu.memory_space<hbm>> -> memref<3200xi32, #tpu.memory_space<hbm>>
        %dma_start3A_202 = arith.constant 0 : i32
        %dma_start3A_203 = tpu.memref_slice %arg5[%dma_start3A_195, %dma_start3A_202] : memref<2x3200xi32, #tpu.memory_space<vmem>> -> memref<1x3200xi32, #tpu.memory_space<vmem>>
        %dma_start3A_204 = tpu.memref_squeeze %dma_start3A_203 : memref<1x3200xi32, #tpu.memory_space<vmem>> -> memref<3200xi32, #tpu.memory_space<vmem>>
        %dma_start3A_205 = arith.constant 0 : i32
        %dma_start3A_206 = tpu.memref_slice %arg3[%add3A_194, %dma_start3A_205] : memref<1024x3200xi32, #tpu.memory_space<hbm>> -> memref<1x3200xi32, #tpu.memory_space<hbm>>
        %dma_start3A_207 = tpu.memref_squeeze %dma_start3A_206 : memref<1x3200xi32, #tpu.memory_space<hbm>> -> memref<3200xi32, #tpu.memory_space<hbm>>
        tpu.enqueue_dma source(%dma_start3A_207 : memref<3200xi32, #tpu.memory_space<hbm>>) target(%dma_start3A_204 : memref<3200xi32, #tpu.memory_space<vmem>>) target_semaphore(%arg9 : memref<!tpu.dma_semaphore, #tpu.memory_space<semaphore_mem>>)
      } else {
      }
      %gt3A = arith.constant 0 : i32
      %gt3A_116 = arith.cmpi sgt, %scan3A_67, %gt3A : i32
      %convert_element_type3A_117 = arith.extui %gt3A_116 : i1 to i32
      %cond3A_118 = arith.constant 0 : i32
      %cond3A_119 = arith.cmpi ne, %convert_element_type3A_117, %cond3A_118 : i32
      scf.if %cond3A_119 {
        %dma_wait3A_193 = arith.constant 0 : i32
        %dma_wait3A_194 = arith.constant 0 : i32
        %dma_wait3A_195 = arith.constant 0 : i32
        %dma_wait3A_196 = tpu.memref_slice %arg7[%dma_wait3A_193, %dma_wait3A_194, %dma_wait3A_195] : memref<2x64x32xf32, #tpu.memory_space<vmem>> -> memref<1x64x32xf32, #tpu.memory_space<vmem>>
        %dma_wait3A_197 = tpu.memref_squeeze %dma_wait3A_196 : memref<1x64x32xf32, #tpu.memory_space<vmem>> -> memref<64x32xf32, #tpu.memory_space<vmem>>
        %dma_wait3A_198 = arith.constant 0 : i32
        %dma_wait3A_199 = arith.constant 0 : i32
        %dma_wait3A_200 = tpu.memref_slice %arg4[%mul3A_2, %dma_wait3A_198, %dma_wait3A_199] : memref<1024x64x32xf32, #tpu.memory_space<hbm>> -> memref<1x64x32xf32, #tpu.memory_space<hbm>>
        %dma_wait3A_201 = tpu.memref_squeeze %dma_wait3A_200 : memref<1x64x32xf32, #tpu.memory_space<hbm>> -> memref<64x32xf32, #tpu.memory_space<hbm>>
        %dma_wait3A_202 = arith.constant 0 : i32
        %dma_wait3A_203 = arith.constant 0 : i32
        %dma_wait3A_204 = tpu.memref_slice %arg7[%dma_wait3A_193, %dma_wait3A_202, %dma_wait3A_203] : memref<2x64x32xf32, #tpu.memory_space<vmem>> -> memref<1x64x32xf32, #tpu.memory_space<vmem>>
        %dma_wait3A_205 = tpu.memref_squeeze %dma_wait3A_204 : memref<1x64x32xf32, #tpu.memory_space<vmem>> -> memref<64x32xf32, #tpu.memory_space<vmem>>
        %dma_wait3A_206 = arith.constant 0 : i32
        %dma_wait3A_207 = arith.constant 0 : i32
        %dma_wait3A_208 = tpu.memref_slice %arg4[%mul3A_2, %dma_wait3A_206, %dma_wait3A_207] : memref<1024x64x32xf32, #tpu.memory_space<hbm>> -> memref<1x64x32xf32, #tpu.memory_space<hbm>>
        %dma_wait3A_209 = tpu.memref_squeeze %dma_wait3A_208 : memref<1x64x32xf32, #tpu.memory_space<hbm>> -> memref<64x32xf32, #tpu.memory_space<hbm>>
        tpu.wait_dma2 semaphore(%arg10 : memref<!tpu.dma_semaphore, #tpu.memory_space<semaphore_mem>>) src(%dma_wait3A_209 : memref<64x32xf32, #tpu.memory_space<hbm>>) dst(%dma_wait3A_205 : memref<64x32xf32, #tpu.memory_space<vmem>>)
      } else {
      }
      %scan3A_120 = arith.constant 0 : i32
      %scan3A_121 = arith.constant 0 : i32
      %scan3A_122 = arith.constant 64 : i32
      %scan3A_123 = arith.addi %scan3A_121, %scan3A_122 : i32
      %scan3A_124 = arith.constant 1 : i32
      scf.for %scan3A_193 = %scan3A_121 to %scan3A_123 step %scan3A_124  : i32 {
        %broadcast_in_dim3A = arith.constant 0.000000e+00 : f32
        %broadcast_in_dim3A_194 = vector.broadcast %broadcast_in_dim3A : f32 to vector<16xf32>
        %broadcast_in_dim3A_195 = arith.constant 0.000000e+00 : f32
        %broadcast_in_dim3A_196 = vector.broadcast %broadcast_in_dim3A_195 : f32 to vector<16xf32>
        %broadcast_in_dim3A_197 = arith.constant 0.000000e+00 : f32
        %broadcast_in_dim3A_198 = vector.broadcast %broadcast_in_dim3A_197 : f32 to vector<16xf32>
        %broadcast_in_dim3A_199 = arith.constant 0.000000e+00 : f32
        %broadcast_in_dim3A_200 = vector.broadcast %broadcast_in_dim3A_199 : f32 to vector<16xf32>
        %add3A_201 = arith.constant 0 : i32
        %add3A_202 = arith.addi %add3A_201, %scan3A_193 : i32
        %get3A = arith.constant 0 : i32
        %get3A_203 = arith.index_cast %get3A : i32 to index
        %get3A_204 = arith.index_cast %add3A_202 : i32 to index
        %get3A_205 = arith.constant 0 : index
        %get3A_206 = tpu.vector_load %arg6[%get3A_203, %get3A_204, %get3A_205] {strides = array<i32>} : memref<2x3200x16xi32, #tpu.memory_space<vmem>>, vector<1x1x16xi32>,
        %get3A_207 = vector.shape_cast %get3A_206 : vector<1x1x16xi32> to vector<16xi32>
        %shift_left3A = arith.constant 16 : i32
        %shift_left3A_208 = vector.broadcast %shift_left3A : i32 to vector<16xi32>
        %shift_left3A_209 = arith.shli %get3A_207, %shift_left3A_208 : vector<16xi32>
        %bitcast_convert_type3A = tpu.bitcast %shift_left3A_209 : vector<16xi32> -> vector<16xf32>
        %add3A_210 = arith.addf %broadcast_in_dim3A_194, %bitcast_convert_type3A : vector<16xf32>
        %bitcast_convert_type3A_211 = tpu.bitcast %get3A_207 : vector<16xi32> -> vector<16xf32>
        %add3A_212 = arith.addf %broadcast_in_dim3A_196, %bitcast_convert_type3A_211 : vector<16xf32>
        %add3A_213 = arith.constant 64 : i32
        %add3A_214 = arith.addi %add3A_202, %add3A_213 : i32
        %get3A_215 = arith.constant 0 : i32
        %get3A_216 = arith.index_cast %get3A_215 : i32 to index
        %get3A_217 = arith.index_cast %add3A_214 : i32 to index
        %get3A_218 = arith.constant 0 : index
        %get3A_219 = tpu.vector_load %arg6[%get3A_216, %get3A_217, %get3A_218] {strides = array<i32>} : memref<2x3200x16xi32, #tpu.memory_space<vmem>>, vector<1x1x16xi32>,
        %get3A_220 = vector.shape_cast %get3A_219 : vector<1x1x16xi32> to vector<16xi32>
        %shift_left3A_221 = arith.constant 16 : i32
        %shift_left3A_222 = vector.broadcast %shift_left3A_221 : i32 to vector<16xi32>
        %shift_left3A_223 = arith.shli %get3A_220, %shift_left3A_222 : vector<16xi32>
        %bitcast_convert_type3A_224 = tpu.bitcast %shift_left3A_223 : vector<16xi32> -> vector<16xf32>
        %add3A_225 = arith.addf %broadcast_in_dim3A_198, %bitcast_convert_type3A_224 : vector<16xf32>
        %bitcast_convert_type3A_226 = tpu.bitcast %get3A_220 : vector<16xi32> -> vector<16xf32>
        %add3A_227 = arith.addf %broadcast_in_dim3A_200, %bitcast_convert_type3A_226 : vector<16xf32>
        %add3A_228 = arith.constant 128 : i32
        %add3A_229 = arith.addi %add3A_228, %scan3A_193 : i32
        %get3A_230 = arith.constant 0 : i32
        %get3A_231 = arith.index_cast %get3A_230 : i32 to index
        %get3A_232 = arith.index_cast %add3A_229 : i32 to index
        %get3A_233 = arith.constant 0 : index
        %get3A_234 = tpu.vector_load %arg6[%get3A_231, %get3A_232, %get3A_233] {strides = array<i32>} : memref<2x3200x16xi32, #tpu.memory_space<vmem>>, vector<1x1x16xi32>,
        %get3A_235 = vector.shape_cast %get3A_234 : vector<1x1x16xi32> to vector<16xi32>
        %shift_left3A_236 = arith.constant 16 : i32
        %shift_left3A_237 = vector.broadcast %shift_left3A_236 : i32 to vector<16xi32>
        %shift_left3A_238 = arith.shli %get3A_235, %shift_left3A_237 : vector<16xi32>
        %bitcast_convert_type3A_239 = tpu.bitcast %shift_left3A_238 : vector<16xi32> -> vector<16xf32>
        %add3A_240 = arith.addf %add3A_210, %bitcast_convert_type3A_239 : vector<16xf32>
        %bitcast_convert_type3A_241 = tpu.bitcast %get3A_235 : vector<16xi32> -> vector<16xf32>
        %add3A_242 = arith.addf %add3A_212, %bitcast_convert_type3A_241 : vector<16xf32>
        %add3A_243 = arith.constant 64 : i32
        %add3A_244 = arith.addi %add3A_229, %add3A_243 : i32
        %get3A_245 = arith.constant 0 : i32
        %get3A_246 = arith.index_cast %get3A_245 : i32 to index
        %get3A_247 = arith.index_cast %add3A_244 : i32 to index
        %get3A_248 = arith.constant 0 : index
        %get3A_249 = tpu.vector_load %arg6[%get3A_246, %get3A_247, %get3A_248] {strides = array<i32>} : memref<2x3200x16xi32, #tpu.memory_space<vmem>>, vector<1x1x16xi32>,
        %get3A_250 = vector.shape_cast %get3A_249 : vector<1x1x16xi32> to vector<16xi32>
        %shift_left3A_251 = arith.constant 16 : i32
        %shift_left3A_252 = vector.broadcast %shift_left3A_251 : i32 to vector<16xi32>
        %shift_left3A_253 = arith.shli %get3A_250, %shift_left3A_252 : vector<16xi32>
        %bitcast_convert_type3A_254 = tpu.bitcast %shift_left3A_253 : vector<16xi32> -> vector<16xf32>
        %add3A_255 = arith.addf %add3A_225, %bitcast_convert_type3A_254 : vector<16xf32>
        %bitcast_convert_type3A_256 = tpu.bitcast %get3A_250 : vector<16xi32> -> vector<16xf32>
        %add3A_257 = arith.addf %add3A_227, %bitcast_convert_type3A_256 : vector<16xf32>
        %add3A_258 = arith.constant 256 : i32
        %add3A_259 = arith.addi %add3A_258, %scan3A_193 : i32
        %get3A_260 = arith.constant 0 : i32
        %get3A_261 = arith.index_cast %get3A_260 : i32 to index
        %get3A_262 = arith.index_cast %add3A_259 : i32 to index
        %get3A_263 = arith.constant 0 : index
        %get3A_264 = tpu.vector_load %arg6[%get3A_261, %get3A_262, %get3A_263] {strides = array<i32>} : memref<2x3200x16xi32, #tpu.memory_space<vmem>>, vector<1x1x16xi32>,
        %get3A_265 = vector.shape_cast %get3A_264 : vector<1x1x16xi32> to vector<16xi32>
        %shift_left3A_266 = arith.constant 16 : i32
        %shift_left3A_267 = vector.broadcast %shift_left3A_266 : i32 to vector<16xi32>
        %shift_left3A_268 = arith.shli %get3A_265, %shift_left3A_267 : vector<16xi32>
        %bitcast_convert_type3A_269 = tpu.bitcast %shift_left3A_268 : vector<16xi32> -> vector<16xf32>
        %add3A_270 = arith.addf %add3A_240, %bitcast_convert_type3A_269 : vector<16xf32>
        %bitcast_convert_type3A_271 = tpu.bitcast %get3A_265 : vector<16xi32> -> vector<16xf32>
        %add3A_272 = arith.addf %add3A_242, %bitcast_convert_type3A_271 : vector<16xf32>
        %add3A_273 = arith.constant 64 : i32
        %add3A_274 = arith.addi %add3A_259, %add3A_273 : i32
        %get3A_275 = arith.constant 0 : i32
        %get3A_276 = arith.index_cast %get3A_275 : i32 to index
        %get3A_277 = arith.index_cast %add3A_274 : i32 to index
        %get3A_278 = arith.constant 0 : index
        %get3A_279 = tpu.vector_load %arg6[%get3A_276, %get3A_277, %get3A_278] {strides = array<i32>} : memref<2x3200x16xi32, #tpu.memory_space<vmem>>, vector<1x1x16xi32>,
        %get3A_280 = vector.shape_cast %get3A_279 : vector<1x1x16xi32> to vector<16xi32>
        %shift_left3A_281 = arith.constant 16 : i32
        %shift_left3A_282 = vector.broadcast %shift_left3A_281 : i32 to vector<16xi32>
        %shift_left3A_283 = arith.shli %get3A_280, %shift_left3A_282 : vector<16xi32>
        %bitcast_convert_type3A_284 = tpu.bitcast %shift_left3A_283 : vector<16xi32> -> vector<16xf32>
        %add3A_285 = arith.addf %add3A_255, %bitcast_convert_type3A_284 : vector<16xf32>
        %bitcast_convert_type3A_286 = tpu.bitcast %get3A_280 : vector<16xi32> -> vector<16xf32>
        %add3A_287 = arith.addf %add3A_257, %bitcast_convert_type3A_286 : vector<16xf32>
        %add3A_288 = arith.constant 384 : i32
        %add3A_289 = arith.addi %add3A_288, %scan3A_193 : i32
        %get3A_290 = arith.constant 0 : i32
        %get3A_291 = arith.index_cast %get3A_290 : i32 to index
        %get3A_292 = arith.index_cast %add3A_289 : i32 to index
        %get3A_293 = arith.constant 0 : index
        %get3A_294 = tpu.vector_load %arg6[%get3A_291, %get3A_292, %get3A_293] {strides = array<i32>} : memref<2x3200x16xi32, #tpu.memory_space<vmem>>, vector<1x1x16xi32>,
        %get3A_295 = vector.shape_cast %get3A_294 : vector<1x1x16xi32> to vector<16xi32>
        %shift_left3A_296 = arith.constant 16 : i32
        %shift_left3A_297 = vector.broadcast %shift_left3A_296 : i32 to vector<16xi32>
        %shift_left3A_298 = arith.shli %get3A_295, %shift_left3A_297 : vector<16xi32>
        %bitcast_convert_type3A_299 = tpu.bitcast %shift_left3A_298 : vector<16xi32> -> vector<16xf32>
        %add3A_300 = arith.addf %add3A_270, %bitcast_convert_type3A_299 : vector<16xf32>
        %bitcast_convert_type3A_301 = tpu.bitcast %get3A_295 : vector<16xi32> -> vector<16xf32>
        %add3A_302 = arith.addf %add3A_272, %bitcast_convert_type3A_301 : vector<16xf32>
        %add3A_303 = arith.constant 64 : i32
        %add3A_304 = arith.addi %add3A_289, %add3A_303 : i32
        %get3A_305 = arith.constant 0 : i32
        %get3A_306 = arith.index_cast %get3A_305 : i32 to index
        %get3A_307 = arith.index_cast %add3A_304 : i32 to index
        %get3A_308 = arith.constant 0 : index
        %get3A_309 = tpu.vector_load %arg6[%get3A_306, %get3A_307, %get3A_308] {strides = array<i32>} : memref<2x3200x16xi32, #tpu.memory_space<vmem>>, vector<1x1x16xi32>,
        %get3A_310 = vector.shape_cast %get3A_309 : vector<1x1x16xi32> to vector<16xi32>
        %shift_left3A_311 = arith.constant 16 : i32
        %shift_left3A_312 = vector.broadcast %shift_left3A_311 : i32 to vector<16xi32>
        %shift_left3A_313 = arith.shli %get3A_310, %shift_left3A_312 : vector<16xi32>
        %bitcast_convert_type3A_314 = tpu.bitcast %shift_left3A_313 : vector<16xi32> -> vector<16xf32>
        %add3A_315 = arith.addf %add3A_285, %bitcast_convert_type3A_314 : vector<16xf32>
        %bitcast_convert_type3A_316 = tpu.bitcast %get3A_310 : vector<16xi32> -> vector<16xf32>
        %add3A_317 = arith.addf %add3A_287, %bitcast_convert_type3A_316 : vector<16xf32>
        %add3A_318 = arith.constant 512 : i32
        %add3A_319 = arith.addi %add3A_318, %scan3A_193 : i32
        %get3A_320 = arith.constant 0 : i32
        %get3A_321 = arith.index_cast %get3A_320 : i32 to index
        %get3A_322 = arith.index_cast %add3A_319 : i32 to index
        %get3A_323 = arith.constant 0 : index
        %get3A_324 = tpu.vector_load %arg6[%get3A_321, %get3A_322, %get3A_323] {strides = array<i32>} : memref<2x3200x16xi32, #tpu.memory_space<vmem>>, vector<1x1x16xi32>,
        %get3A_325 = vector.shape_cast %get3A_324 : vector<1x1x16xi32> to vector<16xi32>
        %shift_left3A_326 = arith.constant 16 : i32
        %shift_left3A_327 = vector.broadcast %shift_left3A_326 : i32 to vector<16xi32>
        %shift_left3A_328 = arith.shli %get3A_325, %shift_left3A_327 : vector<16xi32>
        %bitcast_convert_type3A_329 = tpu.bitcast %shift_left3A_328 : vector<16xi32> -> vector<16xf32>
        %add3A_330 = arith.addf %add3A_300, %bitcast_convert_type3A_329 : vector<16xf32>
        %bitcast_convert_type3A_331 = tpu.bitcast %get3A_325 : vector<16xi32> -> vector<16xf32>
        %add3A_332 = arith.addf %add3A_302, %bitcast_convert_type3A_331 : vector<16xf32>
        %add3A_333 = arith.constant 64 : i32
        %add3A_334 = arith.addi %add3A_319, %add3A_333 : i32
        %get3A_335 = arith.constant 0 : i32
        %get3A_336 = arith.index_cast %get3A_335 : i32 to index
        %get3A_337 = arith.index_cast %add3A_334 : i32 to index
        %get3A_338 = arith.constant 0 : index
        %get3A_339 = tpu.vector_load %arg6[%get3A_336, %get3A_337, %get3A_338] {strides = array<i32>} : memref<2x3200x16xi32, #tpu.memory_space<vmem>>, vector<1x1x16xi32>,
        %get3A_340 = vector.shape_cast %get3A_339 : vector<1x1x16xi32> to vector<16xi32>
        %shift_left3A_341 = arith.constant 16 : i32
        %shift_left3A_342 = vector.broadcast %shift_left3A_341 : i32 to vector<16xi32>
        %shift_left3A_343 = arith.shli %get3A_340, %shift_left3A_342 : vector<16xi32>
        %bitcast_convert_type3A_344 = tpu.bitcast %shift_left3A_343 : vector<16xi32> -> vector<16xf32>
        %add3A_345 = arith.addf %add3A_315, %bitcast_convert_type3A_344 : vector<16xf32>
        %bitcast_convert_type3A_346 = tpu.bitcast %get3A_340 : vector<16xi32> -> vector<16xf32>
        %add3A_347 = arith.addf %add3A_317, %bitcast_convert_type3A_346 : vector<16xf32>
        %add3A_348 = arith.constant 640 : i32
        %add3A_349 = arith.addi %add3A_348, %scan3A_193 : i32
        %get3A_350 = arith.constant 0 : i32
        %get3A_351 = arith.index_cast %get3A_350 : i32 to index
        %get3A_352 = arith.index_cast %add3A_349 : i32 to index
        %get3A_353 = arith.constant 0 : index
        %get3A_354 = tpu.vector_load %arg6[%get3A_351, %get3A_352, %get3A_353] {strides = array<i32>} : memref<2x3200x16xi32, #tpu.memory_space<vmem>>, vector<1x1x16xi32>,
        %get3A_355 = vector.shape_cast %get3A_354 : vector<1x1x16xi32> to vector<16xi32>
        %shift_left3A_356 = arith.constant 16 : i32
        %shift_left3A_357 = vector.broadcast %shift_left3A_356 : i32 to vector<16xi32>
        %shift_left3A_358 = arith.shli %get3A_355, %shift_left3A_357 : vector<16xi32>
        %bitcast_convert_type3A_359 = tpu.bitcast %shift_left3A_358 : vector<16xi32> -> vector<16xf32>
        %add3A_360 = arith.addf %add3A_330, %bitcast_convert_type3A_359 : vector<16xf32>
        %bitcast_convert_type3A_361 = tpu.bitcast %get3A_355 : vector<16xi32> -> vector<16xf32>
        %add3A_362 = arith.addf %add3A_332, %bitcast_convert_type3A_361 : vector<16xf32>
        %add3A_363 = arith.constant 64 : i32
        %add3A_364 = arith.addi %add3A_349, %add3A_363 : i32
        %get3A_365 = arith.constant 0 : i32
        %get3A_366 = arith.index_cast %get3A_365 : i32 to index
        %get3A_367 = arith.index_cast %add3A_364 : i32 to index
        %get3A_368 = arith.constant 0 : index
        %get3A_369 = tpu.vector_load %arg6[%get3A_366, %get3A_367, %get3A_368] {strides = array<i32>} : memref<2x3200x16xi32, #tpu.memory_space<vmem>>, vector<1x1x16xi32>,
        %get3A_370 = vector.shape_cast %get3A_369 : vector<1x1x16xi32> to vector<16xi32>
        %shift_left3A_371 = arith.constant 16 : i32
        %shift_left3A_372 = vector.broadcast %shift_left3A_371 : i32 to vector<16xi32>
        %shift_left3A_373 = arith.shli %get3A_370, %shift_left3A_372 : vector<16xi32>
        %bitcast_convert_type3A_374 = tpu.bitcast %shift_left3A_373 : vector<16xi32> -> vector<16xf32>
        %add3A_375 = arith.addf %add3A_345, %bitcast_convert_type3A_374 : vector<16xf32>
        %bitcast_convert_type3A_376 = tpu.bitcast %get3A_370 : vector<16xi32> -> vector<16xf32>
        %add3A_377 = arith.addf %add3A_347, %bitcast_convert_type3A_376 : vector<16xf32>
        %add3A_378 = arith.constant 768 : i32
        %add3A_379 = arith.addi %add3A_378, %scan3A_193 : i32
        %get3A_380 = arith.constant 0 : i32
        %get3A_381 = arith.index_cast %get3A_380 : i32 to index
        %get3A_382 = arith.index_cast %add3A_379 : i32 to index
        %get3A_383 = arith.constant 0 : index
        %get3A_384 = tpu.vector_load %arg6[%get3A_381, %get3A_382, %get3A_383] {strides = array<i32>} : memref<2x3200x16xi32, #tpu.memory_space<vmem>>, vector<1x1x16xi32>,
        %get3A_385 = vector.shape_cast %get3A_384 : vector<1x1x16xi32> to vector<16xi32>
        %shift_left3A_386 = arith.constant 16 : i32
        %shift_left3A_387 = vector.broadcast %shift_left3A_386 : i32 to vector<16xi32>
        %shift_left3A_388 = arith.shli %get3A_385, %shift_left3A_387 : vector<16xi32>
        %bitcast_convert_type3A_389 = tpu.bitcast %shift_left3A_388 : vector<16xi32> -> vector<16xf32>
        %add3A_390 = arith.addf %add3A_360, %bitcast_convert_type3A_389 : vector<16xf32>
        %bitcast_convert_type3A_391 = tpu.bitcast %get3A_385 : vector<16xi32> -> vector<16xf32>
        %add3A_392 = arith.addf %add3A_362, %bitcast_convert_type3A_391 : vector<16xf32>
        %add3A_393 = arith.constant 64 : i32
        %add3A_394 = arith.addi %add3A_379, %add3A_393 : i32
        %get3A_395 = arith.constant 0 : i32
        %get3A_396 = arith.index_cast %get3A_395 : i32 to index
        %get3A_397 = arith.index_cast %add3A_394 : i32 to index
        %get3A_398 = arith.constant 0 : index
        %get3A_399 = tpu.vector_load %arg6[%get3A_396, %get3A_397, %get3A_398] {strides = array<i32>} : memref<2x3200x16xi32, #tpu.memory_space<vmem>>, vector<1x1x16xi32>,
        %get3A_400 = vector.shape_cast %get3A_399 : vector<1x1x16xi32> to vector<16xi32>
        %shift_left3A_401 = arith.constant 16 : i32
        %shift_left3A_402 = vector.broadcast %shift_left3A_401 : i32 to vector<16xi32>
        %shift_left3A_403 = arith.shli %get3A_400, %shift_left3A_402 : vector<16xi32>
        %bitcast_convert_type3A_404 = tpu.bitcast %shift_left3A_403 : vector<16xi32> -> vector<16xf32>
        %add3A_405 = arith.addf %add3A_375, %bitcast_convert_type3A_404 : vector<16xf32>
        %bitcast_convert_type3A_406 = tpu.bitcast %get3A_400 : vector<16xi32> -> vector<16xf32>
        %add3A_407 = arith.addf %add3A_377, %bitcast_convert_type3A_406 : vector<16xf32>
        %add3A_408 = arith.constant 896 : i32
        %add3A_409 = arith.addi %add3A_408, %scan3A_193 : i32
        %get3A_410 = arith.constant 0 : i32
        %get3A_411 = arith.index_cast %get3A_410 : i32 to index
        %get3A_412 = arith.index_cast %add3A_409 : i32 to index
        %get3A_413 = arith.constant 0 : index
        %get3A_414 = tpu.vector_load %arg6[%get3A_411, %get3A_412, %get3A_413] {strides = array<i32>} : memref<2x3200x16xi32, #tpu.memory_space<vmem>>, vector<1x1x16xi32>,
        %get3A_415 = vector.shape_cast %get3A_414 : vector<1x1x16xi32> to vector<16xi32>
        %shift_left3A_416 = arith.constant 16 : i32
        %shift_left3A_417 = vector.broadcast %shift_left3A_416 : i32 to vector<16xi32>
        %shift_left3A_418 = arith.shli %get3A_415, %shift_left3A_417 : vector<16xi32>
        %bitcast_convert_type3A_419 = tpu.bitcast %shift_left3A_418 : vector<16xi32> -> vector<16xf32>
        %add3A_420 = arith.addf %add3A_390, %bitcast_convert_type3A_419 : vector<16xf32>
        %bitcast_convert_type3A_421 = tpu.bitcast %get3A_415 : vector<16xi32> -> vector<16xf32>
        %add3A_422 = arith.addf %add3A_392, %bitcast_convert_type3A_421 : vector<16xf32>
        %add3A_423 = arith.constant 64 : i32
        %add3A_424 = arith.addi %add3A_409, %add3A_423 : i32
        %get3A_425 = arith.constant 0 : i32
        %get3A_426 = arith.index_cast %get3A_425 : i32 to index
        %get3A_427 = arith.index_cast %add3A_424 : i32 to index
        %get3A_428 = arith.constant 0 : index
        %get3A_429 = tpu.vector_load %arg6[%get3A_426, %get3A_427, %get3A_428] {strides = array<i32>} : memref<2x3200x16xi32, #tpu.memory_space<vmem>>, vector<1x1x16xi32>,
        %get3A_430 = vector.shape_cast %get3A_429 : vector<1x1x16xi32> to vector<16xi32>
        %shift_left3A_431 = arith.constant 16 : i32
        %shift_left3A_432 = vector.broadcast %shift_left3A_431 : i32 to vector<16xi32>
        %shift_left3A_433 = arith.shli %get3A_430, %shift_left3A_432 : vector<16xi32>
        %bitcast_convert_type3A_434 = tpu.bitcast %shift_left3A_433 : vector<16xi32> -> vector<16xf32>
        %add3A_435 = arith.addf %add3A_405, %bitcast_convert_type3A_434 : vector<16xf32>
        %bitcast_convert_type3A_436 = tpu.bitcast %get3A_430 : vector<16xi32> -> vector<16xf32>
        %add3A_437 = arith.addf %add3A_407, %bitcast_convert_type3A_436 : vector<16xf32>
        %add3A_438 = arith.constant 1024 : i32
        %add3A_439 = arith.addi %add3A_438, %scan3A_193 : i32
        %get3A_440 = arith.constant 0 : i32
        %get3A_441 = arith.index_cast %get3A_440 : i32 to index
        %get3A_442 = arith.index_cast %add3A_439 : i32 to index
        %get3A_443 = arith.constant 0 : index
        %get3A_444 = tpu.vector_load %arg6[%get3A_441, %get3A_442, %get3A_443] {strides = array<i32>} : memref<2x3200x16xi32, #tpu.memory_space<vmem>>, vector<1x1x16xi32>,
        %get3A_445 = vector.shape_cast %get3A_444 : vector<1x1x16xi32> to vector<16xi32>
        %shift_left3A_446 = arith.constant 16 : i32
        %shift_left3A_447 = vector.broadcast %shift_left3A_446 : i32 to vector<16xi32>
        %shift_left3A_448 = arith.shli %get3A_445, %shift_left3A_447 : vector<16xi32>
        %bitcast_convert_type3A_449 = tpu.bitcast %shift_left3A_448 : vector<16xi32> -> vector<16xf32>
        %add3A_450 = arith.addf %add3A_420, %bitcast_convert_type3A_449 : vector<16xf32>
        %bitcast_convert_type3A_451 = tpu.bitcast %get3A_445 : vector<16xi32> -> vector<16xf32>
        %add3A_452 = arith.addf %add3A_422, %bitcast_convert_type3A_451 : vector<16xf32>
        %add3A_453 = arith.constant 64 : i32
        %add3A_454 = arith.addi %add3A_439, %add3A_453 : i32
        %get3A_455 = arith.constant 0 : i32
        %get3A_456 = arith.index_cast %get3A_455 : i32 to index
        %get3A_457 = arith.index_cast %add3A_454 : i32 to index
        %get3A_458 = arith.constant 0 : index
        %get3A_459 = tpu.vector_load %arg6[%get3A_456, %get3A_457, %get3A_458] {strides = array<i32>} : memref<2x3200x16xi32, #tpu.memory_space<vmem>>, vector<1x1x16xi32>,
        %get3A_460 = vector.shape_cast %get3A_459 : vector<1x1x16xi32> to vector<16xi32>
        %shift_left3A_461 = arith.constant 16 : i32
        %shift_left3A_462 = vector.broadcast %shift_left3A_461 : i32 to vector<16xi32>
        %shift_left3A_463 = arith.shli %get3A_460, %shift_left3A_462 : vector<16xi32>
        %bitcast_convert_type3A_464 = tpu.bitcast %shift_left3A_463 : vector<16xi32> -> vector<16xf32>
        %add3A_465 = arith.addf %add3A_435, %bitcast_convert_type3A_464 : vector<16xf32>
        %bitcast_convert_type3A_466 = tpu.bitcast %get3A_460 : vector<16xi32> -> vector<16xf32>
        %add3A_467 = arith.addf %add3A_437, %bitcast_convert_type3A_466 : vector<16xf32>
        %add3A_468 = arith.constant 1152 : i32
        %add3A_469 = arith.addi %add3A_468, %scan3A_193 : i32
        %get3A_470 = arith.constant 0 : i32
        %get3A_471 = arith.index_cast %get3A_470 : i32 to index
        %get3A_472 = arith.index_cast %add3A_469 : i32 to index
        %get3A_473 = arith.constant 0 : index
        %get3A_474 = tpu.vector_load %arg6[%get3A_471, %get3A_472, %get3A_473] {strides = array<i32>} : memref<2x3200x16xi32, #tpu.memory_space<vmem>>, vector<1x1x16xi32>,
        %get3A_475 = vector.shape_cast %get3A_474 : vector<1x1x16xi32> to vector<16xi32>
        %shift_left3A_476 = arith.constant 16 : i32
        %shift_left3A_477 = vector.broadcast %shift_left3A_476 : i32 to vector<16xi32>
        %shift_left3A_478 = arith.shli %get3A_475, %shift_left3A_477 : vector<16xi32>
        %bitcast_convert_type3A_479 = tpu.bitcast %shift_left3A_478 : vector<16xi32> -> vector<16xf32>
        %add3A_480 = arith.addf %add3A_450, %bitcast_convert_type3A_479 : vector<16xf32>
        %bitcast_convert_type3A_481 = tpu.bitcast %get3A_475 : vector<16xi32> -> vector<16xf32>
        %add3A_482 = arith.addf %add3A_452, %bitcast_convert_type3A_481 : vector<16xf32>
        %add3A_483 = arith.constant 64 : i32
        %add3A_484 = arith.addi %add3A_469, %add3A_483 : i32
        %get3A_485 = arith.constant 0 : i32
        %get3A_486 = arith.index_cast %get3A_485 : i32 to index
        %get3A_487 = arith.index_cast %add3A_484 : i32 to index
        %get3A_488 = arith.constant 0 : index
        %get3A_489 = tpu.vector_load %arg6[%get3A_486, %get3A_487, %get3A_488] {strides = array<i32>} : memref<2x3200x16xi32, #tpu.memory_space<vmem>>, vector<1x1x16xi32>,
        %get3A_490 = vector.shape_cast %get3A_489 : vector<1x1x16xi32> to vector<16xi32>
        %shift_left3A_491 = arith.constant 16 : i32
        %shift_left3A_492 = vector.broadcast %shift_left3A_491 : i32 to vector<16xi32>
        %shift_left3A_493 = arith.shli %get3A_490, %shift_left3A_492 : vector<16xi32>
        %bitcast_convert_type3A_494 = tpu.bitcast %shift_left3A_493 : vector<16xi32> -> vector<16xf32>
        %add3A_495 = arith.addf %add3A_465, %bitcast_convert_type3A_494 : vector<16xf32>
        %bitcast_convert_type3A_496 = tpu.bitcast %get3A_490 : vector<16xi32> -> vector<16xf32>
        %add3A_497 = arith.addf %add3A_467, %bitcast_convert_type3A_496 : vector<16xf32>
        %add3A_498 = arith.constant 1280 : i32
        %add3A_499 = arith.addi %add3A_498, %scan3A_193 : i32
        %get3A_500 = arith.constant 0 : i32
        %get3A_501 = arith.index_cast %get3A_500 : i32 to index
        %get3A_502 = arith.index_cast %add3A_499 : i32 to index
        %get3A_503 = arith.constant 0 : index
        %get3A_504 = tpu.vector_load %arg6[%get3A_501, %get3A_502, %get3A_503] {strides = array<i32>} : memref<2x3200x16xi32, #tpu.memory_space<vmem>>, vector<1x1x16xi32>,
        %get3A_505 = vector.shape_cast %get3A_504 : vector<1x1x16xi32> to vector<16xi32>
        %shift_left3A_506 = arith.constant 16 : i32
        %shift_left3A_507 = vector.broadcast %shift_left3A_506 : i32 to vector<16xi32>
        %shift_left3A_508 = arith.shli %get3A_505, %shift_left3A_507 : vector<16xi32>
        %bitcast_convert_type3A_509 = tpu.bitcast %shift_left3A_508 : vector<16xi32> -> vector<16xf32>
        %add3A_510 = arith.addf %add3A_480, %bitcast_convert_type3A_509 : vector<16xf32>
        %bitcast_convert_type3A_511 = tpu.bitcast %get3A_505 : vector<16xi32> -> vector<16xf32>
        %add3A_512 = arith.addf %add3A_482, %bitcast_convert_type3A_511 : vector<16xf32>
        %add3A_513 = arith.constant 64 : i32
        %add3A_514 = arith.addi %add3A_499, %add3A_513 : i32
        %get3A_515 = arith.constant 0 : i32
        %get3A_516 = arith.index_cast %get3A_515 : i32 to index
        %get3A_517 = arith.index_cast %add3A_514 : i32 to index
        %get3A_518 = arith.constant 0 : index
        %get3A_519 = tpu.vector_load %arg6[%get3A_516, %get3A_517, %get3A_518] {strides = array<i32>} : memref<2x3200x16xi32, #tpu.memory_space<vmem>>, vector<1x1x16xi32>,
        %get3A_520 = vector.shape_cast %get3A_519 : vector<1x1x16xi32> to vector<16xi32>
        %shift_left3A_521 = arith.constant 16 : i32
        %shift_left3A_522 = vector.broadcast %shift_left3A_521 : i32 to vector<16xi32>
        %shift_left3A_523 = arith.shli %get3A_520, %shift_left3A_522 : vector<16xi32>
        %bitcast_convert_type3A_524 = tpu.bitcast %shift_left3A_523 : vector<16xi32> -> vector<16xf32>
        %add3A_525 = arith.addf %add3A_495, %bitcast_convert_type3A_524 : vector<16xf32>
        %bitcast_convert_type3A_526 = tpu.bitcast %get3A_520 : vector<16xi32> -> vector<16xf32>
        %add3A_527 = arith.addf %add3A_497, %bitcast_convert_type3A_526 : vector<16xf32>
        %add3A_528 = arith.constant 1408 : i32
        %add3A_529 = arith.addi %add3A_528, %scan3A_193 : i32
        %get3A_530 = arith.constant 0 : i32
        %get3A_531 = arith.index_cast %get3A_530 : i32 to index
        %get3A_532 = arith.index_cast %add3A_529 : i32 to index
        %get3A_533 = arith.constant 0 : index
        %get3A_534 = tpu.vector_load %arg6[%get3A_531, %get3A_532, %get3A_533] {strides = array<i32>} : memref<2x3200x16xi32, #tpu.memory_space<vmem>>, vector<1x1x16xi32>,
        %get3A_535 = vector.shape_cast %get3A_534 : vector<1x1x16xi32> to vector<16xi32>
        %shift_left3A_536 = arith.constant 16 : i32
        %shift_left3A_537 = vector.broadcast %shift_left3A_536 : i32 to vector<16xi32>
        %shift_left3A_538 = arith.shli %get3A_535, %shift_left3A_537 : vector<16xi32>
        %bitcast_convert_type3A_539 = tpu.bitcast %shift_left3A_538 : vector<16xi32> -> vector<16xf32>
        %add3A_540 = arith.addf %add3A_510, %bitcast_convert_type3A_539 : vector<16xf32>
        %bitcast_convert_type3A_541 = tpu.bitcast %get3A_535 : vector<16xi32> -> vector<16xf32>
        %add3A_542 = arith.addf %add3A_512, %bitcast_convert_type3A_541 : vector<16xf32>
        %add3A_543 = arith.constant 64 : i32
        %add3A_544 = arith.addi %add3A_529, %add3A_543 : i32
        %get3A_545 = arith.constant 0 : i32
        %get3A_546 = arith.index_cast %get3A_545 : i32 to index
        %get3A_547 = arith.index_cast %add3A_544 : i32 to index
        %get3A_548 = arith.constant 0 : index
        %get3A_549 = tpu.vector_load %arg6[%get3A_546, %get3A_547, %get3A_548] {strides = array<i32>} : memref<2x3200x16xi32, #tpu.memory_space<vmem>>, vector<1x1x16xi32>,
        %get3A_550 = vector.shape_cast %get3A_549 : vector<1x1x16xi32> to vector<16xi32>
        %shift_left3A_551 = arith.constant 16 : i32
        %shift_left3A_552 = vector.broadcast %shift_left3A_551 : i32 to vector<16xi32>
        %shift_left3A_553 = arith.shli %get3A_550, %shift_left3A_552 : vector<16xi32>
        %bitcast_convert_type3A_554 = tpu.bitcast %shift_left3A_553 : vector<16xi32> -> vector<16xf32>
        %add3A_555 = arith.addf %add3A_525, %bitcast_convert_type3A_554 : vector<16xf32>
        %bitcast_convert_type3A_556 = tpu.bitcast %get3A_550 : vector<16xi32> -> vector<16xf32>
        %add3A_557 = arith.addf %add3A_527, %bitcast_convert_type3A_556 : vector<16xf32>
        %add3A_558 = arith.constant 1536 : i32
        %add3A_559 = arith.addi %add3A_558, %scan3A_193 : i32
        %get3A_560 = arith.constant 0 : i32
        %get3A_561 = arith.index_cast %get3A_560 : i32 to index
        %get3A_562 = arith.index_cast %add3A_559 : i32 to index
        %get3A_563 = arith.constant 0 : index
        %get3A_564 = tpu.vector_load %arg6[%get3A_561, %get3A_562, %get3A_563] {strides = array<i32>} : memref<2x3200x16xi32, #tpu.memory_space<vmem>>, vector<1x1x16xi32>,
        %get3A_565 = vector.shape_cast %get3A_564 : vector<1x1x16xi32> to vector<16xi32>
        %shift_left3A_566 = arith.constant 16 : i32
        %shift_left3A_567 = vector.broadcast %shift_left3A_566 : i32 to vector<16xi32>
        %shift_left3A_568 = arith.shli %get3A_565, %shift_left3A_567 : vector<16xi32>
        %bitcast_convert_type3A_569 = tpu.bitcast %shift_left3A_568 : vector<16xi32> -> vector<16xf32>
        %add3A_570 = arith.addf %add3A_540, %bitcast_convert_type3A_569 : vector<16xf32>
        %bitcast_convert_type3A_571 = tpu.bitcast %get3A_565 : vector<16xi32> -> vector<16xf32>
        %add3A_572 = arith.addf %add3A_542, %bitcast_convert_type3A_571 : vector<16xf32>
        %add3A_573 = arith.constant 64 : i32
        %add3A_574 = arith.addi %add3A_559, %add3A_573 : i32
        %get3A_575 = arith.constant 0 : i32
        %get3A_576 = arith.index_cast %get3A_575 : i32 to index
        %get3A_577 = arith.index_cast %add3A_574 : i32 to index
        %get3A_578 = arith.constant 0 : index
        %get3A_579 = tpu.vector_load %arg6[%get3A_576, %get3A_577, %get3A_578] {strides = array<i32>} : memref<2x3200x16xi32, #tpu.memory_space<vmem>>, vector<1x1x16xi32>,
        %get3A_580 = vector.shape_cast %get3A_579 : vector<1x1x16xi32> to vector<16xi32>
        %shift_left3A_581 = arith.constant 16 : i32
        %shift_left3A_582 = vector.broadcast %shift_left3A_581 : i32 to vector<16xi32>
        %shift_left3A_583 = arith.shli %get3A_580, %shift_left3A_582 : vector<16xi32>
        %bitcast_convert_type3A_584 = tpu.bitcast %shift_left3A_583 : vector<16xi32> -> vector<16xf32>
        %add3A_585 = arith.addf %add3A_555, %bitcast_convert_type3A_584 : vector<16xf32>
        %bitcast_convert_type3A_586 = tpu.bitcast %get3A_580 : vector<16xi32> -> vector<16xf32>
        %add3A_587 = arith.addf %add3A_557, %bitcast_convert_type3A_586 : vector<16xf32>
        %add3A_588 = arith.constant 1664 : i32
        %add3A_589 = arith.addi %add3A_588, %scan3A_193 : i32
        %get3A_590 = arith.constant 0 : i32
        %get3A_591 = arith.index_cast %get3A_590 : i32 to index
        %get3A_592 = arith.index_cast %add3A_589 : i32 to index
        %get3A_593 = arith.constant 0 : index
        %get3A_594 = tpu.vector_load %arg6[%get3A_591, %get3A_592, %get3A_593] {strides = array<i32>} : memref<2x3200x16xi32, #tpu.memory_space<vmem>>, vector<1x1x16xi32>,
        %get3A_595 = vector.shape_cast %get3A_594 : vector<1x1x16xi32> to vector<16xi32>
        %shift_left3A_596 = arith.constant 16 : i32
        %shift_left3A_597 = vector.broadcast %shift_left3A_596 : i32 to vector<16xi32>
        %shift_left3A_598 = arith.shli %get3A_595, %shift_left3A_597 : vector<16xi32>
        %bitcast_convert_type3A_599 = tpu.bitcast %shift_left3A_598 : vector<16xi32> -> vector<16xf32>
        %add3A_600 = arith.addf %add3A_570, %bitcast_convert_type3A_599 : vector<16xf32>
        %bitcast_convert_type3A_601 = tpu.bitcast %get3A_595 : vector<16xi32> -> vector<16xf32>
        %add3A_602 = arith.addf %add3A_572, %bitcast_convert_type3A_601 : vector<16xf32>
        %add3A_603 = arith.constant 64 : i32
        %add3A_604 = arith.addi %add3A_589, %add3A_603 : i32
        %get3A_605 = arith.constant 0 : i32
        %get3A_606 = arith.index_cast %get3A_605 : i32 to index
        %get3A_607 = arith.index_cast %add3A_604 : i32 to index
        %get3A_608 = arith.constant 0 : index
        %get3A_609 = tpu.vector_load %arg6[%get3A_606, %get3A_607, %get3A_608] {strides = array<i32>} : memref<2x3200x16xi32, #tpu.memory_space<vmem>>, vector<1x1x16xi32>,
        %get3A_610 = vector.shape_cast %get3A_609 : vector<1x1x16xi32> to vector<16xi32>
        %shift_left3A_611 = arith.constant 16 : i32
        %shift_left3A_612 = vector.broadcast %shift_left3A_611 : i32 to vector<16xi32>
        %shift_left3A_613 = arith.shli %get3A_610, %shift_left3A_612 : vector<16xi32>
        %bitcast_convert_type3A_614 = tpu.bitcast %shift_left3A_613 : vector<16xi32> -> vector<16xf32>
        %add3A_615 = arith.addf %add3A_585, %bitcast_convert_type3A_614 : vector<16xf32>
        %bitcast_convert_type3A_616 = tpu.bitcast %get3A_610 : vector<16xi32> -> vector<16xf32>
        %add3A_617 = arith.addf %add3A_587, %bitcast_convert_type3A_616 : vector<16xf32>
        %add3A_618 = arith.constant 1792 : i32
        %add3A_619 = arith.addi %add3A_618, %scan3A_193 : i32
        %get3A_620 = arith.constant 0 : i32
        %get3A_621 = arith.index_cast %get3A_620 : i32 to index
        %get3A_622 = arith.index_cast %add3A_619 : i32 to index
        %get3A_623 = arith.constant 0 : index
        %get3A_624 = tpu.vector_load %arg6[%get3A_621, %get3A_622, %get3A_623] {strides = array<i32>} : memref<2x3200x16xi32, #tpu.memory_space<vmem>>, vector<1x1x16xi32>,
        %get3A_625 = vector.shape_cast %get3A_624 : vector<1x1x16xi32> to vector<16xi32>
        %shift_left3A_626 = arith.constant 16 : i32
        %shift_left3A_627 = vector.broadcast %shift_left3A_626 : i32 to vector<16xi32>
        %shift_left3A_628 = arith.shli %get3A_625, %shift_left3A_627 : vector<16xi32>
        %bitcast_convert_type3A_629 = tpu.bitcast %shift_left3A_628 : vector<16xi32> -> vector<16xf32>
        %add3A_630 = arith.addf %add3A_600, %bitcast_convert_type3A_629 : vector<16xf32>
        %bitcast_convert_type3A_631 = tpu.bitcast %get3A_625 : vector<16xi32> -> vector<16xf32>
        %add3A_632 = arith.addf %add3A_602, %bitcast_convert_type3A_631 : vector<16xf32>
        %add3A_633 = arith.constant 64 : i32
        %add3A_634 = arith.addi %add3A_619, %add3A_633 : i32
        %get3A_635 = arith.constant 0 : i32
        %get3A_636 = arith.index_cast %get3A_635 : i32 to index
        %get3A_637 = arith.index_cast %add3A_634 : i32 to index
        %get3A_638 = arith.constant 0 : index
        %get3A_639 = tpu.vector_load %arg6[%get3A_636, %get3A_637, %get3A_638] {strides = array<i32>} : memref<2x3200x16xi32, #tpu.memory_space<vmem>>, vector<1x1x16xi32>,
        %get3A_640 = vector.shape_cast %get3A_639 : vector<1x1x16xi32> to vector<16xi32>
        %shift_left3A_641 = arith.constant 16 : i32
        %shift_left3A_642 = vector.broadcast %shift_left3A_641 : i32 to vector<16xi32>
        %shift_left3A_643 = arith.shli %get3A_640, %shift_left3A_642 : vector<16xi32>
        %bitcast_convert_type3A_644 = tpu.bitcast %shift_left3A_643 : vector<16xi32> -> vector<16xf32>
        %add3A_645 = arith.addf %add3A_615, %bitcast_convert_type3A_644 : vector<16xf32>
        %bitcast_convert_type3A_646 = tpu.bitcast %get3A_640 : vector<16xi32> -> vector<16xf32>
        %add3A_647 = arith.addf %add3A_617, %bitcast_convert_type3A_646 : vector<16xf32>
        %add3A_648 = arith.constant 1920 : i32
        %add3A_649 = arith.addi %add3A_648, %scan3A_193 : i32
        %get3A_650 = arith.constant 0 : i32
        %get3A_651 = arith.index_cast %get3A_650 : i32 to index
        %get3A_652 = arith.index_cast %add3A_649 : i32 to index
        %get3A_653 = arith.constant 0 : index
        %get3A_654 = tpu.vector_load %arg6[%get3A_651, %get3A_652, %get3A_653] {strides = array<i32>} : memref<2x3200x16xi32, #tpu.memory_space<vmem>>, vector<1x1x16xi32>,
        %get3A_655 = vector.shape_cast %get3A_654 : vector<1x1x16xi32> to vector<16xi32>
        %shift_left3A_656 = arith.constant 16 : i32
        %shift_left3A_657 = vector.broadcast %shift_left3A_656 : i32 to vector<16xi32>
        %shift_left3A_658 = arith.shli %get3A_655, %shift_left3A_657 : vector<16xi32>
        %bitcast_convert_type3A_659 = tpu.bitcast %shift_left3A_658 : vector<16xi32> -> vector<16xf32>
        %add3A_660 = arith.addf %add3A_630, %bitcast_convert_type3A_659 : vector<16xf32>
        %bitcast_convert_type3A_661 = tpu.bitcast %get3A_655 : vector<16xi32> -> vector<16xf32>
        %add3A_662 = arith.addf %add3A_632, %bitcast_convert_type3A_661 : vector<16xf32>
        %add3A_663 = arith.constant 64 : i32
        %add3A_664 = arith.addi %add3A_649, %add3A_663 : i32
        %get3A_665 = arith.constant 0 : i32
        %get3A_666 = arith.index_cast %get3A_665 : i32 to index
        %get3A_667 = arith.index_cast %add3A_664 : i32 to index
        %get3A_668 = arith.constant 0 : index
        %get3A_669 = tpu.vector_load %arg6[%get3A_666, %get3A_667, %get3A_668] {strides = array<i32>} : memref<2x3200x16xi32, #tpu.memory_space<vmem>>, vector<1x1x16xi32>,
        %get3A_670 = vector.shape_cast %get3A_669 : vector<1x1x16xi32> to vector<16xi32>
        %shift_left3A_671 = arith.constant 16 : i32
        %shift_left3A_672 = vector.broadcast %shift_left3A_671 : i32 to vector<16xi32>
        %shift_left3A_673 = arith.shli %get3A_670, %shift_left3A_672 : vector<16xi32>
        %bitcast_convert_type3A_674 = tpu.bitcast %shift_left3A_673 : vector<16xi32> -> vector<16xf32>
        %add3A_675 = arith.addf %add3A_645, %bitcast_convert_type3A_674 : vector<16xf32>
        %bitcast_convert_type3A_676 = tpu.bitcast %get3A_670 : vector<16xi32> -> vector<16xf32>
        %add3A_677 = arith.addf %add3A_647, %bitcast_convert_type3A_676 : vector<16xf32>
        %add3A_678 = arith.constant 2048 : i32
        %add3A_679 = arith.addi %add3A_678, %scan3A_193 : i32
        %get3A_680 = arith.constant 0 : i32
        %get3A_681 = arith.index_cast %get3A_680 : i32 to index
        %get3A_682 = arith.index_cast %add3A_679 : i32 to index
        %get3A_683 = arith.constant 0 : index
        %get3A_684 = tpu.vector_load %arg6[%get3A_681, %get3A_682, %get3A_683] {strides = array<i32>} : memref<2x3200x16xi32, #tpu.memory_space<vmem>>, vector<1x1x16xi32>,
        %get3A_685 = vector.shape_cast %get3A_684 : vector<1x1x16xi32> to vector<16xi32>
        %shift_left3A_686 = arith.constant 16 : i32
        %shift_left3A_687 = vector.broadcast %shift_left3A_686 : i32 to vector<16xi32>
        %shift_left3A_688 = arith.shli %get3A_685, %shift_left3A_687 : vector<16xi32>
        %bitcast_convert_type3A_689 = tpu.bitcast %shift_left3A_688 : vector<16xi32> -> vector<16xf32>
        %add3A_690 = arith.addf %add3A_660, %bitcast_convert_type3A_689 : vector<16xf32>
        %bitcast_convert_type3A_691 = tpu.bitcast %get3A_685 : vector<16xi32> -> vector<16xf32>
        %add3A_692 = arith.addf %add3A_662, %bitcast_convert_type3A_691 : vector<16xf32>
        %add3A_693 = arith.constant 64 : i32
        %add3A_694 = arith.addi %add3A_679, %add3A_693 : i32
        %get3A_695 = arith.constant 0 : i32
        %get3A_696 = arith.index_cast %get3A_695 : i32 to index
        %get3A_697 = arith.index_cast %add3A_694 : i32 to index
        %get3A_698 = arith.constant 0 : index
        %get3A_699 = tpu.vector_load %arg6[%get3A_696, %get3A_697, %get3A_698] {strides = array<i32>} : memref<2x3200x16xi32, #tpu.memory_space<vmem>>, vector<1x1x16xi32>,
        %get3A_700 = vector.shape_cast %get3A_699 : vector<1x1x16xi32> to vector<16xi32>
        %shift_left3A_701 = arith.constant 16 : i32
        %shift_left3A_702 = vector.broadcast %shift_left3A_701 : i32 to vector<16xi32>
        %shift_left3A_703 = arith.shli %get3A_700, %shift_left3A_702 : vector<16xi32>
        %bitcast_convert_type3A_704 = tpu.bitcast %shift_left3A_703 : vector<16xi32> -> vector<16xf32>
        %add3A_705 = arith.addf %add3A_675, %bitcast_convert_type3A_704 : vector<16xf32>
        %bitcast_convert_type3A_706 = tpu.bitcast %get3A_700 : vector<16xi32> -> vector<16xf32>
        %add3A_707 = arith.addf %add3A_677, %bitcast_convert_type3A_706 : vector<16xf32>
        %add3A_708 = arith.constant 2176 : i32
        %add3A_709 = arith.addi %add3A_708, %scan3A_193 : i32
        %get3A_710 = arith.constant 0 : i32
        %get3A_711 = arith.index_cast %get3A_710 : i32 to index
        %get3A_712 = arith.index_cast %add3A_709 : i32 to index
        %get3A_713 = arith.constant 0 : index
        %get3A_714 = tpu.vector_load %arg6[%get3A_711, %get3A_712, %get3A_713] {strides = array<i32>} : memref<2x3200x16xi32, #tpu.memory_space<vmem>>, vector<1x1x16xi32>,
        %get3A_715 = vector.shape_cast %get3A_714 : vector<1x1x16xi32> to vector<16xi32>
        %shift_left3A_716 = arith.constant 16 : i32
        %shift_left3A_717 = vector.broadcast %shift_left3A_716 : i32 to vector<16xi32>
        %shift_left3A_718 = arith.shli %get3A_715, %shift_left3A_717 : vector<16xi32>
        %bitcast_convert_type3A_719 = tpu.bitcast %shift_left3A_718 : vector<16xi32> -> vector<16xf32>
        %add3A_720 = arith.addf %add3A_690, %bitcast_convert_type3A_719 : vector<16xf32>
        %bitcast_convert_type3A_721 = tpu.bitcast %get3A_715 : vector<16xi32> -> vector<16xf32>
        %add3A_722 = arith.addf %add3A_692, %bitcast_convert_type3A_721 : vector<16xf32>
        %add3A_723 = arith.constant 64 : i32
        %add3A_724 = arith.addi %add3A_709, %add3A_723 : i32
        %get3A_725 = arith.constant 0 : i32
        %get3A_726 = arith.index_cast %get3A_725 : i32 to index
        %get3A_727 = arith.index_cast %add3A_724 : i32 to index
        %get3A_728 = arith.constant 0 : index
        %get3A_729 = tpu.vector_load %arg6[%get3A_726, %get3A_727, %get3A_728] {strides = array<i32>} : memref<2x3200x16xi32, #tpu.memory_space<vmem>>, vector<1x1x16xi32>,
        %get3A_730 = vector.shape_cast %get3A_729 : vector<1x1x16xi32> to vector<16xi32>
        %shift_left3A_731 = arith.constant 16 : i32
        %shift_left3A_732 = vector.broadcast %shift_left3A_731 : i32 to vector<16xi32>
        %shift_left3A_733 = arith.shli %get3A_730, %shift_left3A_732 : vector<16xi32>
        %bitcast_convert_type3A_734 = tpu.bitcast %shift_left3A_733 : vector<16xi32> -> vector<16xf32>
        %add3A_735 = arith.addf %add3A_705, %bitcast_convert_type3A_734 : vector<16xf32>
        %bitcast_convert_type3A_736 = tpu.bitcast %get3A_730 : vector<16xi32> -> vector<16xf32>
        %add3A_737 = arith.addf %add3A_707, %bitcast_convert_type3A_736 : vector<16xf32>
        %add3A_738 = arith.constant 2304 : i32
        %add3A_739 = arith.addi %add3A_738, %scan3A_193 : i32
        %get3A_740 = arith.constant 0 : i32
        %get3A_741 = arith.index_cast %get3A_740 : i32 to index
        %get3A_742 = arith.index_cast %add3A_739 : i32 to index
        %get3A_743 = arith.constant 0 : index
        %get3A_744 = tpu.vector_load %arg6[%get3A_741, %get3A_742, %get3A_743] {strides = array<i32>} : memref<2x3200x16xi32, #tpu.memory_space<vmem>>, vector<1x1x16xi32>,
        %get3A_745 = vector.shape_cast %get3A_744 : vector<1x1x16xi32> to vector<16xi32>
        %shift_left3A_746 = arith.constant 16 : i32
        %shift_left3A_747 = vector.broadcast %shift_left3A_746 : i32 to vector<16xi32>
        %shift_left3A_748 = arith.shli %get3A_745, %shift_left3A_747 : vector<16xi32>
        %bitcast_convert_type3A_749 = tpu.bitcast %shift_left3A_748 : vector<16xi32> -> vector<16xf32>
        %add3A_750 = arith.addf %add3A_720, %bitcast_convert_type3A_749 : vector<16xf32>
        %bitcast_convert_type3A_751 = tpu.bitcast %get3A_745 : vector<16xi32> -> vector<16xf32>
        %add3A_752 = arith.addf %add3A_722, %bitcast_convert_type3A_751 : vector<16xf32>
        %add3A_753 = arith.constant 64 : i32
        %add3A_754 = arith.addi %add3A_739, %add3A_753 : i32
        %get3A_755 = arith.constant 0 : i32
        %get3A_756 = arith.index_cast %get3A_755 : i32 to index
        %get3A_757 = arith.index_cast %add3A_754 : i32 to index
        %get3A_758 = arith.constant 0 : index
        %get3A_759 = tpu.vector_load %arg6[%get3A_756, %get3A_757, %get3A_758] {strides = array<i32>} : memref<2x3200x16xi32, #tpu.memory_space<vmem>>, vector<1x1x16xi32>,
        %get3A_760 = vector.shape_cast %get3A_759 : vector<1x1x16xi32> to vector<16xi32>
        %shift_left3A_761 = arith.constant 16 : i32
        %shift_left3A_762 = vector.broadcast %shift_left3A_761 : i32 to vector<16xi32>
        %shift_left3A_763 = arith.shli %get3A_760, %shift_left3A_762 : vector<16xi32>
        %bitcast_convert_type3A_764 = tpu.bitcast %shift_left3A_763 : vector<16xi32> -> vector<16xf32>
        %add3A_765 = arith.addf %add3A_735, %bitcast_convert_type3A_764 : vector<16xf32>
        %bitcast_convert_type3A_766 = tpu.bitcast %get3A_760 : vector<16xi32> -> vector<16xf32>
        %add3A_767 = arith.addf %add3A_737, %bitcast_convert_type3A_766 : vector<16xf32>
        %add3A_768 = arith.constant 2432 : i32
        %add3A_769 = arith.addi %add3A_768, %scan3A_193 : i32
        %get3A_770 = arith.constant 0 : i32
        %get3A_771 = arith.index_cast %get3A_770 : i32 to index
        %get3A_772 = arith.index_cast %add3A_769 : i32 to index
        %get3A_773 = arith.constant 0 : index
        %get3A_774 = tpu.vector_load %arg6[%get3A_771, %get3A_772, %get3A_773] {strides = array<i32>} : memref<2x3200x16xi32, #tpu.memory_space<vmem>>, vector<1x1x16xi32>,
        %get3A_775 = vector.shape_cast %get3A_774 : vector<1x1x16xi32> to vector<16xi32>
        %shift_left3A_776 = arith.constant 16 : i32
        %shift_left3A_777 = vector.broadcast %shift_left3A_776 : i32 to vector<16xi32>
        %shift_left3A_778 = arith.shli %get3A_775, %shift_left3A_777 : vector<16xi32>
        %bitcast_convert_type3A_779 = tpu.bitcast %shift_left3A_778 : vector<16xi32> -> vector<16xf32>
        %add3A_780 = arith.addf %add3A_750, %bitcast_convert_type3A_779 : vector<16xf32>
        %bitcast_convert_type3A_781 = tpu.bitcast %get3A_775 : vector<16xi32> -> vector<16xf32>
        %add3A_782 = arith.addf %add3A_752, %bitcast_convert_type3A_781 : vector<16xf32>
        %add3A_783 = arith.constant 64 : i32
        %add3A_784 = arith.addi %add3A_769, %add3A_783 : i32
        %get3A_785 = arith.constant 0 : i32
        %get3A_786 = arith.index_cast %get3A_785 : i32 to index
        %get3A_787 = arith.index_cast %add3A_784 : i32 to index
        %get3A_788 = arith.constant 0 : index
        %get3A_789 = tpu.vector_load %arg6[%get3A_786, %get3A_787, %get3A_788] {strides = array<i32>} : memref<2x3200x16xi32, #tpu.memory_space<vmem>>, vector<1x1x16xi32>,
        %get3A_790 = vector.shape_cast %get3A_789 : vector<1x1x16xi32> to vector<16xi32>
        %shift_left3A_791 = arith.constant 16 : i32
        %shift_left3A_792 = vector.broadcast %shift_left3A_791 : i32 to vector<16xi32>
        %shift_left3A_793 = arith.shli %get3A_790, %shift_left3A_792 : vector<16xi32>
        %bitcast_convert_type3A_794 = tpu.bitcast %shift_left3A_793 : vector<16xi32> -> vector<16xf32>
        %add3A_795 = arith.addf %add3A_765, %bitcast_convert_type3A_794 : vector<16xf32>
        %bitcast_convert_type3A_796 = tpu.bitcast %get3A_790 : vector<16xi32> -> vector<16xf32>
        %add3A_797 = arith.addf %add3A_767, %bitcast_convert_type3A_796 : vector<16xf32>
        %add3A_798 = arith.constant 2560 : i32
        %add3A_799 = arith.addi %add3A_798, %scan3A_193 : i32
        %get3A_800 = arith.constant 0 : i32
        %get3A_801 = arith.index_cast %get3A_800 : i32 to index
        %get3A_802 = arith.index_cast %add3A_799 : i32 to index
        %get3A_803 = arith.constant 0 : index
        %get3A_804 = tpu.vector_load %arg6[%get3A_801, %get3A_802, %get3A_803] {strides = array<i32>} : memref<2x3200x16xi32, #tpu.memory_space<vmem>>, vector<1x1x16xi32>,
        %get3A_805 = vector.shape_cast %get3A_804 : vector<1x1x16xi32> to vector<16xi32>
        %shift_left3A_806 = arith.constant 16 : i32
        %shift_left3A_807 = vector.broadcast %shift_left3A_806 : i32 to vector<16xi32>
        %shift_left3A_808 = arith.shli %get3A_805, %shift_left3A_807 : vector<16xi32>
        %bitcast_convert_type3A_809 = tpu.bitcast %shift_left3A_808 : vector<16xi32> -> vector<16xf32>
        %add3A_810 = arith.addf %add3A_780, %bitcast_convert_type3A_809 : vector<16xf32>
        %bitcast_convert_type3A_811 = tpu.bitcast %get3A_805 : vector<16xi32> -> vector<16xf32>
        %add3A_812 = arith.addf %add3A_782, %bitcast_convert_type3A_811 : vector<16xf32>
        %add3A_813 = arith.constant 64 : i32
        %add3A_814 = arith.addi %add3A_799, %add3A_813 : i32
        %get3A_815 = arith.constant 0 : i32
        %get3A_816 = arith.index_cast %get3A_815 : i32 to index
        %get3A_817 = arith.index_cast %add3A_814 : i32 to index
        %get3A_818 = arith.constant 0 : index
        %get3A_819 = tpu.vector_load %arg6[%get3A_816, %get3A_817, %get3A_818] {strides = array<i32>} : memref<2x3200x16xi32, #tpu.memory_space<vmem>>, vector<1x1x16xi32>,
        %get3A_820 = vector.shape_cast %get3A_819 : vector<1x1x16xi32> to vector<16xi32>
        %shift_left3A_821 = arith.constant 16 : i32
        %shift_left3A_822 = vector.broadcast %shift_left3A_821 : i32 to vector<16xi32>
        %shift_left3A_823 = arith.shli %get3A_820, %shift_left3A_822 : vector<16xi32>
        %bitcast_convert_type3A_824 = tpu.bitcast %shift_left3A_823 : vector<16xi32> -> vector<16xf32>
        %add3A_825 = arith.addf %add3A_795, %bitcast_convert_type3A_824 : vector<16xf32>
        %bitcast_convert_type3A_826 = tpu.bitcast %get3A_820 : vector<16xi32> -> vector<16xf32>
        %add3A_827 = arith.addf %add3A_797, %bitcast_convert_type3A_826 : vector<16xf32>
        %add3A_828 = arith.constant 2688 : i32
        %add3A_829 = arith.addi %add3A_828, %scan3A_193 : i32
        %get3A_830 = arith.constant 0 : i32
        %get3A_831 = arith.index_cast %get3A_830 : i32 to index
        %get3A_832 = arith.index_cast %add3A_829 : i32 to index
        %get3A_833 = arith.constant 0 : index
        %get3A_834 = tpu.vector_load %arg6[%get3A_831, %get3A_832, %get3A_833] {strides = array<i32>} : memref<2x3200x16xi32, #tpu.memory_space<vmem>>, vector<1x1x16xi32>,
        %get3A_835 = vector.shape_cast %get3A_834 : vector<1x1x16xi32> to vector<16xi32>
        %shift_left3A_836 = arith.constant 16 : i32
        %shift_left3A_837 = vector.broadcast %shift_left3A_836 : i32 to vector<16xi32>
        %shift_left3A_838 = arith.shli %get3A_835, %shift_left3A_837 : vector<16xi32>
        %bitcast_convert_type3A_839 = tpu.bitcast %shift_left3A_838 : vector<16xi32> -> vector<16xf32>
        %add3A_840 = arith.addf %add3A_810, %bitcast_convert_type3A_839 : vector<16xf32>
        %bitcast_convert_type3A_841 = tpu.bitcast %get3A_835 : vector<16xi32> -> vector<16xf32>
        %add3A_842 = arith.addf %add3A_812, %bitcast_convert_type3A_841 : vector<16xf32>
        %add3A_843 = arith.constant 64 : i32
        %add3A_844 = arith.addi %add3A_829, %add3A_843 : i32
        %get3A_845 = arith.constant 0 : i32
        %get3A_846 = arith.index_cast %get3A_845 : i32 to index
        %get3A_847 = arith.index_cast %add3A_844 : i32 to index
        %get3A_848 = arith.constant 0 : index
        %get3A_849 = tpu.vector_load %arg6[%get3A_846, %get3A_847, %get3A_848] {strides = array<i32>} : memref<2x3200x16xi32, #tpu.memory_space<vmem>>, vector<1x1x16xi32>,
        %get3A_850 = vector.shape_cast %get3A_849 : vector<1x1x16xi32> to vector<16xi32>
        %shift_left3A_851 = arith.constant 16 : i32
        %shift_left3A_852 = vector.broadcast %shift_left3A_851 : i32 to vector<16xi32>
        %shift_left3A_853 = arith.shli %get3A_850, %shift_left3A_852 : vector<16xi32>
        %bitcast_convert_type3A_854 = tpu.bitcast %shift_left3A_853 : vector<16xi32> -> vector<16xf32>
        %add3A_855 = arith.addf %add3A_825, %bitcast_convert_type3A_854 : vector<16xf32>
        %bitcast_convert_type3A_856 = tpu.bitcast %get3A_850 : vector<16xi32> -> vector<16xf32>
        %add3A_857 = arith.addf %add3A_827, %bitcast_convert_type3A_856 : vector<16xf32>
        %add3A_858 = arith.constant 2816 : i32
        %add3A_859 = arith.addi %add3A_858, %scan3A_193 : i32
        %get3A_860 = arith.constant 0 : i32
        %get3A_861 = arith.index_cast %get3A_860 : i32 to index
        %get3A_862 = arith.index_cast %add3A_859 : i32 to index
        %get3A_863 = arith.constant 0 : index
        %get3A_864 = tpu.vector_load %arg6[%get3A_861, %get3A_862, %get3A_863] {strides = array<i32>} : memref<2x3200x16xi32, #tpu.memory_space<vmem>>, vector<1x1x16xi32>,
        %get3A_865 = vector.shape_cast %get3A_864 : vector<1x1x16xi32> to vector<16xi32>
        %shift_left3A_866 = arith.constant 16 : i32
        %shift_left3A_867 = vector.broadcast %shift_left3A_866 : i32 to vector<16xi32>
        %shift_left3A_868 = arith.shli %get3A_865, %shift_left3A_867 : vector<16xi32>
        %bitcast_convert_type3A_869 = tpu.bitcast %shift_left3A_868 : vector<16xi32> -> vector<16xf32>
        %add3A_870 = arith.addf %add3A_840, %bitcast_convert_type3A_869 : vector<16xf32>
        %bitcast_convert_type3A_871 = tpu.bitcast %get3A_865 : vector<16xi32> -> vector<16xf32>
        %add3A_872 = arith.addf %add3A_842, %bitcast_convert_type3A_871 : vector<16xf32>
        %add3A_873 = arith.constant 64 : i32
        %add3A_874 = arith.addi %add3A_859, %add3A_873 : i32
        %get3A_875 = arith.constant 0 : i32
        %get3A_876 = arith.index_cast %get3A_875 : i32 to index
        %get3A_877 = arith.index_cast %add3A_874 : i32 to index
        %get3A_878 = arith.constant 0 : index
        %get3A_879 = tpu.vector_load %arg6[%get3A_876, %get3A_877, %get3A_878] {strides = array<i32>} : memref<2x3200x16xi32, #tpu.memory_space<vmem>>, vector<1x1x16xi32>,
        %get3A_880 = vector.shape_cast %get3A_879 : vector<1x1x16xi32> to vector<16xi32>
        %shift_left3A_881 = arith.constant 16 : i32
        %shift_left3A_882 = vector.broadcast %shift_left3A_881 : i32 to vector<16xi32>
        %shift_left3A_883 = arith.shli %get3A_880, %shift_left3A_882 : vector<16xi32>
        %bitcast_convert_type3A_884 = tpu.bitcast %shift_left3A_883 : vector<16xi32> -> vector<16xf32>
        %add3A_885 = arith.addf %add3A_855, %bitcast_convert_type3A_884 : vector<16xf32>
        %bitcast_convert_type3A_886 = tpu.bitcast %get3A_880 : vector<16xi32> -> vector<16xf32>
        %add3A_887 = arith.addf %add3A_857, %bitcast_convert_type3A_886 : vector<16xf32>
        %add3A_888 = arith.constant 2944 : i32
        %add3A_889 = arith.addi %add3A_888, %scan3A_193 : i32
        %get3A_890 = arith.constant 0 : i32
        %get3A_891 = arith.index_cast %get3A_890 : i32 to index
        %get3A_892 = arith.index_cast %add3A_889 : i32 to index
        %get3A_893 = arith.constant 0 : index
        %get3A_894 = tpu.vector_load %arg6[%get3A_891, %get3A_892, %get3A_893] {strides = array<i32>} : memref<2x3200x16xi32, #tpu.memory_space<vmem>>, vector<1x1x16xi32>,
        %get3A_895 = vector.shape_cast %get3A_894 : vector<1x1x16xi32> to vector<16xi32>
        %shift_left3A_896 = arith.constant 16 : i32
        %shift_left3A_897 = vector.broadcast %shift_left3A_896 : i32 to vector<16xi32>
        %shift_left3A_898 = arith.shli %get3A_895, %shift_left3A_897 : vector<16xi32>
        %bitcast_convert_type3A_899 = tpu.bitcast %shift_left3A_898 : vector<16xi32> -> vector<16xf32>
        %add3A_900 = arith.addf %add3A_870, %bitcast_convert_type3A_899 : vector<16xf32>
        %bitcast_convert_type3A_901 = tpu.bitcast %get3A_895 : vector<16xi32> -> vector<16xf32>
        %add3A_902 = arith.addf %add3A_872, %bitcast_convert_type3A_901 : vector<16xf32>
        %add3A_903 = arith.constant 64 : i32
        %add3A_904 = arith.addi %add3A_889, %add3A_903 : i32
        %get3A_905 = arith.constant 0 : i32
        %get3A_906 = arith.index_cast %get3A_905 : i32 to index
        %get3A_907 = arith.index_cast %add3A_904 : i32 to index
        %get3A_908 = arith.constant 0 : index
        %get3A_909 = tpu.vector_load %arg6[%get3A_906, %get3A_907, %get3A_908] {strides = array<i32>} : memref<2x3200x16xi32, #tpu.memory_space<vmem>>, vector<1x1x16xi32>,
        %get3A_910 = vector.shape_cast %get3A_909 : vector<1x1x16xi32> to vector<16xi32>
        %shift_left3A_911 = arith.constant 16 : i32
        %shift_left3A_912 = vector.broadcast %shift_left3A_911 : i32 to vector<16xi32>
        %shift_left3A_913 = arith.shli %get3A_910, %shift_left3A_912 : vector<16xi32>
        %bitcast_convert_type3A_914 = tpu.bitcast %shift_left3A_913 : vector<16xi32> -> vector<16xf32>
        %add3A_915 = arith.addf %add3A_885, %bitcast_convert_type3A_914 : vector<16xf32>
        %bitcast_convert_type3A_916 = tpu.bitcast %get3A_910 : vector<16xi32> -> vector<16xf32>
        %add3A_917 = arith.addf %add3A_887, %bitcast_convert_type3A_916 : vector<16xf32>
        %add3A_918 = arith.constant 3072 : i32
        %add3A_919 = arith.addi %add3A_918, %scan3A_193 : i32
        %get3A_920 = arith.constant 0 : i32
        %get3A_921 = arith.index_cast %get3A_920 : i32 to index
        %get3A_922 = arith.index_cast %add3A_919 : i32 to index
        %get3A_923 = arith.constant 0 : index
        %get3A_924 = tpu.vector_load %arg6[%get3A_921, %get3A_922, %get3A_923] {strides = array<i32>} : memref<2x3200x16xi32, #tpu.memory_space<vmem>>, vector<1x1x16xi32>,
        %get3A_925 = vector.shape_cast %get3A_924 : vector<1x1x16xi32> to vector<16xi32>
        %shift_left3A_926 = arith.constant 16 : i32
        %shift_left3A_927 = vector.broadcast %shift_left3A_926 : i32 to vector<16xi32>
        %shift_left3A_928 = arith.shli %get3A_925, %shift_left3A_927 : vector<16xi32>
        %bitcast_convert_type3A_929 = tpu.bitcast %shift_left3A_928 : vector<16xi32> -> vector<16xf32>
        %add3A_930 = arith.addf %add3A_900, %bitcast_convert_type3A_929 : vector<16xf32>
        %bitcast_convert_type3A_931 = tpu.bitcast %get3A_925 : vector<16xi32> -> vector<16xf32>
        %add3A_932 = arith.addf %add3A_902, %bitcast_convert_type3A_931 : vector<16xf32>
        %add3A_933 = arith.constant 64 : i32
        %add3A_934 = arith.addi %add3A_919, %add3A_933 : i32
        %get3A_935 = arith.constant 0 : i32
        %get3A_936 = arith.index_cast %get3A_935 : i32 to index
        %get3A_937 = arith.index_cast %add3A_934 : i32 to index
        %get3A_938 = arith.constant 0 : index
        %get3A_939 = tpu.vector_load %arg6[%get3A_936, %get3A_937, %get3A_938] {strides = array<i32>} : memref<2x3200x16xi32, #tpu.memory_space<vmem>>, vector<1x1x16xi32>,
        %get3A_940 = vector.shape_cast %get3A_939 : vector<1x1x16xi32> to vector<16xi32>
        %shift_left3A_941 = arith.constant 16 : i32
        %shift_left3A_942 = vector.broadcast %shift_left3A_941 : i32 to vector<16xi32>
        %shift_left3A_943 = arith.shli %get3A_940, %shift_left3A_942 : vector<16xi32>
        %bitcast_convert_type3A_944 = tpu.bitcast %shift_left3A_943 : vector<16xi32> -> vector<16xf32>
        %add3A_945 = arith.addf %add3A_915, %bitcast_convert_type3A_944 : vector<16xf32>
        %bitcast_convert_type3A_946 = tpu.bitcast %get3A_940 : vector<16xi32> -> vector<16xf32>
        %add3A_947 = arith.addf %add3A_917, %bitcast_convert_type3A_946 : vector<16xf32>
        %add3A_948 = arith.addf %add3A_930, %add3A_945 : vector<16xf32>
        %mul3A_949 = arith.constant 2.000000e-02 : f32
        %mul3A_950 = vector.broadcast %mul3A_949 : f32 to vector<16xf32>
        %mul3A_951 = arith.mulf %add3A_948, %mul3A_950 : vector<16xf32>
        %swap3A = arith.constant 0 : i32
        %swap3A_952 = arith.index_cast %swap3A : i32 to index
        %swap3A_953 = arith.index_cast %scan3A_193 : i32 to index
        %swap3A_954 = arith.constant 0 : index
        %swap3A_955 = tpu.vector_load %arg7[%swap3A_952, %swap3A_953, %swap3A_954] {strides = array<i32>} : memref<2x64x32xf32, #tpu.memory_space<vmem>>, vector<1x1x16xf32>,
        %swap3A_956 = vector.shape_cast %swap3A_955 : vector<1x1x16xf32> to vector<16xf32>
        %swap3A_957 = vector.shape_cast %mul3A_951 : vector<16xf32> to vector<1x1x16xf32>
        tpu.vector_store %arg7[%swap3A_952, %swap3A_953, %swap3A_954], %swap3A_957 {strides = array<i32>} : memref<2x64x32xf32, #tpu.memory_space<vmem>>, vector<1x1x16xf32>,
        %add3A_958 = arith.addf %add3A_932, %add3A_947 : vector<16xf32>
        %mul3A_959 = arith.constant 2.000000e-02 : f32
        %mul3A_960 = vector.broadcast %mul3A_959 : f32 to vector<16xf32>
        %mul3A_961 = arith.mulf %add3A_958, %mul3A_960 : vector<16xf32>
        %swap3A_962 = arith.constant 0 : i32
        %swap3A_963 = arith.index_cast %swap3A_962 : i32 to index
        %swap3A_964 = arith.index_cast %scan3A_193 : i32 to index
        %swap3A_965 = arith.constant 16 : index
        %swap3A_966 = tpu.vector_load %arg7[%swap3A_963, %swap3A_964, %swap3A_965] {strides = array<i32>} : memref<2x64x32xf32, #tpu.memory_space<vmem>>, vector<1x1x16xf32>,
        %swap3A_967 = vector.shape_cast %swap3A_966 : vector<1x1x16xf32> to vector<16xf32>
        %swap3A_968 = vector.shape_cast %mul3A_961 : vector<16xf32> to vector<1x1x16xf32>
        tpu.vector_store %arg7[%swap3A_963, %swap3A_964, %swap3A_965], %swap3A_968 {strides = array<i32>} : memref<2x64x32xf32, #tpu.memory_space<vmem>>, vector<1x1x16xf32>,
      }
      %scan3A_125 = arith.constant 64 : i32
      %dma_start3A_126 = arith.constant 0 : i32
      %dma_start3A_127 = arith.constant 0 : i32
      %dma_start3A_128 = arith.constant 0 : i32
      %dma_start3A_129 = tpu.memref_slice %arg7[%dma_start3A_126, %dma_start3A_127, %dma_start3A_128] : memref<2x64x32xf32, #tpu.memory_space<vmem>> -> memref<1x64x32xf32, #tpu.memory_space<vmem>>
      %dma_start3A_130 = tpu.memref_squeeze %dma_start3A_129 : memref<1x64x32xf32, #tpu.memory_space<vmem>> -> memref<64x32xf32, #tpu.memory_space<vmem>>
      %dma_start3A_131 = arith.constant 0 : i32
      %dma_start3A_132 = arith.constant 0 : i32
      %dma_start3A_133 = tpu.memref_slice %arg4[%add3A_70, %dma_start3A_131, %dma_start3A_132] : memref<1024x64x32xf32, #tpu.memory_space<hbm>> -> memref<1x64x32xf32, #tpu.memory_space<hbm>>
      %dma_start3A_134 = tpu.memref_squeeze %dma_start3A_133 : memref<1x64x32xf32, #tpu.memory_space<hbm>> -> memref<64x32xf32, #tpu.memory_space<hbm>>
      %dma_start3A_135 = arith.constant 0 : i32
      %dma_start3A_136 = arith.constant 0 : i32
      %dma_start3A_137 = tpu.memref_slice %arg4[%add3A_70, %dma_start3A_135, %dma_start3A_136] : memref<1024x64x32xf32, #tpu.memory_space<hbm>> -> memref<1x64x32xf32, #tpu.memory_space<hbm>>
      %dma_start3A_138 = tpu.memref_squeeze %dma_start3A_137 : memref<1x64x32xf32, #tpu.memory_space<hbm>> -> memref<64x32xf32, #tpu.memory_space<hbm>>
      %dma_start3A_139 = arith.constant 0 : i32
      %dma_start3A_140 = arith.constant 0 : i32
      %dma_start3A_141 = tpu.memref_slice %arg7[%dma_start3A_126, %dma_start3A_139, %dma_start3A_140] : memref<2x64x32xf32, #tpu.memory_space<vmem>> -> memref<1x64x32xf32, #tpu.memory_space<vmem>>
      %dma_start3A_142 = tpu.memref_squeeze %dma_start3A_141 : memref<1x64x32xf32, #tpu.memory_space<vmem>> -> memref<64x32xf32, #tpu.memory_space<vmem>>
      tpu.enqueue_dma source(%dma_start3A_142 : memref<64x32xf32, #tpu.memory_space<vmem>>) target(%dma_start3A_138 : memref<64x32xf32, #tpu.memory_space<hbm>>) target_semaphore(%arg10 : memref<!tpu.dma_semaphore, #tpu.memory_space<semaphore_mem>>)
      %dma_wait3A_143 = arith.constant 1 : i32
      %dma_wait3A_144 = arith.constant 0 : i32
      %dma_wait3A_145 = arith.constant 0 : i32
      %dma_wait3A_146 = tpu.memref_slice %arg6[%dma_wait3A_143, %dma_wait3A_144, %dma_wait3A_145] : memref<2x3200x16xi32, #tpu.memory_space<vmem>> -> memref<1x3200x16xi32, #tpu.memory_space<vmem>>
      %dma_wait3A_147 = tpu.memref_squeeze %dma_wait3A_146 : memref<1x3200x16xi32, #tpu.memory_space<vmem>> -> memref<3200x16xi32, #tpu.memory_space<vmem>>
      %dma_wait3A_148 = arith.constant 0 : i32
      %dma_wait3A_149 = arith.constant 0 : i32
      %dma_wait3A_150 = tpu.memref_slice %arg2[%dma_wait3A_148, %dma_wait3A_149] : memref<100000x16xi32, #tpu.memory_space<hbm>> -> memref<3200x16xi32, #tpu.memory_space<hbm>>
      %dma_wait3A_151 = arith.constant 0 : i32
      %dma_wait3A_152 = arith.constant 0 : i32
      %dma_wait3A_153 = tpu.memref_slice %arg6[%dma_wait3A_143, %dma_wait3A_151, %dma_wait3A_152] : memref<2x3200x16xi32, #tpu.memory_space<vmem>> -> memref<1x3200x16xi32, #tpu.memory_space<vmem>>
      %dma_wait3A_154 = tpu.memref_squeeze %dma_wait3A_153 : memref<1x3200x16xi32, #tpu.memory_space<vmem>> -> memref<3200x16xi32, #tpu.memory_space<vmem>>
      %dma_wait3A_155 = arith.constant 0 : i32
      %dma_wait3A_156 = arith.constant 0 : i32
      %dma_wait3A_157 = tpu.memref_slice %arg2[%dma_wait3A_155, %dma_wait3A_156] : memref<100000x16xi32, #tpu.memory_space<hbm>> -> memref<3200x16xi32, #tpu.memory_space<hbm>>
      tpu.wait_dma2 semaphore(%arg8 : memref<!tpu.dma_semaphore, #tpu.memory_space<semaphore_mem>>) src(%dma_wait3A_157 : memref<3200x16xi32, #tpu.memory_space<hbm>>) dst(%dma_wait3A_154 : memref<3200x16xi32, #tpu.memory_space<vmem>>)
      %lt3A_158 = arith.constant 15 : i32
      %lt3A_159 = arith.cmpi slt, %scan3A_67, %lt3A_158 : i32
      %convert_element_type3A_160 = arith.extui %lt3A_159 : i1 to i32
      %cond3A_161 = arith.constant 0 : i32
      %cond3A_162 = arith.cmpi ne, %convert_element_type3A_160, %cond3A_161 : i32
      scf.if %cond3A_162 {
        %dma_wait3A_193 = arith.constant 0 : i32
        %dma_wait3A_194 = arith.constant 0 : i32
        %dma_wait3A_195 = arith.constant 0 : i32
        %dma_wait3A_196 = tpu.memref_slice %arg5[%dma_wait3A_194, %dma_wait3A_195] : memref<2x3200xi32, #tpu.memory_space<vmem>> -> memref<1x3200xi32, #tpu.memory_space<vmem>>
        %dma_wait3A_197 = tpu.memref_squeeze %dma_wait3A_196 : memref<1x3200xi32, #tpu.memory_space<vmem>> -> memref<3200xi32, #tpu.memory_space<vmem>>
        %dma_wait3A_198 = arith.constant 0 : i32
        %dma_wait3A_199 = tpu.memref_slice %arg3[%dma_wait3A_193, %dma_wait3A_198] : memref<1024x3200xi32, #tpu.memory_space<hbm>> -> memref<1x3200xi32, #tpu.memory_space<hbm>>
        %dma_wait3A_200 = tpu.memref_squeeze %dma_wait3A_199 : memref<1x3200xi32, #tpu.memory_space<hbm>> -> memref<3200xi32, #tpu.memory_space<hbm>>
        %dma_wait3A_201 = arith.constant 0 : i32
        %dma_wait3A_202 = tpu.memref_slice %arg5[%dma_wait3A_194, %dma_wait3A_201] : memref<2x3200xi32, #tpu.memory_space<vmem>> -> memref<1x3200xi32, #tpu.memory_space<vmem>>
        %dma_wait3A_203 = tpu.memref_squeeze %dma_wait3A_202 : memref<1x3200xi32, #tpu.memory_space<vmem>> -> memref<3200xi32, #tpu.memory_space<vmem>>
        %dma_wait3A_204 = arith.constant 0 : i32
        %dma_wait3A_205 = tpu.memref_slice %arg3[%dma_wait3A_193, %dma_wait3A_204] : memref<1024x3200xi32, #tpu.memory_space<hbm>> -> memref<1x3200xi32, #tpu.memory_space<hbm>>
        %dma_wait3A_206 = tpu.memref_squeeze %dma_wait3A_205 : memref<1x3200xi32, #tpu.memory_space<hbm>> -> memref<3200xi32, #tpu.memory_space<hbm>>
        tpu.wait_dma2 semaphore(%arg9 : memref<!tpu.dma_semaphore, #tpu.memory_space<semaphore_mem>>) src(%dma_wait3A_206 : memref<3200xi32, #tpu.memory_space<hbm>>) dst(%dma_wait3A_203 : memref<3200xi32, #tpu.memory_space<vmem>>)
        %add3A_207 = arith.constant 2 : i32
        %add3A_208 = arith.addi %add3A_70, %add3A_207 : i32
        %dma_start3A_209 = arith.constant 0 : i32
        %dma_start3A_210 = arith.constant 0 : i32
        %dma_start3A_211 = arith.constant 0 : i32
        %dma_start3A_212 = arith.constant 0 : i32
        %dma_start3A_213 = tpu.memref_slice %arg6[%dma_start3A_210, %dma_start3A_211, %dma_start3A_212] : memref<2x3200x16xi32, #tpu.memory_space<vmem>> -> memref<1x3200x16xi32, #tpu.memory_space<vmem>>
        %dma_start3A_214 = tpu.memref_squeeze %dma_start3A_213 : memref<1x3200x16xi32, #tpu.memory_space<vmem>> -> memref<3200x16xi32, #tpu.memory_space<vmem>>
        %dma_start3A_215 = arith.constant 0 : i32
        %dma_start3A_216 = tpu.memref_slice %arg5[%dma_start3A_209, %dma_start3A_215] : memref<2x3200xi32, #tpu.memory_space<vmem>> -> memref<1x3200xi32, #tpu.memory_space<vmem>>
        %dma_start3A_217 = tpu.memref_squeeze %dma_start3A_216 : memref<1x3200xi32, #tpu.memory_space<vmem>> -> memref<3200xi32, #tpu.memory_space<vmem>>
        %dma_start3A_218 = arith.constant 0 : i32
        %dma_start3A_219 = arith.constant 0 : i32
        %dma_start3A_220 = tpu.memref_slice %arg2[%dma_start3A_218, %dma_start3A_219] : memref<100000x16xi32, #tpu.memory_space<hbm>> -> memref<100000x16xi32, #tpu.memory_space<hbm>>
        tpu.enqueue_indirect_dma source(%dma_start3A_220 : memref<100000x16xi32, #tpu.memory_space<hbm>>) target(%dma_start3A_214 : memref<3200x16xi32, #tpu.memory_space<vmem>>) offsets(%dma_start3A_217 : memref<3200xi32, #tpu.memory_space<vmem>>) semaphore(%arg8 : memref<!tpu.dma_semaphore, #tpu.memory_space<semaphore_mem>>)
        %add3A_221 = arith.constant 3 : i32
        %add3A_222 = arith.addi %add3A_70, %add3A_221 : i32
        %dma_start3A_223 = arith.constant 1 : i32
        %dma_start3A_224 = arith.constant 0 : i32
        %dma_start3A_225 = tpu.memref_slice %arg5[%dma_start3A_223, %dma_start3A_224] : memref<2x3200xi32, #tpu.memory_space<vmem>> -> memref<1x3200xi32, #tpu.memory_space<vmem>>
        %dma_start3A_226 = tpu.memref_squeeze %dma_start3A_225 : memref<1x3200xi32, #tpu.memory_space<vmem>> -> memref<3200xi32, #tpu.memory_space<vmem>>
        %dma_start3A_227 = arith.constant 0 : i32
        %dma_start3A_228 = tpu.memref_slice %arg3[%add3A_222, %dma_start3A_227] : memref<1024x3200xi32, #tpu.memory_space<hbm>> -> memref<1x3200xi32, #tpu.memory_space<hbm>>
        %dma_start3A_229 = tpu.memref_squeeze %dma_start3A_228 : memref<1x3200xi32, #tpu.memory_space<hbm>> -> memref<3200xi32, #tpu.memory_space<hbm>>
        %dma_start3A_230 = arith.constant 0 : i32
        %dma_start3A_231 = tpu.memref_slice %arg5[%dma_start3A_223, %dma_start3A_230] : memref<2x3200xi32, #tpu.memory_space<vmem>> -> memref<1x3200xi32, #tpu.memory_space<vmem>>
        %dma_start3A_232 = tpu.memref_squeeze %dma_start3A_231 : memref<1x3200xi32, #tpu.memory_space<vmem>> -> memref<3200xi32, #tpu.memory_space<vmem>>
        %dma_start3A_233 = arith.constant 0 : i32
        %dma_start3A_234 = tpu.memref_slice %arg3[%add3A_222, %dma_start3A_233] : memref<1024x3200xi32, #tpu.memory_space<hbm>> -> memref<1x3200xi32, #tpu.memory_space<hbm>>
        %dma_start3A_235 = tpu.memref_squeeze %dma_start3A_234 : memref<1x3200xi32, #tpu.memory_space<hbm>> -> memref<3200xi32, #tpu.memory_space<hbm>>
        tpu.enqueue_dma source(%dma_start3A_235 : memref<3200xi32, #tpu.memory_space<hbm>>) target(%dma_start3A_232 : memref<3200xi32, #tpu.memory_space<vmem>>) target_semaphore(%arg9 : memref<!tpu.dma_semaphore, #tpu.memory_space<semaphore_mem>>)
      } else {
      }
      %add3A_163 = arith.constant 1 : i32
      %add3A_164 = arith.addi %add3A_70, %add3A_163 : i32
      %gt3A_165 = arith.constant 0 : i32
      %gt3A_166 = arith.cmpi sgt, %scan3A_67, %gt3A_165 : i32
      %convert_element_type3A_167 = arith.extui %gt3A_166 : i1 to i32
      %cond3A_168 = arith.constant 0 : i32
      %cond3A_169 = arith.cmpi ne, %convert_element_type3A_167, %cond3A_168 : i32
      scf.if %cond3A_169 {
        %dma_wait3A_193 = arith.constant 1 : i32
        %dma_wait3A_194 = arith.constant 0 : i32
        %dma_wait3A_195 = arith.constant 0 : i32
        %dma_wait3A_196 = tpu.memref_slice %arg7[%dma_wait3A_193, %dma_wait3A_194, %dma_wait3A_195] : memref<2x64x32xf32, #tpu.memory_space<vmem>> -> memref<1x64x32xf32, #tpu.memory_space<vmem>>
        %dma_wait3A_197 = tpu.memref_squeeze %dma_wait3A_196 : memref<1x64x32xf32, #tpu.memory_space<vmem>> -> memref<64x32xf32, #tpu.memory_space<vmem>>
        %dma_wait3A_198 = arith.constant 0 : i32
        %dma_wait3A_199 = arith.constant 0 : i32
        %dma_wait3A_200 = tpu.memref_slice %arg4[%mul3A_2, %dma_wait3A_198, %dma_wait3A_199] : memref<1024x64x32xf32, #tpu.memory_space<hbm>> -> memref<1x64x32xf32, #tpu.memory_space<hbm>>
        %dma_wait3A_201 = tpu.memref_squeeze %dma_wait3A_200 : memref<1x64x32xf32, #tpu.memory_space<hbm>> -> memref<64x32xf32, #tpu.memory_space<hbm>>
        %dma_wait3A_202 = arith.constant 0 : i32
        %dma_wait3A_203 = arith.constant 0 : i32
        %dma_wait3A_204 = tpu.memref_slice %arg7[%dma_wait3A_193, %dma_wait3A_202, %dma_wait3A_203] : memref<2x64x32xf32, #tpu.memory_space<vmem>> -> memref<1x64x32xf32, #tpu.memory_space<vmem>>
        %dma_wait3A_205 = tpu.memref_squeeze %dma_wait3A_204 : memref<1x64x32xf32, #tpu.memory_space<vmem>> -> memref<64x32xf32, #tpu.memory_space<vmem>>
        %dma_wait3A_206 = arith.constant 0 : i32
        %dma_wait3A_207 = arith.constant 0 : i32
        %dma_wait3A_208 = tpu.memref_slice %arg4[%mul3A_2, %dma_wait3A_206, %dma_wait3A_207] : memref<1024x64x32xf32, #tpu.memory_space<hbm>> -> memref<1x64x32xf32, #tpu.memory_space<hbm>>
        %dma_wait3A_209 = tpu.memref_squeeze %dma_wait3A_208 : memref<1x64x32xf32, #tpu.memory_space<hbm>> -> memref<64x32xf32, #tpu.memory_space<hbm>>
        tpu.wait_dma2 semaphore(%arg11 : memref<!tpu.dma_semaphore, #tpu.memory_space<semaphore_mem>>) src(%dma_wait3A_209 : memref<64x32xf32, #tpu.memory_space<hbm>>) dst(%dma_wait3A_205 : memref<64x32xf32, #tpu.memory_space<vmem>>)
      } else {
      }
      %scan3A_170 = arith.constant 0 : i32
      %scan3A_171 = arith.constant 0 : i32
      %scan3A_172 = arith.constant 64 : i32
      %scan3A_173 = arith.addi %scan3A_171, %scan3A_172 : i32
      %scan3A_174 = arith.constant 1 : i32
      scf.for %scan3A_193 = %scan3A_171 to %scan3A_173 step %scan3A_174  : i32 {
        %broadcast_in_dim3A = arith.constant 0.000000e+00 : f32
        %broadcast_in_dim3A_194 = vector.broadcast %broadcast_in_dim3A : f32 to vector<16xf32>
        %broadcast_in_dim3A_195 = arith.constant 0.000000e+00 : f32
        %broadcast_in_dim3A_196 = vector.broadcast %broadcast_in_dim3A_195 : f32 to vector<16xf32>
        %broadcast_in_dim3A_197 = arith.constant 0.000000e+00 : f32
        %broadcast_in_dim3A_198 = vector.broadcast %broadcast_in_dim3A_197 : f32 to vector<16xf32>
        %broadcast_in_dim3A_199 = arith.constant 0.000000e+00 : f32
        %broadcast_in_dim3A_200 = vector.broadcast %broadcast_in_dim3A_199 : f32 to vector<16xf32>
        %add3A_201 = arith.constant 0 : i32
        %add3A_202 = arith.addi %add3A_201, %scan3A_193 : i32
        %get3A = arith.constant 1 : i32
        %get3A_203 = arith.index_cast %get3A : i32 to index
        %get3A_204 = arith.index_cast %add3A_202 : i32 to index
        %get3A_205 = arith.constant 0 : index
        %get3A_206 = tpu.vector_load %arg6[%get3A_203, %get3A_204, %get3A_205] {strides = array<i32>} : memref<2x3200x16xi32, #tpu.memory_space<vmem>>, vector<1x1x16xi32>,
        %get3A_207 = vector.shape_cast %get3A_206 : vector<1x1x16xi32> to vector<16xi32>
        %shift_left3A = arith.constant 16 : i32
        %shift_left3A_208 = vector.broadcast %shift_left3A : i32 to vector<16xi32>
        %shift_left3A_209 = arith.shli %get3A_207, %shift_left3A_208 : vector<16xi32>
        %bitcast_convert_type3A = tpu.bitcast %shift_left3A_209 : vector<16xi32> -> vector<16xf32>
        %add3A_210 = arith.addf %broadcast_in_dim3A_194, %bitcast_convert_type3A : vector<16xf32>
        %bitcast_convert_type3A_211 = tpu.bitcast %get3A_207 : vector<16xi32> -> vector<16xf32>
        %add3A_212 = arith.addf %broadcast_in_dim3A_196, %bitcast_convert_type3A_211 : vector<16xf32>
        %add3A_213 = arith.constant 64 : i32
        %add3A_214 = arith.addi %add3A_202, %add3A_213 : i32
        %get3A_215 = arith.constant 1 : i32
        %get3A_216 = arith.index_cast %get3A_215 : i32 to index
        %get3A_217 = arith.index_cast %add3A_214 : i32 to index
        %get3A_218 = arith.constant 0 : index
        %get3A_219 = tpu.vector_load %arg6[%get3A_216, %get3A_217, %get3A_218] {strides = array<i32>} : memref<2x3200x16xi32, #tpu.memory_space<vmem>>, vector<1x1x16xi32>,
        %get3A_220 = vector.shape_cast %get3A_219 : vector<1x1x16xi32> to vector<16xi32>
        %shift_left3A_221 = arith.constant 16 : i32
        %shift_left3A_222 = vector.broadcast %shift_left3A_221 : i32 to vector<16xi32>
        %shift_left3A_223 = arith.shli %get3A_220, %shift_left3A_222 : vector<16xi32>
        %bitcast_convert_type3A_224 = tpu.bitcast %shift_left3A_223 : vector<16xi32> -> vector<16xf32>
        %add3A_225 = arith.addf %broadcast_in_dim3A_198, %bitcast_convert_type3A_224 : vector<16xf32>
        %bitcast_convert_type3A_226 = tpu.bitcast %get3A_220 : vector<16xi32> -> vector<16xf32>
        %add3A_227 = arith.addf %broadcast_in_dim3A_200, %bitcast_convert_type3A_226 : vector<16xf32>
        %add3A_228 = arith.constant 128 : i32
        %add3A_229 = arith.addi %add3A_228, %scan3A_193 : i32
        %get3A_230 = arith.constant 1 : i32
        %get3A_231 = arith.index_cast %get3A_230 : i32 to index
        %get3A_232 = arith.index_cast %add3A_229 : i32 to index
        %get3A_233 = arith.constant 0 : index
        %get3A_234 = tpu.vector_load %arg6[%get3A_231, %get3A_232, %get3A_233] {strides = array<i32>} : memref<2x3200x16xi32, #tpu.memory_space<vmem>>, vector<1x1x16xi32>,
        %get3A_235 = vector.shape_cast %get3A_234 : vector<1x1x16xi32> to vector<16xi32>
        %shift_left3A_236 = arith.constant 16 : i32
        %shift_left3A_237 = vector.broadcast %shift_left3A_236 : i32 to vector<16xi32>
        %shift_left3A_238 = arith.shli %get3A_235, %shift_left3A_237 : vector<16xi32>
        %bitcast_convert_type3A_239 = tpu.bitcast %shift_left3A_238 : vector<16xi32> -> vector<16xf32>
        %add3A_240 = arith.addf %add3A_210, %bitcast_convert_type3A_239 : vector<16xf32>
        %bitcast_convert_type3A_241 = tpu.bitcast %get3A_235 : vector<16xi32> -> vector<16xf32>
        %add3A_242 = arith.addf %add3A_212, %bitcast_convert_type3A_241 : vector<16xf32>
        %add3A_243 = arith.constant 64 : i32
        %add3A_244 = arith.addi %add3A_229, %add3A_243 : i32
        %get3A_245 = arith.constant 1 : i32
        %get3A_246 = arith.index_cast %get3A_245 : i32 to index
        %get3A_247 = arith.index_cast %add3A_244 : i32 to index
        %get3A_248 = arith.constant 0 : index
        %get3A_249 = tpu.vector_load %arg6[%get3A_246, %get3A_247, %get3A_248] {strides = array<i32>} : memref<2x3200x16xi32, #tpu.memory_space<vmem>>, vector<1x1x16xi32>,
        %get3A_250 = vector.shape_cast %get3A_249 : vector<1x1x16xi32> to vector<16xi32>
        %shift_left3A_251 = arith.constant 16 : i32
        %shift_left3A_252 = vector.broadcast %shift_left3A_251 : i32 to vector<16xi32>
        %shift_left3A_253 = arith.shli %get3A_250, %shift_left3A_252 : vector<16xi32>
        %bitcast_convert_type3A_254 = tpu.bitcast %shift_left3A_253 : vector<16xi32> -> vector<16xf32>
        %add3A_255 = arith.addf %add3A_225, %bitcast_convert_type3A_254 : vector<16xf32>
        %bitcast_convert_type3A_256 = tpu.bitcast %get3A_250 : vector<16xi32> -> vector<16xf32>
        %add3A_257 = arith.addf %add3A_227, %bitcast_convert_type3A_256 : vector<16xf32>
        %add3A_258 = arith.constant 256 : i32
        %add3A_259 = arith.addi %add3A_258, %scan3A_193 : i32
        %get3A_260 = arith.constant 1 : i32
        %get3A_261 = arith.index_cast %get3A_260 : i32 to index
        %get3A_262 = arith.index_cast %add3A_259 : i32 to index
        %get3A_263 = arith.constant 0 : index
        %get3A_264 = tpu.vector_load %arg6[%get3A_261, %get3A_262, %get3A_263] {strides = array<i32>} : memref<2x3200x16xi32, #tpu.memory_space<vmem>>, vector<1x1x16xi32>,
        %get3A_265 = vector.shape_cast %get3A_264 : vector<1x1x16xi32> to vector<16xi32>
        %shift_left3A_266 = arith.constant 16 : i32
        %shift_left3A_267 = vector.broadcast %shift_left3A_266 : i32 to vector<16xi32>
        %shift_left3A_268 = arith.shli %get3A_265, %shift_left3A_267 : vector<16xi32>
        %bitcast_convert_type3A_269 = tpu.bitcast %shift_left3A_268 : vector<16xi32> -> vector<16xf32>
        %add3A_270 = arith.addf %add3A_240, %bitcast_convert_type3A_269 : vector<16xf32>
        %bitcast_convert_type3A_271 = tpu.bitcast %get3A_265 : vector<16xi32> -> vector<16xf32>
        %add3A_272 = arith.addf %add3A_242, %bitcast_convert_type3A_271 : vector<16xf32>
        %add3A_273 = arith.constant 64 : i32
        %add3A_274 = arith.addi %add3A_259, %add3A_273 : i32
        %get3A_275 = arith.constant 1 : i32
        %get3A_276 = arith.index_cast %get3A_275 : i32 to index
        %get3A_277 = arith.index_cast %add3A_274 : i32 to index
        %get3A_278 = arith.constant 0 : index
        %get3A_279 = tpu.vector_load %arg6[%get3A_276, %get3A_277, %get3A_278] {strides = array<i32>} : memref<2x3200x16xi32, #tpu.memory_space<vmem>>, vector<1x1x16xi32>,
        %get3A_280 = vector.shape_cast %get3A_279 : vector<1x1x16xi32> to vector<16xi32>
        %shift_left3A_281 = arith.constant 16 : i32
        %shift_left3A_282 = vector.broadcast %shift_left3A_281 : i32 to vector<16xi32>
        %shift_left3A_283 = arith.shli %get3A_280, %shift_left3A_282 : vector<16xi32>
        %bitcast_convert_type3A_284 = tpu.bitcast %shift_left3A_283 : vector<16xi32> -> vector<16xf32>
        %add3A_285 = arith.addf %add3A_255, %bitcast_convert_type3A_284 : vector<16xf32>
        %bitcast_convert_type3A_286 = tpu.bitcast %get3A_280 : vector<16xi32> -> vector<16xf32>
        %add3A_287 = arith.addf %add3A_257, %bitcast_convert_type3A_286 : vector<16xf32>
        %add3A_288 = arith.constant 384 : i32
        %add3A_289 = arith.addi %add3A_288, %scan3A_193 : i32
        %get3A_290 = arith.constant 1 : i32
        %get3A_291 = arith.index_cast %get3A_290 : i32 to index
        %get3A_292 = arith.index_cast %add3A_289 : i32 to index
        %get3A_293 = arith.constant 0 : index
        %get3A_294 = tpu.vector_load %arg6[%get3A_291, %get3A_292, %get3A_293] {strides = array<i32>} : memref<2x3200x16xi32, #tpu.memory_space<vmem>>, vector<1x1x16xi32>,
        %get3A_295 = vector.shape_cast %get3A_294 : vector<1x1x16xi32> to vector<16xi32>
        %shift_left3A_296 = arith.constant 16 : i32
        %shift_left3A_297 = vector.broadcast %shift_left3A_296 : i32 to vector<16xi32>
        %shift_left3A_298 = arith.shli %get3A_295, %shift_left3A_297 : vector<16xi32>
        %bitcast_convert_type3A_299 = tpu.bitcast %shift_left3A_298 : vector<16xi32> -> vector<16xf32>
        %add3A_300 = arith.addf %add3A_270, %bitcast_convert_type3A_299 : vector<16xf32>
        %bitcast_convert_type3A_301 = tpu.bitcast %get3A_295 : vector<16xi32> -> vector<16xf32>
        %add3A_302 = arith.addf %add3A_272, %bitcast_convert_type3A_301 : vector<16xf32>
        %add3A_303 = arith.constant 64 : i32
        %add3A_304 = arith.addi %add3A_289, %add3A_303 : i32
        %get3A_305 = arith.constant 1 : i32
        %get3A_306 = arith.index_cast %get3A_305 : i32 to index
        %get3A_307 = arith.index_cast %add3A_304 : i32 to index
        %get3A_308 = arith.constant 0 : index
        %get3A_309 = tpu.vector_load %arg6[%get3A_306, %get3A_307, %get3A_308] {strides = array<i32>} : memref<2x3200x16xi32, #tpu.memory_space<vmem>>, vector<1x1x16xi32>,
        %get3A_310 = vector.shape_cast %get3A_309 : vector<1x1x16xi32> to vector<16xi32>
        %shift_left3A_311 = arith.constant 16 : i32
        %shift_left3A_312 = vector.broadcast %shift_left3A_311 : i32 to vector<16xi32>
        %shift_left3A_313 = arith.shli %get3A_310, %shift_left3A_312 : vector<16xi32>
        %bitcast_convert_type3A_314 = tpu.bitcast %shift_left3A_313 : vector<16xi32> -> vector<16xf32>
        %add3A_315 = arith.addf %add3A_285, %bitcast_convert_type3A_314 : vector<16xf32>
        %bitcast_convert_type3A_316 = tpu.bitcast %get3A_310 : vector<16xi32> -> vector<16xf32>
        %add3A_317 = arith.addf %add3A_287, %bitcast_convert_type3A_316 : vector<16xf32>
        %add3A_318 = arith.constant 512 : i32
        %add3A_319 = arith.addi %add3A_318, %scan3A_193 : i32
        %get3A_320 = arith.constant 1 : i32
        %get3A_321 = arith.index_cast %get3A_320 : i32 to index
        %get3A_322 = arith.index_cast %add3A_319 : i32 to index
        %get3A_323 = arith.constant 0 : index
        %get3A_324 = tpu.vector_load %arg6[%get3A_321, %get3A_322, %get3A_323] {strides = array<i32>} : memref<2x3200x16xi32, #tpu.memory_space<vmem>>, vector<1x1x16xi32>,
        %get3A_325 = vector.shape_cast %get3A_324 : vector<1x1x16xi32> to vector<16xi32>
        %shift_left3A_326 = arith.constant 16 : i32
        %shift_left3A_327 = vector.broadcast %shift_left3A_326 : i32 to vector<16xi32>
        %shift_left3A_328 = arith.shli %get3A_325, %shift_left3A_327 : vector<16xi32>
        %bitcast_convert_type3A_329 = tpu.bitcast %shift_left3A_328 : vector<16xi32> -> vector<16xf32>
        %add3A_330 = arith.addf %add3A_300, %bitcast_convert_type3A_329 : vector<16xf32>
        %bitcast_convert_type3A_331 = tpu.bitcast %get3A_325 : vector<16xi32> -> vector<16xf32>
        %add3A_332 = arith.addf %add3A_302, %bitcast_convert_type3A_331 : vector<16xf32>
        %add3A_333 = arith.constant 64 : i32
        %add3A_334 = arith.addi %add3A_319, %add3A_333 : i32
        %get3A_335 = arith.constant 1 : i32
        %get3A_336 = arith.index_cast %get3A_335 : i32 to index
        %get3A_337 = arith.index_cast %add3A_334 : i32 to index
        %get3A_338 = arith.constant 0 : index
        %get3A_339 = tpu.vector_load %arg6[%get3A_336, %get3A_337, %get3A_338] {strides = array<i32>} : memref<2x3200x16xi32, #tpu.memory_space<vmem>>, vector<1x1x16xi32>,
        %get3A_340 = vector.shape_cast %get3A_339 : vector<1x1x16xi32> to vector<16xi32>
        %shift_left3A_341 = arith.constant 16 : i32
        %shift_left3A_342 = vector.broadcast %shift_left3A_341 : i32 to vector<16xi32>
        %shift_left3A_343 = arith.shli %get3A_340, %shift_left3A_342 : vector<16xi32>
        %bitcast_convert_type3A_344 = tpu.bitcast %shift_left3A_343 : vector<16xi32> -> vector<16xf32>
        %add3A_345 = arith.addf %add3A_315, %bitcast_convert_type3A_344 : vector<16xf32>
        %bitcast_convert_type3A_346 = tpu.bitcast %get3A_340 : vector<16xi32> -> vector<16xf32>
        %add3A_347 = arith.addf %add3A_317, %bitcast_convert_type3A_346 : vector<16xf32>
        %add3A_348 = arith.constant 640 : i32
        %add3A_349 = arith.addi %add3A_348, %scan3A_193 : i32
        %get3A_350 = arith.constant 1 : i32
        %get3A_351 = arith.index_cast %get3A_350 : i32 to index
        %get3A_352 = arith.index_cast %add3A_349 : i32 to index
        %get3A_353 = arith.constant 0 : index
        %get3A_354 = tpu.vector_load %arg6[%get3A_351, %get3A_352, %get3A_353] {strides = array<i32>} : memref<2x3200x16xi32, #tpu.memory_space<vmem>>, vector<1x1x16xi32>,
        %get3A_355 = vector.shape_cast %get3A_354 : vector<1x1x16xi32> to vector<16xi32>
        %shift_left3A_356 = arith.constant 16 : i32
        %shift_left3A_357 = vector.broadcast %shift_left3A_356 : i32 to vector<16xi32>
        %shift_left3A_358 = arith.shli %get3A_355, %shift_left3A_357 : vector<16xi32>
        %bitcast_convert_type3A_359 = tpu.bitcast %shift_left3A_358 : vector<16xi32> -> vector<16xf32>
        %add3A_360 = arith.addf %add3A_330, %bitcast_convert_type3A_359 : vector<16xf32>
        %bitcast_convert_type3A_361 = tpu.bitcast %get3A_355 : vector<16xi32> -> vector<16xf32>
        %add3A_362 = arith.addf %add3A_332, %bitcast_convert_type3A_361 : vector<16xf32>
        %add3A_363 = arith.constant 64 : i32
        %add3A_364 = arith.addi %add3A_349, %add3A_363 : i32
        %get3A_365 = arith.constant 1 : i32
        %get3A_366 = arith.index_cast %get3A_365 : i32 to index
        %get3A_367 = arith.index_cast %add3A_364 : i32 to index
        %get3A_368 = arith.constant 0 : index
        %get3A_369 = tpu.vector_load %arg6[%get3A_366, %get3A_367, %get3A_368] {strides = array<i32>} : memref<2x3200x16xi32, #tpu.memory_space<vmem>>, vector<1x1x16xi32>,
        %get3A_370 = vector.shape_cast %get3A_369 : vector<1x1x16xi32> to vector<16xi32>
        %shift_left3A_371 = arith.constant 16 : i32
        %shift_left3A_372 = vector.broadcast %shift_left3A_371 : i32 to vector<16xi32>
        %shift_left3A_373 = arith.shli %get3A_370, %shift_left3A_372 : vector<16xi32>
        %bitcast_convert_type3A_374 = tpu.bitcast %shift_left3A_373 : vector<16xi32> -> vector<16xf32>
        %add3A_375 = arith.addf %add3A_345, %bitcast_convert_type3A_374 : vector<16xf32>
        %bitcast_convert_type3A_376 = tpu.bitcast %get3A_370 : vector<16xi32> -> vector<16xf32>
        %add3A_377 = arith.addf %add3A_347, %bitcast_convert_type3A_376 : vector<16xf32>
        %add3A_378 = arith.constant 768 : i32
        %add3A_379 = arith.addi %add3A_378, %scan3A_193 : i32
        %get3A_380 = arith.constant 1 : i32
        %get3A_381 = arith.index_cast %get3A_380 : i32 to index
        %get3A_382 = arith.index_cast %add3A_379 : i32 to index
        %get3A_383 = arith.constant 0 : index
        %get3A_384 = tpu.vector_load %arg6[%get3A_381, %get3A_382, %get3A_383] {strides = array<i32>} : memref<2x3200x16xi32, #tpu.memory_space<vmem>>, vector<1x1x16xi32>,
        %get3A_385 = vector.shape_cast %get3A_384 : vector<1x1x16xi32> to vector<16xi32>
        %shift_left3A_386 = arith.constant 16 : i32
        %shift_left3A_387 = vector.broadcast %shift_left3A_386 : i32 to vector<16xi32>
        %shift_left3A_388 = arith.shli %get3A_385, %shift_left3A_387 : vector<16xi32>
        %bitcast_convert_type3A_389 = tpu.bitcast %shift_left3A_388 : vector<16xi32> -> vector<16xf32>
        %add3A_390 = arith.addf %add3A_360, %bitcast_convert_type3A_389 : vector<16xf32>
        %bitcast_convert_type3A_391 = tpu.bitcast %get3A_385 : vector<16xi32> -> vector<16xf32>
        %add3A_392 = arith.addf %add3A_362, %bitcast_convert_type3A_391 : vector<16xf32>
        %add3A_393 = arith.constant 64 : i32
        %add3A_394 = arith.addi %add3A_379, %add3A_393 : i32
        %get3A_395 = arith.constant 1 : i32
        %get3A_396 = arith.index_cast %get3A_395 : i32 to index
        %get3A_397 = arith.index_cast %add3A_394 : i32 to index
        %get3A_398 = arith.constant 0 : index
        %get3A_399 = tpu.vector_load %arg6[%get3A_396, %get3A_397, %get3A_398] {strides = array<i32>} : memref<2x3200x16xi32, #tpu.memory_space<vmem>>, vector<1x1x16xi32>,
        %get3A_400 = vector.shape_cast %get3A_399 : vector<1x1x16xi32> to vector<16xi32>
        %shift_left3A_401 = arith.constant 16 : i32
        %shift_left3A_402 = vector.broadcast %shift_left3A_401 : i32 to vector<16xi32>
        %shift_left3A_403 = arith.shli %get3A_400, %shift_left3A_402 : vector<16xi32>
        %bitcast_convert_type3A_404 = tpu.bitcast %shift_left3A_403 : vector<16xi32> -> vector<16xf32>
        %add3A_405 = arith.addf %add3A_375, %bitcast_convert_type3A_404 : vector<16xf32>
        %bitcast_convert_type3A_406 = tpu.bitcast %get3A_400 : vector<16xi32> -> vector<16xf32>
        %add3A_407 = arith.addf %add3A_377, %bitcast_convert_type3A_406 : vector<16xf32>
        %add3A_408 = arith.constant 896 : i32
        %add3A_409 = arith.addi %add3A_408, %scan3A_193 : i32
        %get3A_410 = arith.constant 1 : i32
        %get3A_411 = arith.index_cast %get3A_410 : i32 to index
        %get3A_412 = arith.index_cast %add3A_409 : i32 to index
        %get3A_413 = arith.constant 0 : index
        %get3A_414 = tpu.vector_load %arg6[%get3A_411, %get3A_412, %get3A_413] {strides = array<i32>} : memref<2x3200x16xi32, #tpu.memory_space<vmem>>, vector<1x1x16xi32>,
        %get3A_415 = vector.shape_cast %get3A_414 : vector<1x1x16xi32> to vector<16xi32>
        %shift_left3A_416 = arith.constant 16 : i32
        %shift_left3A_417 = vector.broadcast %shift_left3A_416 : i32 to vector<16xi32>
        %shift_left3A_418 = arith.shli %get3A_415, %shift_left3A_417 : vector<16xi32>
        %bitcast_convert_type3A_419 = tpu.bitcast %shift_left3A_418 : vector<16xi32> -> vector<16xf32>
        %add3A_420 = arith.addf %add3A_390, %bitcast_convert_type3A_419 : vector<16xf32>
        %bitcast_convert_type3A_421 = tpu.bitcast %get3A_415 : vector<16xi32> -> vector<16xf32>
        %add3A_422 = arith.addf %add3A_392, %bitcast_convert_type3A_421 : vector<16xf32>
        %add3A_423 = arith.constant 64 : i32
        %add3A_424 = arith.addi %add3A_409, %add3A_423 : i32
        %get3A_425 = arith.constant 1 : i32
        %get3A_426 = arith.index_cast %get3A_425 : i32 to index
        %get3A_427 = arith.index_cast %add3A_424 : i32 to index
        %get3A_428 = arith.constant 0 : index
        %get3A_429 = tpu.vector_load %arg6[%get3A_426, %get3A_427, %get3A_428] {strides = array<i32>} : memref<2x3200x16xi32, #tpu.memory_space<vmem>>, vector<1x1x16xi32>,
        %get3A_430 = vector.shape_cast %get3A_429 : vector<1x1x16xi32> to vector<16xi32>
        %shift_left3A_431 = arith.constant 16 : i32
        %shift_left3A_432 = vector.broadcast %shift_left3A_431 : i32 to vector<16xi32>
        %shift_left3A_433 = arith.shli %get3A_430, %shift_left3A_432 : vector<16xi32>
        %bitcast_convert_type3A_434 = tpu.bitcast %shift_left3A_433 : vector<16xi32> -> vector<16xf32>
        %add3A_435 = arith.addf %add3A_405, %bitcast_convert_type3A_434 : vector<16xf32>
        %bitcast_convert_type3A_436 = tpu.bitcast %get3A_430 : vector<16xi32> -> vector<16xf32>
        %add3A_437 = arith.addf %add3A_407, %bitcast_convert_type3A_436 : vector<16xf32>
        %add3A_438 = arith.constant 1024 : i32
        %add3A_439 = arith.addi %add3A_438, %scan3A_193 : i32
        %get3A_440 = arith.constant 1 : i32
        %get3A_441 = arith.index_cast %get3A_440 : i32 to index
        %get3A_442 = arith.index_cast %add3A_439 : i32 to index
        %get3A_443 = arith.constant 0 : index
        %get3A_444 = tpu.vector_load %arg6[%get3A_441, %get3A_442, %get3A_443] {strides = array<i32>} : memref<2x3200x16xi32, #tpu.memory_space<vmem>>, vector<1x1x16xi32>,
        %get3A_445 = vector.shape_cast %get3A_444 : vector<1x1x16xi32> to vector<16xi32>
        %shift_left3A_446 = arith.constant 16 : i32
        %shift_left3A_447 = vector.broadcast %shift_left3A_446 : i32 to vector<16xi32>
        %shift_left3A_448 = arith.shli %get3A_445, %shift_left3A_447 : vector<16xi32>
        %bitcast_convert_type3A_449 = tpu.bitcast %shift_left3A_448 : vector<16xi32> -> vector<16xf32>
        %add3A_450 = arith.addf %add3A_420, %bitcast_convert_type3A_449 : vector<16xf32>
        %bitcast_convert_type3A_451 = tpu.bitcast %get3A_445 : vector<16xi32> -> vector<16xf32>
        %add3A_452 = arith.addf %add3A_422, %bitcast_convert_type3A_451 : vector<16xf32>
        %add3A_453 = arith.constant 64 : i32
        %add3A_454 = arith.addi %add3A_439, %add3A_453 : i32
        %get3A_455 = arith.constant 1 : i32
        %get3A_456 = arith.index_cast %get3A_455 : i32 to index
        %get3A_457 = arith.index_cast %add3A_454 : i32 to index
        %get3A_458 = arith.constant 0 : index
        %get3A_459 = tpu.vector_load %arg6[%get3A_456, %get3A_457, %get3A_458] {strides = array<i32>} : memref<2x3200x16xi32, #tpu.memory_space<vmem>>, vector<1x1x16xi32>,
        %get3A_460 = vector.shape_cast %get3A_459 : vector<1x1x16xi32> to vector<16xi32>
        %shift_left3A_461 = arith.constant 16 : i32
        %shift_left3A_462 = vector.broadcast %shift_left3A_461 : i32 to vector<16xi32>
        %shift_left3A_463 = arith.shli %get3A_460, %shift_left3A_462 : vector<16xi32>
        %bitcast_convert_type3A_464 = tpu.bitcast %shift_left3A_463 : vector<16xi32> -> vector<16xf32>
        %add3A_465 = arith.addf %add3A_435, %bitcast_convert_type3A_464 : vector<16xf32>
        %bitcast_convert_type3A_466 = tpu.bitcast %get3A_460 : vector<16xi32> -> vector<16xf32>
        %add3A_467 = arith.addf %add3A_437, %bitcast_convert_type3A_466 : vector<16xf32>
        %add3A_468 = arith.constant 1152 : i32
        %add3A_469 = arith.addi %add3A_468, %scan3A_193 : i32
        %get3A_470 = arith.constant 1 : i32
        %get3A_471 = arith.index_cast %get3A_470 : i32 to index
        %get3A_472 = arith.index_cast %add3A_469 : i32 to index
        %get3A_473 = arith.constant 0 : index
        %get3A_474 = tpu.vector_load %arg6[%get3A_471, %get3A_472, %get3A_473] {strides = array<i32>} : memref<2x3200x16xi32, #tpu.memory_space<vmem>>, vector<1x1x16xi32>,
        %get3A_475 = vector.shape_cast %get3A_474 : vector<1x1x16xi32> to vector<16xi32>
        %shift_left3A_476 = arith.constant 16 : i32
        %shift_left3A_477 = vector.broadcast %shift_left3A_476 : i32 to vector<16xi32>
        %shift_left3A_478 = arith.shli %get3A_475, %shift_left3A_477 : vector<16xi32>
        %bitcast_convert_type3A_479 = tpu.bitcast %shift_left3A_478 : vector<16xi32> -> vector<16xf32>
        %add3A_480 = arith.addf %add3A_450, %bitcast_convert_type3A_479 : vector<16xf32>
        %bitcast_convert_type3A_481 = tpu.bitcast %get3A_475 : vector<16xi32> -> vector<16xf32>
        %add3A_482 = arith.addf %add3A_452, %bitcast_convert_type3A_481 : vector<16xf32>
        %add3A_483 = arith.constant 64 : i32
        %add3A_484 = arith.addi %add3A_469, %add3A_483 : i32
        %get3A_485 = arith.constant 1 : i32
        %get3A_486 = arith.index_cast %get3A_485 : i32 to index
        %get3A_487 = arith.index_cast %add3A_484 : i32 to index
        %get3A_488 = arith.constant 0 : index
        %get3A_489 = tpu.vector_load %arg6[%get3A_486, %get3A_487, %get3A_488] {strides = array<i32>} : memref<2x3200x16xi32, #tpu.memory_space<vmem>>, vector<1x1x16xi32>,
        %get3A_490 = vector.shape_cast %get3A_489 : vector<1x1x16xi32> to vector<16xi32>
        %shift_left3A_491 = arith.constant 16 : i32
        %shift_left3A_492 = vector.broadcast %shift_left3A_491 : i32 to vector<16xi32>
        %shift_left3A_493 = arith.shli %get3A_490, %shift_left3A_492 : vector<16xi32>
        %bitcast_convert_type3A_494 = tpu.bitcast %shift_left3A_493 : vector<16xi32> -> vector<16xf32>
        %add3A_495 = arith.addf %add3A_465, %bitcast_convert_type3A_494 : vector<16xf32>
        %bitcast_convert_type3A_496 = tpu.bitcast %get3A_490 : vector<16xi32> -> vector<16xf32>
        %add3A_497 = arith.addf %add3A_467, %bitcast_convert_type3A_496 : vector<16xf32>
        %add3A_498 = arith.constant 1280 : i32
        %add3A_499 = arith.addi %add3A_498, %scan3A_193 : i32
        %get3A_500 = arith.constant 1 : i32
        %get3A_501 = arith.index_cast %get3A_500 : i32 to index
        %get3A_502 = arith.index_cast %add3A_499 : i32 to index
        %get3A_503 = arith.constant 0 : index
        %get3A_504 = tpu.vector_load %arg6[%get3A_501, %get3A_502, %get3A_503] {strides = array<i32>} : memref<2x3200x16xi32, #tpu.memory_space<vmem>>, vector<1x1x16xi32>,
        %get3A_505 = vector.shape_cast %get3A_504 : vector<1x1x16xi32> to vector<16xi32>
        %shift_left3A_506 = arith.constant 16 : i32
        %shift_left3A_507 = vector.broadcast %shift_left3A_506 : i32 to vector<16xi32>
        %shift_left3A_508 = arith.shli %get3A_505, %shift_left3A_507 : vector<16xi32>
        %bitcast_convert_type3A_509 = tpu.bitcast %shift_left3A_508 : vector<16xi32> -> vector<16xf32>
        %add3A_510 = arith.addf %add3A_480, %bitcast_convert_type3A_509 : vector<16xf32>
        %bitcast_convert_type3A_511 = tpu.bitcast %get3A_505 : vector<16xi32> -> vector<16xf32>
        %add3A_512 = arith.addf %add3A_482, %bitcast_convert_type3A_511 : vector<16xf32>
        %add3A_513 = arith.constant 64 : i32
        %add3A_514 = arith.addi %add3A_499, %add3A_513 : i32
        %get3A_515 = arith.constant 1 : i32
        %get3A_516 = arith.index_cast %get3A_515 : i32 to index
        %get3A_517 = arith.index_cast %add3A_514 : i32 to index
        %get3A_518 = arith.constant 0 : index
        %get3A_519 = tpu.vector_load %arg6[%get3A_516, %get3A_517, %get3A_518] {strides = array<i32>} : memref<2x3200x16xi32, #tpu.memory_space<vmem>>, vector<1x1x16xi32>,
        %get3A_520 = vector.shape_cast %get3A_519 : vector<1x1x16xi32> to vector<16xi32>
        %shift_left3A_521 = arith.constant 16 : i32
        %shift_left3A_522 = vector.broadcast %shift_left3A_521 : i32 to vector<16xi32>
        %shift_left3A_523 = arith.shli %get3A_520, %shift_left3A_522 : vector<16xi32>
        %bitcast_convert_type3A_524 = tpu.bitcast %shift_left3A_523 : vector<16xi32> -> vector<16xf32>
        %add3A_525 = arith.addf %add3A_495, %bitcast_convert_type3A_524 : vector<16xf32>
        %bitcast_convert_type3A_526 = tpu.bitcast %get3A_520 : vector<16xi32> -> vector<16xf32>
        %add3A_527 = arith.addf %add3A_497, %bitcast_convert_type3A_526 : vector<16xf32>
        %add3A_528 = arith.constant 1408 : i32
        %add3A_529 = arith.addi %add3A_528, %scan3A_193 : i32
        %get3A_530 = arith.constant 1 : i32
        %get3A_531 = arith.index_cast %get3A_530 : i32 to index
        %get3A_532 = arith.index_cast %add3A_529 : i32 to index
        %get3A_533 = arith.constant 0 : index
        %get3A_534 = tpu.vector_load %arg6[%get3A_531, %get3A_532, %get3A_533] {strides = array<i32>} : memref<2x3200x16xi32, #tpu.memory_space<vmem>>, vector<1x1x16xi32>,
        %get3A_535 = vector.shape_cast %get3A_534 : vector<1x1x16xi32> to vector<16xi32>
        %shift_left3A_536 = arith.constant 16 : i32
        %shift_left3A_537 = vector.broadcast %shift_left3A_536 : i32 to vector<16xi32>
        %shift_left3A_538 = arith.shli %get3A_535, %shift_left3A_537 : vector<16xi32>
        %bitcast_convert_type3A_539 = tpu.bitcast %shift_left3A_538 : vector<16xi32> -> vector<16xf32>
        %add3A_540 = arith.addf %add3A_510, %bitcast_convert_type3A_539 : vector<16xf32>
        %bitcast_convert_type3A_541 = tpu.bitcast %get3A_535 : vector<16xi32> -> vector<16xf32>
        %add3A_542 = arith.addf %add3A_512, %bitcast_convert_type3A_541 : vector<16xf32>
        %add3A_543 = arith.constant 64 : i32
        %add3A_544 = arith.addi %add3A_529, %add3A_543 : i32
        %get3A_545 = arith.constant 1 : i32
        %get3A_546 = arith.index_cast %get3A_545 : i32 to index
        %get3A_547 = arith.index_cast %add3A_544 : i32 to index
        %get3A_548 = arith.constant 0 : index
        %get3A_549 = tpu.vector_load %arg6[%get3A_546, %get3A_547, %get3A_548] {strides = array<i32>} : memref<2x3200x16xi32, #tpu.memory_space<vmem>>, vector<1x1x16xi32>,
        %get3A_550 = vector.shape_cast %get3A_549 : vector<1x1x16xi32> to vector<16xi32>
        %shift_left3A_551 = arith.constant 16 : i32
        %shift_left3A_552 = vector.broadcast %shift_left3A_551 : i32 to vector<16xi32>
        %shift_left3A_553 = arith.shli %get3A_550, %shift_left3A_552 : vector<16xi32>
        %bitcast_convert_type3A_554 = tpu.bitcast %shift_left3A_553 : vector<16xi32> -> vector<16xf32>
        %add3A_555 = arith.addf %add3A_525, %bitcast_convert_type3A_554 : vector<16xf32>
        %bitcast_convert_type3A_556 = tpu.bitcast %get3A_550 : vector<16xi32> -> vector<16xf32>
        %add3A_557 = arith.addf %add3A_527, %bitcast_convert_type3A_556 : vector<16xf32>
        %add3A_558 = arith.constant 1536 : i32
        %add3A_559 = arith.addi %add3A_558, %scan3A_193 : i32
        %get3A_560 = arith.constant 1 : i32
        %get3A_561 = arith.index_cast %get3A_560 : i32 to index
        %get3A_562 = arith.index_cast %add3A_559 : i32 to index
        %get3A_563 = arith.constant 0 : index
        %get3A_564 = tpu.vector_load %arg6[%get3A_561, %get3A_562, %get3A_563] {strides = array<i32>} : memref<2x3200x16xi32, #tpu.memory_space<vmem>>, vector<1x1x16xi32>,
        %get3A_565 = vector.shape_cast %get3A_564 : vector<1x1x16xi32> to vector<16xi32>
        %shift_left3A_566 = arith.constant 16 : i32
        %shift_left3A_567 = vector.broadcast %shift_left3A_566 : i32 to vector<16xi32>
        %shift_left3A_568 = arith.shli %get3A_565, %shift_left3A_567 : vector<16xi32>
        %bitcast_convert_type3A_569 = tpu.bitcast %shift_left3A_568 : vector<16xi32> -> vector<16xf32>
        %add3A_570 = arith.addf %add3A_540, %bitcast_convert_type3A_569 : vector<16xf32>
        %bitcast_convert_type3A_571 = tpu.bitcast %get3A_565 : vector<16xi32> -> vector<16xf32>
        %add3A_572 = arith.addf %add3A_542, %bitcast_convert_type3A_571 : vector<16xf32>
        %add3A_573 = arith.constant 64 : i32
        %add3A_574 = arith.addi %add3A_559, %add3A_573 : i32
        %get3A_575 = arith.constant 1 : i32
        %get3A_576 = arith.index_cast %get3A_575 : i32 to index
        %get3A_577 = arith.index_cast %add3A_574 : i32 to index
        %get3A_578 = arith.constant 0 : index
        %get3A_579 = tpu.vector_load %arg6[%get3A_576, %get3A_577, %get3A_578] {strides = array<i32>} : memref<2x3200x16xi32, #tpu.memory_space<vmem>>, vector<1x1x16xi32>,
        %get3A_580 = vector.shape_cast %get3A_579 : vector<1x1x16xi32> to vector<16xi32>
        %shift_left3A_581 = arith.constant 16 : i32
        %shift_left3A_582 = vector.broadcast %shift_left3A_581 : i32 to vector<16xi32>
        %shift_left3A_583 = arith.shli %get3A_580, %shift_left3A_582 : vector<16xi32>
        %bitcast_convert_type3A_584 = tpu.bitcast %shift_left3A_583 : vector<16xi32> -> vector<16xf32>
        %add3A_585 = arith.addf %add3A_555, %bitcast_convert_type3A_584 : vector<16xf32>
        %bitcast_convert_type3A_586 = tpu.bitcast %get3A_580 : vector<16xi32> -> vector<16xf32>
        %add3A_587 = arith.addf %add3A_557, %bitcast_convert_type3A_586 : vector<16xf32>
        %add3A_588 = arith.constant 1664 : i32
        %add3A_589 = arith.addi %add3A_588, %scan3A_193 : i32
        %get3A_590 = arith.constant 1 : i32
        %get3A_591 = arith.index_cast %get3A_590 : i32 to index
        %get3A_592 = arith.index_cast %add3A_589 : i32 to index
        %get3A_593 = arith.constant 0 : index
        %get3A_594 = tpu.vector_load %arg6[%get3A_591, %get3A_592, %get3A_593] {strides = array<i32>} : memref<2x3200x16xi32, #tpu.memory_space<vmem>>, vector<1x1x16xi32>,
        %get3A_595 = vector.shape_cast %get3A_594 : vector<1x1x16xi32> to vector<16xi32>
        %shift_left3A_596 = arith.constant 16 : i32
        %shift_left3A_597 = vector.broadcast %shift_left3A_596 : i32 to vector<16xi32>
        %shift_left3A_598 = arith.shli %get3A_595, %shift_left3A_597 : vector<16xi32>
        %bitcast_convert_type3A_599 = tpu.bitcast %shift_left3A_598 : vector<16xi32> -> vector<16xf32>
        %add3A_600 = arith.addf %add3A_570, %bitcast_convert_type3A_599 : vector<16xf32>
        %bitcast_convert_type3A_601 = tpu.bitcast %get3A_595 : vector<16xi32> -> vector<16xf32>
        %add3A_602 = arith.addf %add3A_572, %bitcast_convert_type3A_601 : vector<16xf32>
        %add3A_603 = arith.constant 64 : i32
        %add3A_604 = arith.addi %add3A_589, %add3A_603 : i32
        %get3A_605 = arith.constant 1 : i32
        %get3A_606 = arith.index_cast %get3A_605 : i32 to index
        %get3A_607 = arith.index_cast %add3A_604 : i32 to index
        %get3A_608 = arith.constant 0 : index
        %get3A_609 = tpu.vector_load %arg6[%get3A_606, %get3A_607, %get3A_608] {strides = array<i32>} : memref<2x3200x16xi32, #tpu.memory_space<vmem>>, vector<1x1x16xi32>,
        %get3A_610 = vector.shape_cast %get3A_609 : vector<1x1x16xi32> to vector<16xi32>
        %shift_left3A_611 = arith.constant 16 : i32
        %shift_left3A_612 = vector.broadcast %shift_left3A_611 : i32 to vector<16xi32>
        %shift_left3A_613 = arith.shli %get3A_610, %shift_left3A_612 : vector<16xi32>
        %bitcast_convert_type3A_614 = tpu.bitcast %shift_left3A_613 : vector<16xi32> -> vector<16xf32>
        %add3A_615 = arith.addf %add3A_585, %bitcast_convert_type3A_614 : vector<16xf32>
        %bitcast_convert_type3A_616 = tpu.bitcast %get3A_610 : vector<16xi32> -> vector<16xf32>
        %add3A_617 = arith.addf %add3A_587, %bitcast_convert_type3A_616 : vector<16xf32>
        %add3A_618 = arith.constant 1792 : i32
        %add3A_619 = arith.addi %add3A_618, %scan3A_193 : i32
        %get3A_620 = arith.constant 1 : i32
        %get3A_621 = arith.index_cast %get3A_620 : i32 to index
        %get3A_622 = arith.index_cast %add3A_619 : i32 to index
        %get3A_623 = arith.constant 0 : index
        %get3A_624 = tpu.vector_load %arg6[%get3A_621, %get3A_622, %get3A_623] {strides = array<i32>} : memref<2x3200x16xi32, #tpu.memory_space<vmem>>, vector<1x1x16xi32>,
        %get3A_625 = vector.shape_cast %get3A_624 : vector<1x1x16xi32> to vector<16xi32>
        %shift_left3A_626 = arith.constant 16 : i32
        %shift_left3A_627 = vector.broadcast %shift_left3A_626 : i32 to vector<16xi32>
        %shift_left3A_628 = arith.shli %get3A_625, %shift_left3A_627 : vector<16xi32>
        %bitcast_convert_type3A_629 = tpu.bitcast %shift_left3A_628 : vector<16xi32> -> vector<16xf32>
        %add3A_630 = arith.addf %add3A_600, %bitcast_convert_type3A_629 : vector<16xf32>
        %bitcast_convert_type3A_631 = tpu.bitcast %get3A_625 : vector<16xi32> -> vector<16xf32>
        %add3A_632 = arith.addf %add3A_602, %bitcast_convert_type3A_631 : vector<16xf32>
        %add3A_633 = arith.constant 64 : i32
        %add3A_634 = arith.addi %add3A_619, %add3A_633 : i32
        %get3A_635 = arith.constant 1 : i32
        %get3A_636 = arith.index_cast %get3A_635 : i32 to index
        %get3A_637 = arith.index_cast %add3A_634 : i32 to index
        %get3A_638 = arith.constant 0 : index
        %get3A_639 = tpu.vector_load %arg6[%get3A_636, %get3A_637, %get3A_638] {strides = array<i32>} : memref<2x3200x16xi32, #tpu.memory_space<vmem>>, vector<1x1x16xi32>,
        %get3A_640 = vector.shape_cast %get3A_639 : vector<1x1x16xi32> to vector<16xi32>
        %shift_left3A_641 = arith.constant 16 : i32
        %shift_left3A_642 = vector.broadcast %shift_left3A_641 : i32 to vector<16xi32>
        %shift_left3A_643 = arith.shli %get3A_640, %shift_left3A_642 : vector<16xi32>
        %bitcast_convert_type3A_644 = tpu.bitcast %shift_left3A_643 : vector<16xi32> -> vector<16xf32>
        %add3A_645 = arith.addf %add3A_615, %bitcast_convert_type3A_644 : vector<16xf32>
        %bitcast_convert_type3A_646 = tpu.bitcast %get3A_640 : vector<16xi32> -> vector<16xf32>
        %add3A_647 = arith.addf %add3A_617, %bitcast_convert_type3A_646 : vector<16xf32>
        %add3A_648 = arith.constant 1920 : i32
        %add3A_649 = arith.addi %add3A_648, %scan3A_193 : i32
        %get3A_650 = arith.constant 1 : i32
        %get3A_651 = arith.index_cast %get3A_650 : i32 to index
        %get3A_652 = arith.index_cast %add3A_649 : i32 to index
        %get3A_653 = arith.constant 0 : index
        %get3A_654 = tpu.vector_load %arg6[%get3A_651, %get3A_652, %get3A_653] {strides = array<i32>} : memref<2x3200x16xi32, #tpu.memory_space<vmem>>, vector<1x1x16xi32>,
        %get3A_655 = vector.shape_cast %get3A_654 : vector<1x1x16xi32> to vector<16xi32>
        %shift_left3A_656 = arith.constant 16 : i32
        %shift_left3A_657 = vector.broadcast %shift_left3A_656 : i32 to vector<16xi32>
        %shift_left3A_658 = arith.shli %get3A_655, %shift_left3A_657 : vector<16xi32>
        %bitcast_convert_type3A_659 = tpu.bitcast %shift_left3A_658 : vector<16xi32> -> vector<16xf32>
        %add3A_660 = arith.addf %add3A_630, %bitcast_convert_type3A_659 : vector<16xf32>
        %bitcast_convert_type3A_661 = tpu.bitcast %get3A_655 : vector<16xi32> -> vector<16xf32>
        %add3A_662 = arith.addf %add3A_632, %bitcast_convert_type3A_661 : vector<16xf32>
        %add3A_663 = arith.constant 64 : i32
        %add3A_664 = arith.addi %add3A_649, %add3A_663 : i32
        %get3A_665 = arith.constant 1 : i32
        %get3A_666 = arith.index_cast %get3A_665 : i32 to index
        %get3A_667 = arith.index_cast %add3A_664 : i32 to index
        %get3A_668 = arith.constant 0 : index
        %get3A_669 = tpu.vector_load %arg6[%get3A_666, %get3A_667, %get3A_668] {strides = array<i32>} : memref<2x3200x16xi32, #tpu.memory_space<vmem>>, vector<1x1x16xi32>,
        %get3A_670 = vector.shape_cast %get3A_669 : vector<1x1x16xi32> to vector<16xi32>
        %shift_left3A_671 = arith.constant 16 : i32
        %shift_left3A_672 = vector.broadcast %shift_left3A_671 : i32 to vector<16xi32>
        %shift_left3A_673 = arith.shli %get3A_670, %shift_left3A_672 : vector<16xi32>
        %bitcast_convert_type3A_674 = tpu.bitcast %shift_left3A_673 : vector<16xi32> -> vector<16xf32>
        %add3A_675 = arith.addf %add3A_645, %bitcast_convert_type3A_674 : vector<16xf32>
        %bitcast_convert_type3A_676 = tpu.bitcast %get3A_670 : vector<16xi32> -> vector<16xf32>
        %add3A_677 = arith.addf %add3A_647, %bitcast_convert_type3A_676 : vector<16xf32>
        %add3A_678 = arith.constant 2048 : i32
        %add3A_679 = arith.addi %add3A_678, %scan3A_193 : i32
        %get3A_680 = arith.constant 1 : i32
        %get3A_681 = arith.index_cast %get3A_680 : i32 to index
        %get3A_682 = arith.index_cast %add3A_679 : i32 to index
        %get3A_683 = arith.constant 0 : index
        %get3A_684 = tpu.vector_load %arg6[%get3A_681, %get3A_682, %get3A_683] {strides = array<i32>} : memref<2x3200x16xi32, #tpu.memory_space<vmem>>, vector<1x1x16xi32>,
        %get3A_685 = vector.shape_cast %get3A_684 : vector<1x1x16xi32> to vector<16xi32>
        %shift_left3A_686 = arith.constant 16 : i32
        %shift_left3A_687 = vector.broadcast %shift_left3A_686 : i32 to vector<16xi32>
        %shift_left3A_688 = arith.shli %get3A_685, %shift_left3A_687 : vector<16xi32>
        %bitcast_convert_type3A_689 = tpu.bitcast %shift_left3A_688 : vector<16xi32> -> vector<16xf32>
        %add3A_690 = arith.addf %add3A_660, %bitcast_convert_type3A_689 : vector<16xf32>
        %bitcast_convert_type3A_691 = tpu.bitcast %get3A_685 : vector<16xi32> -> vector<16xf32>
        %add3A_692 = arith.addf %add3A_662, %bitcast_convert_type3A_691 : vector<16xf32>
        %add3A_693 = arith.constant 64 : i32
        %add3A_694 = arith.addi %add3A_679, %add3A_693 : i32
        %get3A_695 = arith.constant 1 : i32
        %get3A_696 = arith.index_cast %get3A_695 : i32 to index
        %get3A_697 = arith.index_cast %add3A_694 : i32 to index
        %get3A_698 = arith.constant 0 : index
        %get3A_699 = tpu.vector_load %arg6[%get3A_696, %get3A_697, %get3A_698] {strides = array<i32>} : memref<2x3200x16xi32, #tpu.memory_space<vmem>>, vector<1x1x16xi32>,
        %get3A_700 = vector.shape_cast %get3A_699 : vector<1x1x16xi32> to vector<16xi32>
        %shift_left3A_701 = arith.constant 16 : i32
        %shift_left3A_702 = vector.broadcast %shift_left3A_701 : i32 to vector<16xi32>
        %shift_left3A_703 = arith.shli %get3A_700, %shift_left3A_702 : vector<16xi32>
        %bitcast_convert_type3A_704 = tpu.bitcast %shift_left3A_703 : vector<16xi32> -> vector<16xf32>
        %add3A_705 = arith.addf %add3A_675, %bitcast_convert_type3A_704 : vector<16xf32>
        %bitcast_convert_type3A_706 = tpu.bitcast %get3A_700 : vector<16xi32> -> vector<16xf32>
        %add3A_707 = arith.addf %add3A_677, %bitcast_convert_type3A_706 : vector<16xf32>
        %add3A_708 = arith.constant 2176 : i32
        %add3A_709 = arith.addi %add3A_708, %scan3A_193 : i32
        %get3A_710 = arith.constant 1 : i32
        %get3A_711 = arith.index_cast %get3A_710 : i32 to index
        %get3A_712 = arith.index_cast %add3A_709 : i32 to index
        %get3A_713 = arith.constant 0 : index
        %get3A_714 = tpu.vector_load %arg6[%get3A_711, %get3A_712, %get3A_713] {strides = array<i32>} : memref<2x3200x16xi32, #tpu.memory_space<vmem>>, vector<1x1x16xi32>,
        %get3A_715 = vector.shape_cast %get3A_714 : vector<1x1x16xi32> to vector<16xi32>
        %shift_left3A_716 = arith.constant 16 : i32
        %shift_left3A_717 = vector.broadcast %shift_left3A_716 : i32 to vector<16xi32>
        %shift_left3A_718 = arith.shli %get3A_715, %shift_left3A_717 : vector<16xi32>
        %bitcast_convert_type3A_719 = tpu.bitcast %shift_left3A_718 : vector<16xi32> -> vector<16xf32>
        %add3A_720 = arith.addf %add3A_690, %bitcast_convert_type3A_719 : vector<16xf32>
        %bitcast_convert_type3A_721 = tpu.bitcast %get3A_715 : vector<16xi32> -> vector<16xf32>
        %add3A_722 = arith.addf %add3A_692, %bitcast_convert_type3A_721 : vector<16xf32>
        %add3A_723 = arith.constant 64 : i32
        %add3A_724 = arith.addi %add3A_709, %add3A_723 : i32
        %get3A_725 = arith.constant 1 : i32
        %get3A_726 = arith.index_cast %get3A_725 : i32 to index
        %get3A_727 = arith.index_cast %add3A_724 : i32 to index
        %get3A_728 = arith.constant 0 : index
        %get3A_729 = tpu.vector_load %arg6[%get3A_726, %get3A_727, %get3A_728] {strides = array<i32>} : memref<2x3200x16xi32, #tpu.memory_space<vmem>>, vector<1x1x16xi32>,
        %get3A_730 = vector.shape_cast %get3A_729 : vector<1x1x16xi32> to vector<16xi32>
        %shift_left3A_731 = arith.constant 16 : i32
        %shift_left3A_732 = vector.broadcast %shift_left3A_731 : i32 to vector<16xi32>
        %shift_left3A_733 = arith.shli %get3A_730, %shift_left3A_732 : vector<16xi32>
        %bitcast_convert_type3A_734 = tpu.bitcast %shift_left3A_733 : vector<16xi32> -> vector<16xf32>
        %add3A_735 = arith.addf %add3A_705, %bitcast_convert_type3A_734 : vector<16xf32>
        %bitcast_convert_type3A_736 = tpu.bitcast %get3A_730 : vector<16xi32> -> vector<16xf32>
        %add3A_737 = arith.addf %add3A_707, %bitcast_convert_type3A_736 : vector<16xf32>
        %add3A_738 = arith.constant 2304 : i32
        %add3A_739 = arith.addi %add3A_738, %scan3A_193 : i32
        %get3A_740 = arith.constant 1 : i32
        %get3A_741 = arith.index_cast %get3A_740 : i32 to index
        %get3A_742 = arith.index_cast %add3A_739 : i32 to index
        %get3A_743 = arith.constant 0 : index
        %get3A_744 = tpu.vector_load %arg6[%get3A_741, %get3A_742, %get3A_743] {strides = array<i32>} : memref<2x3200x16xi32, #tpu.memory_space<vmem>>, vector<1x1x16xi32>,
        %get3A_745 = vector.shape_cast %get3A_744 : vector<1x1x16xi32> to vector<16xi32>
        %shift_left3A_746 = arith.constant 16 : i32
        %shift_left3A_747 = vector.broadcast %shift_left3A_746 : i32 to vector<16xi32>
        %shift_left3A_748 = arith.shli %get3A_745, %shift_left3A_747 : vector<16xi32>
        %bitcast_convert_type3A_749 = tpu.bitcast %shift_left3A_748 : vector<16xi32> -> vector<16xf32>
        %add3A_750 = arith.addf %add3A_720, %bitcast_convert_type3A_749 : vector<16xf32>
        %bitcast_convert_type3A_751 = tpu.bitcast %get3A_745 : vector<16xi32> -> vector<16xf32>
        %add3A_752 = arith.addf %add3A_722, %bitcast_convert_type3A_751 : vector<16xf32>
        %add3A_753 = arith.constant 64 : i32
        %add3A_754 = arith.addi %add3A_739, %add3A_753 : i32
        %get3A_755 = arith.constant 1 : i32
        %get3A_756 = arith.index_cast %get3A_755 : i32 to index
        %get3A_757 = arith.index_cast %add3A_754 : i32 to index
        %get3A_758 = arith.constant 0 : index
        %get3A_759 = tpu.vector_load %arg6[%get3A_756, %get3A_757, %get3A_758] {strides = array<i32>} : memref<2x3200x16xi32, #tpu.memory_space<vmem>>, vector<1x1x16xi32>,
        %get3A_760 = vector.shape_cast %get3A_759 : vector<1x1x16xi32> to vector<16xi32>
        %shift_left3A_761 = arith.constant 16 : i32
        %shift_left3A_762 = vector.broadcast %shift_left3A_761 : i32 to vector<16xi32>
        %shift_left3A_763 = arith.shli %get3A_760, %shift_left3A_762 : vector<16xi32>
        %bitcast_convert_type3A_764 = tpu.bitcast %shift_left3A_763 : vector<16xi32> -> vector<16xf32>
        %add3A_765 = arith.addf %add3A_735, %bitcast_convert_type3A_764 : vector<16xf32>
        %bitcast_convert_type3A_766 = tpu.bitcast %get3A_760 : vector<16xi32> -> vector<16xf32>
        %add3A_767 = arith.addf %add3A_737, %bitcast_convert_type3A_766 : vector<16xf32>
        %add3A_768 = arith.constant 2432 : i32
        %add3A_769 = arith.addi %add3A_768, %scan3A_193 : i32
        %get3A_770 = arith.constant 1 : i32
        %get3A_771 = arith.index_cast %get3A_770 : i32 to index
        %get3A_772 = arith.index_cast %add3A_769 : i32 to index
        %get3A_773 = arith.constant 0 : index
        %get3A_774 = tpu.vector_load %arg6[%get3A_771, %get3A_772, %get3A_773] {strides = array<i32>} : memref<2x3200x16xi32, #tpu.memory_space<vmem>>, vector<1x1x16xi32>,
        %get3A_775 = vector.shape_cast %get3A_774 : vector<1x1x16xi32> to vector<16xi32>
        %shift_left3A_776 = arith.constant 16 : i32
        %shift_left3A_777 = vector.broadcast %shift_left3A_776 : i32 to vector<16xi32>
        %shift_left3A_778 = arith.shli %get3A_775, %shift_left3A_777 : vector<16xi32>
        %bitcast_convert_type3A_779 = tpu.bitcast %shift_left3A_778 : vector<16xi32> -> vector<16xf32>
        %add3A_780 = arith.addf %add3A_750, %bitcast_convert_type3A_779 : vector<16xf32>
        %bitcast_convert_type3A_781 = tpu.bitcast %get3A_775 : vector<16xi32> -> vector<16xf32>
        %add3A_782 = arith.addf %add3A_752, %bitcast_convert_type3A_781 : vector<16xf32>
        %add3A_783 = arith.constant 64 : i32
        %add3A_784 = arith.addi %add3A_769, %add3A_783 : i32
        %get3A_785 = arith.constant 1 : i32
        %get3A_786 = arith.index_cast %get3A_785 : i32 to index
        %get3A_787 = arith.index_cast %add3A_784 : i32 to index
        %get3A_788 = arith.constant 0 : index
        %get3A_789 = tpu.vector_load %arg6[%get3A_786, %get3A_787, %get3A_788] {strides = array<i32>} : memref<2x3200x16xi32, #tpu.memory_space<vmem>>, vector<1x1x16xi32>,
        %get3A_790 = vector.shape_cast %get3A_789 : vector<1x1x16xi32> to vector<16xi32>
        %shift_left3A_791 = arith.constant 16 : i32
        %shift_left3A_792 = vector.broadcast %shift_left3A_791 : i32 to vector<16xi32>
        %shift_left3A_793 = arith.shli %get3A_790, %shift_left3A_792 : vector<16xi32>
        %bitcast_convert_type3A_794 = tpu.bitcast %shift_left3A_793 : vector<16xi32> -> vector<16xf32>
        %add3A_795 = arith.addf %add3A_765, %bitcast_convert_type3A_794 : vector<16xf32>
        %bitcast_convert_type3A_796 = tpu.bitcast %get3A_790 : vector<16xi32> -> vector<16xf32>
        %add3A_797 = arith.addf %add3A_767, %bitcast_convert_type3A_796 : vector<16xf32>
        %add3A_798 = arith.constant 2560 : i32
        %add3A_799 = arith.addi %add3A_798, %scan3A_193 : i32
        %get3A_800 = arith.constant 1 : i32
        %get3A_801 = arith.index_cast %get3A_800 : i32 to index
        %get3A_802 = arith.index_cast %add3A_799 : i32 to index
        %get3A_803 = arith.constant 0 : index
        %get3A_804 = tpu.vector_load %arg6[%get3A_801, %get3A_802, %get3A_803] {strides = array<i32>} : memref<2x3200x16xi32, #tpu.memory_space<vmem>>, vector<1x1x16xi32>,
        %get3A_805 = vector.shape_cast %get3A_804 : vector<1x1x16xi32> to vector<16xi32>
        %shift_left3A_806 = arith.constant 16 : i32
        %shift_left3A_807 = vector.broadcast %shift_left3A_806 : i32 to vector<16xi32>
        %shift_left3A_808 = arith.shli %get3A_805, %shift_left3A_807 : vector<16xi32>
        %bitcast_convert_type3A_809 = tpu.bitcast %shift_left3A_808 : vector<16xi32> -> vector<16xf32>
        %add3A_810 = arith.addf %add3A_780, %bitcast_convert_type3A_809 : vector<16xf32>
        %bitcast_convert_type3A_811 = tpu.bitcast %get3A_805 : vector<16xi32> -> vector<16xf32>
        %add3A_812 = arith.addf %add3A_782, %bitcast_convert_type3A_811 : vector<16xf32>
        %add3A_813 = arith.constant 64 : i32
        %add3A_814 = arith.addi %add3A_799, %add3A_813 : i32
        %get3A_815 = arith.constant 1 : i32
        %get3A_816 = arith.index_cast %get3A_815 : i32 to index
        %get3A_817 = arith.index_cast %add3A_814 : i32 to index
        %get3A_818 = arith.constant 0 : index
        %get3A_819 = tpu.vector_load %arg6[%get3A_816, %get3A_817, %get3A_818] {strides = array<i32>} : memref<2x3200x16xi32, #tpu.memory_space<vmem>>, vector<1x1x16xi32>,
        %get3A_820 = vector.shape_cast %get3A_819 : vector<1x1x16xi32> to vector<16xi32>
        %shift_left3A_821 = arith.constant 16 : i32
        %shift_left3A_822 = vector.broadcast %shift_left3A_821 : i32 to vector<16xi32>
        %shift_left3A_823 = arith.shli %get3A_820, %shift_left3A_822 : vector<16xi32>
        %bitcast_convert_type3A_824 = tpu.bitcast %shift_left3A_823 : vector<16xi32> -> vector<16xf32>
        %add3A_825 = arith.addf %add3A_795, %bitcast_convert_type3A_824 : vector<16xf32>
        %bitcast_convert_type3A_826 = tpu.bitcast %get3A_820 : vector<16xi32> -> vector<16xf32>
        %add3A_827 = arith.addf %add3A_797, %bitcast_convert_type3A_826 : vector<16xf32>
        %add3A_828 = arith.constant 2688 : i32
        %add3A_829 = arith.addi %add3A_828, %scan3A_193 : i32
        %get3A_830 = arith.constant 1 : i32
        %get3A_831 = arith.index_cast %get3A_830 : i32 to index
        %get3A_832 = arith.index_cast %add3A_829 : i32 to index
        %get3A_833 = arith.constant 0 : index
        %get3A_834 = tpu.vector_load %arg6[%get3A_831, %get3A_832, %get3A_833] {strides = array<i32>} : memref<2x3200x16xi32, #tpu.memory_space<vmem>>, vector<1x1x16xi32>,
        %get3A_835 = vector.shape_cast %get3A_834 : vector<1x1x16xi32> to vector<16xi32>
        %shift_left3A_836 = arith.constant 16 : i32
        %shift_left3A_837 = vector.broadcast %shift_left3A_836 : i32 to vector<16xi32>
        %shift_left3A_838 = arith.shli %get3A_835, %shift_left3A_837 : vector<16xi32>
        %bitcast_convert_type3A_839 = tpu.bitcast %shift_left3A_838 : vector<16xi32> -> vector<16xf32>
        %add3A_840 = arith.addf %add3A_810, %bitcast_convert_type3A_839 : vector<16xf32>
        %bitcast_convert_type3A_841 = tpu.bitcast %get3A_835 : vector<16xi32> -> vector<16xf32>
        %add3A_842 = arith.addf %add3A_812, %bitcast_convert_type3A_841 : vector<16xf32>
        %add3A_843 = arith.constant 64 : i32
        %add3A_844 = arith.addi %add3A_829, %add3A_843 : i32
        %get3A_845 = arith.constant 1 : i32
        %get3A_846 = arith.index_cast %get3A_845 : i32 to index
        %get3A_847 = arith.index_cast %add3A_844 : i32 to index
        %get3A_848 = arith.constant 0 : index
        %get3A_849 = tpu.vector_load %arg6[%get3A_846, %get3A_847, %get3A_848] {strides = array<i32>} : memref<2x3200x16xi32, #tpu.memory_space<vmem>>, vector<1x1x16xi32>,
        %get3A_850 = vector.shape_cast %get3A_849 : vector<1x1x16xi32> to vector<16xi32>
        %shift_left3A_851 = arith.constant 16 : i32
        %shift_left3A_852 = vector.broadcast %shift_left3A_851 : i32 to vector<16xi32>
        %shift_left3A_853 = arith.shli %get3A_850, %shift_left3A_852 : vector<16xi32>
        %bitcast_convert_type3A_854 = tpu.bitcast %shift_left3A_853 : vector<16xi32> -> vector<16xf32>
        %add3A_855 = arith.addf %add3A_825, %bitcast_convert_type3A_854 : vector<16xf32>
        %bitcast_convert_type3A_856 = tpu.bitcast %get3A_850 : vector<16xi32> -> vector<16xf32>
        %add3A_857 = arith.addf %add3A_827, %bitcast_convert_type3A_856 : vector<16xf32>
        %add3A_858 = arith.constant 2816 : i32
        %add3A_859 = arith.addi %add3A_858, %scan3A_193 : i32
        %get3A_860 = arith.constant 1 : i32
        %get3A_861 = arith.index_cast %get3A_860 : i32 to index
        %get3A_862 = arith.index_cast %add3A_859 : i32 to index
        %get3A_863 = arith.constant 0 : index
        %get3A_864 = tpu.vector_load %arg6[%get3A_861, %get3A_862, %get3A_863] {strides = array<i32>} : memref<2x3200x16xi32, #tpu.memory_space<vmem>>, vector<1x1x16xi32>,
        %get3A_865 = vector.shape_cast %get3A_864 : vector<1x1x16xi32> to vector<16xi32>
        %shift_left3A_866 = arith.constant 16 : i32
        %shift_left3A_867 = vector.broadcast %shift_left3A_866 : i32 to vector<16xi32>
        %shift_left3A_868 = arith.shli %get3A_865, %shift_left3A_867 : vector<16xi32>
        %bitcast_convert_type3A_869 = tpu.bitcast %shift_left3A_868 : vector<16xi32> -> vector<16xf32>
        %add3A_870 = arith.addf %add3A_840, %bitcast_convert_type3A_869 : vector<16xf32>
        %bitcast_convert_type3A_871 = tpu.bitcast %get3A_865 : vector<16xi32> -> vector<16xf32>
        %add3A_872 = arith.addf %add3A_842, %bitcast_convert_type3A_871 : vector<16xf32>
        %add3A_873 = arith.constant 64 : i32
        %add3A_874 = arith.addi %add3A_859, %add3A_873 : i32
        %get3A_875 = arith.constant 1 : i32
        %get3A_876 = arith.index_cast %get3A_875 : i32 to index
        %get3A_877 = arith.index_cast %add3A_874 : i32 to index
        %get3A_878 = arith.constant 0 : index
        %get3A_879 = tpu.vector_load %arg6[%get3A_876, %get3A_877, %get3A_878] {strides = array<i32>} : memref<2x3200x16xi32, #tpu.memory_space<vmem>>, vector<1x1x16xi32>,
        %get3A_880 = vector.shape_cast %get3A_879 : vector<1x1x16xi32> to vector<16xi32>
        %shift_left3A_881 = arith.constant 16 : i32
        %shift_left3A_882 = vector.broadcast %shift_left3A_881 : i32 to vector<16xi32>
        %shift_left3A_883 = arith.shli %get3A_880, %shift_left3A_882 : vector<16xi32>
        %bitcast_convert_type3A_884 = tpu.bitcast %shift_left3A_883 : vector<16xi32> -> vector<16xf32>
        %add3A_885 = arith.addf %add3A_855, %bitcast_convert_type3A_884 : vector<16xf32>
        %bitcast_convert_type3A_886 = tpu.bitcast %get3A_880 : vector<16xi32> -> vector<16xf32>
        %add3A_887 = arith.addf %add3A_857, %bitcast_convert_type3A_886 : vector<16xf32>
        %add3A_888 = arith.constant 2944 : i32
        %add3A_889 = arith.addi %add3A_888, %scan3A_193 : i32
        %get3A_890 = arith.constant 1 : i32
        %get3A_891 = arith.index_cast %get3A_890 : i32 to index
        %get3A_892 = arith.index_cast %add3A_889 : i32 to index
        %get3A_893 = arith.constant 0 : index
        %get3A_894 = tpu.vector_load %arg6[%get3A_891, %get3A_892, %get3A_893] {strides = array<i32>} : memref<2x3200x16xi32, #tpu.memory_space<vmem>>, vector<1x1x16xi32>,
        %get3A_895 = vector.shape_cast %get3A_894 : vector<1x1x16xi32> to vector<16xi32>
        %shift_left3A_896 = arith.constant 16 : i32
        %shift_left3A_897 = vector.broadcast %shift_left3A_896 : i32 to vector<16xi32>
        %shift_left3A_898 = arith.shli %get3A_895, %shift_left3A_897 : vector<16xi32>
        %bitcast_convert_type3A_899 = tpu.bitcast %shift_left3A_898 : vector<16xi32> -> vector<16xf32>
        %add3A_900 = arith.addf %add3A_870, %bitcast_convert_type3A_899 : vector<16xf32>
        %bitcast_convert_type3A_901 = tpu.bitcast %get3A_895 : vector<16xi32> -> vector<16xf32>
        %add3A_902 = arith.addf %add3A_872, %bitcast_convert_type3A_901 : vector<16xf32>
        %add3A_903 = arith.constant 64 : i32
        %add3A_904 = arith.addi %add3A_889, %add3A_903 : i32
        %get3A_905 = arith.constant 1 : i32
        %get3A_906 = arith.index_cast %get3A_905 : i32 to index
        %get3A_907 = arith.index_cast %add3A_904 : i32 to index
        %get3A_908 = arith.constant 0 : index
        %get3A_909 = tpu.vector_load %arg6[%get3A_906, %get3A_907, %get3A_908] {strides = array<i32>} : memref<2x3200x16xi32, #tpu.memory_space<vmem>>, vector<1x1x16xi32>,
        %get3A_910 = vector.shape_cast %get3A_909 : vector<1x1x16xi32> to vector<16xi32>
        %shift_left3A_911 = arith.constant 16 : i32
        %shift_left3A_912 = vector.broadcast %shift_left3A_911 : i32 to vector<16xi32>
        %shift_left3A_913 = arith.shli %get3A_910, %shift_left3A_912 : vector<16xi32>
        %bitcast_convert_type3A_914 = tpu.bitcast %shift_left3A_913 : vector<16xi32> -> vector<16xf32>
        %add3A_915 = arith.addf %add3A_885, %bitcast_convert_type3A_914 : vector<16xf32>
        %bitcast_convert_type3A_916 = tpu.bitcast %get3A_910 : vector<16xi32> -> vector<16xf32>
        %add3A_917 = arith.addf %add3A_887, %bitcast_convert_type3A_916 : vector<16xf32>
        %add3A_918 = arith.constant 3072 : i32
        %add3A_919 = arith.addi %add3A_918, %scan3A_193 : i32
        %get3A_920 = arith.constant 1 : i32
        %get3A_921 = arith.index_cast %get3A_920 : i32 to index
        %get3A_922 = arith.index_cast %add3A_919 : i32 to index
        %get3A_923 = arith.constant 0 : index
        %get3A_924 = tpu.vector_load %arg6[%get3A_921, %get3A_922, %get3A_923] {strides = array<i32>} : memref<2x3200x16xi32, #tpu.memory_space<vmem>>, vector<1x1x16xi32>,
        %get3A_925 = vector.shape_cast %get3A_924 : vector<1x1x16xi32> to vector<16xi32>
        %shift_left3A_926 = arith.constant 16 : i32
        %shift_left3A_927 = vector.broadcast %shift_left3A_926 : i32 to vector<16xi32>
        %shift_left3A_928 = arith.shli %get3A_925, %shift_left3A_927 : vector<16xi32>
        %bitcast_convert_type3A_929 = tpu.bitcast %shift_left3A_928 : vector<16xi32> -> vector<16xf32>
        %add3A_930 = arith.addf %add3A_900, %bitcast_convert_type3A_929 : vector<16xf32>
        %bitcast_convert_type3A_931 = tpu.bitcast %get3A_925 : vector<16xi32> -> vector<16xf32>
        %add3A_932 = arith.addf %add3A_902, %bitcast_convert_type3A_931 : vector<16xf32>
        %add3A_933 = arith.constant 64 : i32
        %add3A_934 = arith.addi %add3A_919, %add3A_933 : i32
        %get3A_935 = arith.constant 1 : i32
        %get3A_936 = arith.index_cast %get3A_935 : i32 to index
        %get3A_937 = arith.index_cast %add3A_934 : i32 to index
        %get3A_938 = arith.constant 0 : index
        %get3A_939 = tpu.vector_load %arg6[%get3A_936, %get3A_937, %get3A_938] {strides = array<i32>} : memref<2x3200x16xi32, #tpu.memory_space<vmem>>, vector<1x1x16xi32>,
        %get3A_940 = vector.shape_cast %get3A_939 : vector<1x1x16xi32> to vector<16xi32>
        %shift_left3A_941 = arith.constant 16 : i32
        %shift_left3A_942 = vector.broadcast %shift_left3A_941 : i32 to vector<16xi32>
        %shift_left3A_943 = arith.shli %get3A_940, %shift_left3A_942 : vector<16xi32>
        %bitcast_convert_type3A_944 = tpu.bitcast %shift_left3A_943 : vector<16xi32> -> vector<16xf32>
        %add3A_945 = arith.addf %add3A_915, %bitcast_convert_type3A_944 : vector<16xf32>
        %bitcast_convert_type3A_946 = tpu.bitcast %get3A_940 : vector<16xi32> -> vector<16xf32>
        %add3A_947 = arith.addf %add3A_917, %bitcast_convert_type3A_946 : vector<16xf32>
        %add3A_948 = arith.addf %add3A_930, %add3A_945 : vector<16xf32>
        %mul3A_949 = arith.constant 2.000000e-02 : f32
        %mul3A_950 = vector.broadcast %mul3A_949 : f32 to vector<16xf32>
        %mul3A_951 = arith.mulf %add3A_948, %mul3A_950 : vector<16xf32>
        %swap3A = arith.constant 1 : i32
        %swap3A_952 = arith.index_cast %swap3A : i32 to index
        %swap3A_953 = arith.index_cast %scan3A_193 : i32 to index
        %swap3A_954 = arith.constant 0 : index
        %swap3A_955 = tpu.vector_load %arg7[%swap3A_952, %swap3A_953, %swap3A_954] {strides = array<i32>} : memref<2x64x32xf32, #tpu.memory_space<vmem>>, vector<1x1x16xf32>,
        %swap3A_956 = vector.shape_cast %swap3A_955 : vector<1x1x16xf32> to vector<16xf32>
        %swap3A_957 = vector.shape_cast %mul3A_951 : vector<16xf32> to vector<1x1x16xf32>
        tpu.vector_store %arg7[%swap3A_952, %swap3A_953, %swap3A_954], %swap3A_957 {strides = array<i32>} : memref<2x64x32xf32, #tpu.memory_space<vmem>>, vector<1x1x16xf32>,
        %add3A_958 = arith.addf %add3A_932, %add3A_947 : vector<16xf32>
        %mul3A_959 = arith.constant 2.000000e-02 : f32
        %mul3A_960 = vector.broadcast %mul3A_959 : f32 to vector<16xf32>
        %mul3A_961 = arith.mulf %add3A_958, %mul3A_960 : vector<16xf32>
        %swap3A_962 = arith.constant 1 : i32
        %swap3A_963 = arith.index_cast %swap3A_962 : i32 to index
        %swap3A_964 = arith.index_cast %scan3A_193 : i32 to index
        %swap3A_965 = arith.constant 16 : index
        %swap3A_966 = tpu.vector_load %arg7[%swap3A_963, %swap3A_964, %swap3A_965] {strides = array<i32>} : memref<2x64x32xf32, #tpu.memory_space<vmem>>, vector<1x1x16xf32>,
        %swap3A_967 = vector.shape_cast %swap3A_966 : vector<1x1x16xf32> to vector<16xf32>
        %swap3A_968 = vector.shape_cast %mul3A_961 : vector<16xf32> to vector<1x1x16xf32>
        tpu.vector_store %arg7[%swap3A_963, %swap3A_964, %swap3A_965], %swap3A_968 {strides = array<i32>} : memref<2x64x32xf32, #tpu.memory_space<vmem>>, vector<1x1x16xf32>,
      }
      %scan3A_175 = arith.constant 64 : i32
      %dma_start3A_176 = arith.constant 1 : i32
      %dma_start3A_177 = arith.constant 0 : i32
      %dma_start3A_178 = arith.constant 0 : i32
      %dma_start3A_179 = tpu.memref_slice %arg7[%dma_start3A_176, %dma_start3A_177, %dma_start3A_178] : memref<2x64x32xf32, #tpu.memory_space<vmem>> -> memref<1x64x32xf32, #tpu.memory_space<vmem>>
      %dma_start3A_180 = tpu.memref_squeeze %dma_start3A_179 : memref<1x64x32xf32, #tpu.memory_space<vmem>> -> memref<64x32xf32, #tpu.memory_space<vmem>>
      %dma_start3A_181 = arith.constant 0 : i32
      %dma_start3A_182 = arith.constant 0 : i32
      %dma_start3A_183 = tpu.memref_slice %arg4[%add3A_164, %dma_start3A_181, %dma_start3A_182] : memref<1024x64x32xf32, #tpu.memory_space<hbm>> -> memref<1x64x32xf32, #tpu.memory_space<hbm>>
      %dma_start3A_184 = tpu.memref_squeeze %dma_start3A_183 : memref<1x64x32xf32, #tpu.memory_space<hbm>> -> memref<64x32xf32, #tpu.memory_space<hbm>>
      %dma_start3A_185 = arith.constant 0 : i32
      %dma_start3A_186 = arith.constant 0 : i32
      %dma_start3A_187 = tpu.memref_slice %arg4[%add3A_164, %dma_start3A_185, %dma_start3A_186] : memref<1024x64x32xf32, #tpu.memory_space<hbm>> -> memref<1x64x32xf32, #tpu.memory_space<hbm>>
      %dma_start3A_188 = tpu.memref_squeeze %dma_start3A_187 : memref<1x64x32xf32, #tpu.memory_space<hbm>> -> memref<64x32xf32, #tpu.memory_space<hbm>>
      %dma_start3A_189 = arith.constant 0 : i32
      %dma_start3A_190 = arith.constant 0 : i32
      %dma_start3A_191 = tpu.memref_slice %arg7[%dma_start3A_176, %dma_start3A_189, %dma_start3A_190] : memref<2x64x32xf32, #tpu.memory_space<vmem>> -> memref<1x64x32xf32, #tpu.memory_space<vmem>>
      %dma_start3A_192 = tpu.memref_squeeze %dma_start3A_191 : memref<1x64x32xf32, #tpu.memory_space<vmem>> -> memref<64x32xf32, #tpu.memory_space<vmem>>
      tpu.enqueue_dma source(%dma_start3A_192 : memref<64x32xf32, #tpu.memory_space<vmem>>) target(%dma_start3A_188 : memref<64x32xf32, #tpu.memory_space<hbm>>) target_semaphore(%arg11 : memref<!tpu.dma_semaphore, #tpu.memory_space<semaphore_mem>>)
    }
    %scan3A_33 = arith.constant 16 : i32
    %dma_wait3A = arith.constant 0 : i32
    %dma_wait3A_34 = arith.constant 0 : i32
    %dma_wait3A_35 = arith.constant 0 : i32
    %dma_wait3A_36 = tpu.memref_slice %arg7[%dma_wait3A, %dma_wait3A_34, %dma_wait3A_35] : memref<2x64x32xf32, #tpu.memory_space<vmem>> -> memref<1x64x32xf32, #tpu.memory_space<vmem>>
    %dma_wait3A_37 = tpu.memref_squeeze %dma_wait3A_36 : memref<1x64x32xf32, #tpu.memory_space<vmem>> -> memref<64x32xf32, #tpu.memory_space<vmem>>
    %dma_wait3A_38 = arith.constant 0 : i32
    %dma_wait3A_39 = arith.constant 0 : i32
    %dma_wait3A_40 = tpu.memref_slice %arg4[%mul3A_2, %dma_wait3A_38, %dma_wait3A_39] : memref<1024x64x32xf32, #tpu.memory_space<hbm>> -> memref<1x64x32xf32, #tpu.memory_space<hbm>>
    %dma_wait3A_41 = tpu.memref_squeeze %dma_wait3A_40 : memref<1x64x32xf32, #tpu.memory_space<hbm>> -> memref<64x32xf32, #tpu.memory_space<hbm>>
    %dma_wait3A_42 = arith.constant 0 : i32
    %dma_wait3A_43 = arith.constant 0 : i32
    %dma_wait3A_44 = tpu.memref_slice %arg7[%dma_wait3A, %dma_wait3A_42, %dma_wait3A_43] : memref<2x64x32xf32, #tpu.memory_space<vmem>> -> memref<1x64x32xf32, #tpu.memory_space<vmem>>
    %dma_wait3A_45 = tpu.memref_squeeze %dma_wait3A_44 : memref<1x64x32xf32, #tpu.memory_space<vmem>> -> memref<64x32xf32, #tpu.memory_space<vmem>>
    %dma_wait3A_46 = arith.constant 0 : i32
    %dma_wait3A_47 = arith.constant 0 : i32
    %dma_wait3A_48 = tpu.memref_slice %arg4[%mul3A_2, %dma_wait3A_46, %dma_wait3A_47] : memref<1024x64x32xf32, #tpu.memory_space<hbm>> -> memref<1x64x32xf32, #tpu.memory_space<hbm>>
    %dma_wait3A_49 = tpu.memref_squeeze %dma_wait3A_48 : memref<1x64x32xf32, #tpu.memory_space<hbm>> -> memref<64x32xf32, #tpu.memory_space<hbm>>
    tpu.wait_dma2 semaphore(%arg10 : memref<!tpu.dma_semaphore, #tpu.memory_space<semaphore_mem>>) src(%dma_wait3A_49 : memref<64x32xf32, #tpu.memory_space<hbm>>) dst(%dma_wait3A_45 : memref<64x32xf32, #tpu.memory_space<vmem>>)
    %dma_wait3A_50 = arith.constant 1 : i32
    %dma_wait3A_51 = arith.constant 0 : i32
    %dma_wait3A_52 = arith.constant 0 : i32
    %dma_wait3A_53 = tpu.memref_slice %arg7[%dma_wait3A_50, %dma_wait3A_51, %dma_wait3A_52] : memref<2x64x32xf32, #tpu.memory_space<vmem>> -> memref<1x64x32xf32, #tpu.memory_space<vmem>>
    %dma_wait3A_54 = tpu.memref_squeeze %dma_wait3A_53 : memref<1x64x32xf32, #tpu.memory_space<vmem>> -> memref<64x32xf32, #tpu.memory_space<vmem>>
    %dma_wait3A_55 = arith.constant 0 : i32
    %dma_wait3A_56 = arith.constant 0 : i32
    %dma_wait3A_57 = tpu.memref_slice %arg4[%mul3A_2, %dma_wait3A_55, %dma_wait3A_56] : memref<1024x64x32xf32, #tpu.memory_space<hbm>> -> memref<1x64x32xf32, #tpu.memory_space<hbm>>
    %dma_wait3A_58 = tpu.memref_squeeze %dma_wait3A_57 : memref<1x64x32xf32, #tpu.memory_space<hbm>> -> memref<64x32xf32, #tpu.memory_space<hbm>>
    %dma_wait3A_59 = arith.constant 0 : i32
    %dma_wait3A_60 = arith.constant 0 : i32
    %dma_wait3A_61 = tpu.memref_slice %arg7[%dma_wait3A_50, %dma_wait3A_59, %dma_wait3A_60] : memref<2x64x32xf32, #tpu.memory_space<vmem>> -> memref<1x64x32xf32, #tpu.memory_space<vmem>>
    %dma_wait3A_62 = tpu.memref_squeeze %dma_wait3A_61 : memref<1x64x32xf32, #tpu.memory_space<vmem>> -> memref<64x32xf32, #tpu.memory_space<vmem>>
    %dma_wait3A_63 = arith.constant 0 : i32
    %dma_wait3A_64 = arith.constant 0 : i32
    %dma_wait3A_65 = tpu.memref_slice %arg4[%mul3A_2, %dma_wait3A_63, %dma_wait3A_64] : memref<1024x64x32xf32, #tpu.memory_space<hbm>> -> memref<1x64x32xf32, #tpu.memory_space<hbm>>
    %dma_wait3A_66 = tpu.memref_squeeze %dma_wait3A_65 : memref<1x64x32xf32, #tpu.memory_space<hbm>> -> memref<64x32xf32, #tpu.memory_space<hbm>>
    tpu.wait_dma2 semaphore(%arg11 : memref<!tpu.dma_semaphore, #tpu.memory_space<semaphore_mem>>) src(%dma_wait3A_66 : memref<64x32xf32, #tpu.memory_space<hbm>>) dst(%dma_wait3A_62 : memref<64x32xf32, #tpu.memory_space<vmem>>)
    return
  }
}

module attributes {stable_mosaic.version = 14 : i64} {
  func.func @_mlp_body(%arg0: i32, %arg1: memref<2048x32xf32, #tpu.memory_space<vmem>>, %arg2: memref<32x32xf32, #tpu.memory_space<vmem>>, %arg3: memref<1x32xf32, #tpu.memory_space<vmem>>, %arg4: memref<32x32xf32, #tpu.memory_space<vmem>>, %arg5: memref<1x32xf32, #tpu.memory_space<vmem>>, %arg6: memref<2048x16xi32, #tpu.memory_space<vmem>>) attributes {dimension_semantics = [#tpu.dimension_semantics<arbitrary>], iteration_bounds = array<i64: 49>, scalar_prefetch = 0 : i64, scratch_operands = 0 : i64, tpu.core_type = #tpu.core_type<tc>, window_params = [{transform_indices = @transform_0, window_bounds = array<i64: 2048, 32>}, {pipeline_mode = #tpu.pipeline_mode<synchronous>, transform_indices = @transform_1, window_bounds = array<i64: 32, 32>}, {pipeline_mode = #tpu.pipeline_mode<synchronous>, transform_indices = @transform_2, window_bounds = array<i64: 1, 32>}, {pipeline_mode = #tpu.pipeline_mode<synchronous>, transform_indices = @transform_3, window_bounds = array<i64: 32, 32>}, {pipeline_mode = #tpu.pipeline_mode<synchronous>, transform_indices = @transform_4, window_bounds = array<i64: 1, 32>}, {transform_indices = @transform_5, window_bounds = array<i64: 2048, 16>}]} {
    %get3A = arith.constant 0 : index
    %get3A_0 = arith.constant 0 : index
    %get3A_1 = vector.load %arg1[%get3A, %get3A_0] : memref<2048x32xf32, #tpu.memory_space<vmem>>, vector<2048x32xf32>
    %get3A_2 = arith.constant 0 : index
    %get3A_3 = arith.constant 0 : index
    %get3A_4 = vector.load %arg2[%get3A_2, %get3A_3] : memref<32x32xf32, #tpu.memory_space<vmem>>, vector<32x32xf32>
    %dot_general3A = arith.constant dense<0.000000e+00> : vector<2048x32xf32>
    %dot_general3A_5 = tpu.matmul %get3A_1, %get3A_4, %dot_general3A {dimension_numbers = #tpu.dot_dimension_numbers<[1], [0], [0], [1], [0, 0, 1, 1], [], []>, transpose_lhs_hint = false} : vector<2048x32xf32>, vector<32x32xf32>, vector<2048x32xf32> -> vector<2048x32xf32>
    %get3A_6 = arith.constant 0 : index
    %get3A_7 = arith.constant 0 : index
    %get3A_8 = vector.load %arg3[%get3A_6, %get3A_7] : memref<1x32xf32, #tpu.memory_space<vmem>>, vector<1x32xf32>
    %add3A = vector.broadcast %get3A_8 : vector<1x32xf32> to vector<2048x32xf32>
    %add3A_9 = arith.addf %dot_general3A_5, %add3A : vector<2048x32xf32>
    %ge3A = arith.constant 0.000000e+00 : f32
    %ge3A_10 = vector.broadcast %ge3A : f32 to vector<2048x32xf32>
    %ge3A_11 = arith.cmpf oge, %add3A_9, %ge3A_10 : vector<2048x32xf32>
    %mul3A = arith.constant 0.00999999977 : f32
    %mul3A_12 = vector.broadcast %mul3A : f32 to vector<2048x32xf32>
    %mul3A_13 = arith.mulf %mul3A_12, %add3A_9 : vector<2048x32xf32>
    %select_n3A = arith.select %ge3A_11, %add3A_9, %mul3A_13 : vector<2048x32xi1>, vector<2048x32xf32>
    %get3A_14 = arith.constant 0 : index
    %get3A_15 = arith.constant 0 : index
    %get3A_16 = vector.load %arg4[%get3A_14, %get3A_15] : memref<32x32xf32, #tpu.memory_space<vmem>>, vector<32x32xf32>
    %dot_general3A_17 = arith.constant dense<0.000000e+00> : vector<2048x32xf32>
    %dot_general3A_18 = tpu.matmul %select_n3A, %get3A_16, %dot_general3A_17 {dimension_numbers = #tpu.dot_dimension_numbers<[1], [0], [0], [1], [0, 0, 1, 1], [], []>, transpose_lhs_hint = false} : vector<2048x32xf32>, vector<32x32xf32>, vector<2048x32xf32> -> vector<2048x32xf32>
    %get3A_19 = arith.constant 0 : index
    %get3A_20 = arith.constant 0 : index
    %get3A_21 = vector.load %arg5[%get3A_19, %get3A_20] : memref<1x32xf32, #tpu.memory_space<vmem>>, vector<1x32xf32>
    %add3A_22 = vector.broadcast %get3A_21 : vector<1x32xf32> to vector<2048x32xf32>
    %add3A_23 = arith.addf %dot_general3A_18, %add3A_22 : vector<2048x32xf32>
    %ge3A_24 = arith.constant 0.000000e+00 : f32
    %ge3A_25 = vector.broadcast %ge3A_24 : f32 to vector<2048x32xf32>
    %ge3A_26 = arith.cmpf oge, %add3A_23, %ge3A_25 : vector<2048x32xf32>
    %mul3A_27 = arith.constant 0.00999999977 : f32
    %mul3A_28 = vector.broadcast %mul3A_27 : f32 to vector<2048x32xf32>
    %mul3A_29 = arith.mulf %mul3A_28, %add3A_23 : vector<2048x32xf32>
    %select_n3A_30 = arith.select %ge3A_26, %add3A_23, %mul3A_29 : vector<2048x32xi1>, vector<2048x32xf32>
    %slice3A = vector.extract_strided_slice %select_n3A_30 {offsets = [0, 0], sizes = [2048, 16], strides = [1, 1]} : vector<2048x32xf32> to vector<2048x16xf32>
    %convert_element_type3A = arith.truncf %slice3A : vector<2048x16xf32> to vector<2048x16xbf16>
    %bitcast_convert_type3A = tpu.bitcast %convert_element_type3A : vector<2048x16xbf16> -> vector<2048x16xi16>
    %convert_element_type3A_31 = arith.extui %bitcast_convert_type3A : vector<2048x16xi16> to vector<2048x16xi32>
    %slice3A_32 = vector.extract_strided_slice %select_n3A_30 {offsets = [0, 16], sizes = [2048, 16], strides = [1, 1]} : vector<2048x32xf32> to vector<2048x16xf32>
    %convert_element_type3A_33 = arith.truncf %slice3A_32 : vector<2048x16xf32> to vector<2048x16xbf16>
    %bitcast_convert_type3A_34 = tpu.bitcast %convert_element_type3A_33 : vector<2048x16xbf16> -> vector<2048x16xi16>
    %convert_element_type3A_35 = arith.extui %bitcast_convert_type3A_34 : vector<2048x16xi16> to vector<2048x16xi32>
    %shift_left3A = arith.constant 16 : i32
    %shift_left3A_36 = vector.broadcast %shift_left3A : i32 to vector<2048x16xi32>
    %shift_left3A_37 = arith.shli %convert_element_type3A_35, %shift_left3A_36 : vector<2048x16xi32>
    %or3A = arith.ori %convert_element_type3A_31, %shift_left3A_37 : vector<2048x16xi32>
    %swap3A = arith.constant 0 : index
    %swap3A_38 = arith.constant 0 : index
    %swap3A_39 = vector.load %arg6[%swap3A, %swap3A_38] : memref<2048x16xi32, #tpu.memory_space<vmem>>, vector<2048x16xi32>
    tpu.vector_store %arg6[%swap3A, %swap3A_38], %or3A {strides = array<i32>} : memref<2048x16xi32, #tpu.memory_space<vmem>>, vector<2048x16xi32>,
    return
  }
  func.func @transform_0(%arg0: i32) -> (i32, i32) {
    %c0_i32 = arith.constant 0 : i32
    %c0_i32_0 = arith.constant 0 : i32
    return %arg0, %c0_i32 : i32, i32
  }
  func.func @transform_1(%arg0: i32) -> (i32, i32) {
    %c0_i32 = arith.constant 0 : i32
    %c0_i32_0 = arith.constant 0 : i32
    %c0_i32_1 = arith.constant 0 : i32
    return %c0_i32, %c0_i32_0 : i32, i32
  }
  func.func @transform_2(%arg0: i32) -> (i32, i32) {
    %c0_i32 = arith.constant 0 : i32
    %c0_i32_0 = arith.constant 0 : i32
    %c0_i32_1 = arith.constant 0 : i32
    return %c0_i32, %c0_i32_0 : i32, i32
  }
  func.func @transform_3(%arg0: i32) -> (i32, i32) {
    %c0_i32 = arith.constant 0 : i32
    %c0_i32_0 = arith.constant 0 : i32
    %c0_i32_1 = arith.constant 0 : i32
    return %c0_i32, %c0_i32_0 : i32, i32
  }
  func.func @transform_4(%arg0: i32) -> (i32, i32) {
    %c0_i32 = arith.constant 0 : i32
    %c0_i32_0 = arith.constant 0 : i32
    %c0_i32_1 = arith.constant 0 : i32
    return %c0_i32, %c0_i32_0 : i32, i32
  }
  func.func @transform_5(%arg0: i32) -> (i32, i32) {
    %c0_i32 = arith.constant 0 : i32
    %c0_i32_0 = arith.constant 0 : i32
    return %arg0, %c0_i32 : i32, i32
  }
}

</mosaic_0001>

<sc_bundles>
// kernel: kernel.4.cloned.1.call-start
scs
__scs_entry_jumppad:
0x0: {  	(pc) =	sbr.rel $0x88, $3  }
0x1: {  	(tag) =	ssettag $0x0;
	lr =	simm.s32 $0x1  }
0x2: {  	[smem:$0x3F9B] =	sst lr;
	_ =	strace $0xD0000000  }
0x3: {  	_ = 	snop  }
0x4: {  	_ = 	snop  }
0x5: {  	_ = 	snop  }
0x6: {  	_ = 	snop  }
0x7: {  	_ = 	snop  }
__scs_overlays_trampoline_lowered:
0x8: {  	[smem:$0x3FAA] =	sst s0  }
0x9: {  	[smem:$0x3FAB] =	sst s1  }
0xa: {  	[smem:$0x3FAC] =	sst s2  }
0xb: {  	[smem:$0x3FAD] =	sst s3  }
0xc: {  	[smem:$0x3FAE] =	sst s4  }
0xd: {  	[smem:$0x3FAF] =	sst s5  }
0xe: {  	[smem:$0x3FB0] =	sst s6  }
0xf: {  	[smem:$0x3FB1] =	sst s7  }
0x10: {  	[smem:$0x3FB2] =	sst s8  }
0x11: {  	[smem:$0x3FB3] =	sst s9;
	s0 =	simm.s32 @!p0 $0x0  }
0x12: {  	s1 =	sld [smem:$0x3F99];
	s0 =	simm.s32 @p0 $0x1  }
0x13: {  	[smem:$0x3FB4] =	sst s0;
	s0 =	simm.s32 @!p1 $0x0  }
0x14: {  	s2 =	sld [smem:$0x3F98];
	s0 =	simm.s32 @p1 $0x1  }
0x15: {  	[smem:$0x3FB5] =	sst s0;
	s0 =	simm.s32 @!p2 $0x0  }
0x16: {  	s3 =	sld [smem:$0x3FDB];
	s0 =	simm.s32 @p2 $0x1  }
0x17: {  	s4 =	simm.s32 $0x1BF5;
	[smem:$0x3FB7] =	sst s0  }
0x18: {  	s0 =	sld [smem:$0x3F9A];
	_ =	swait.ge [sflag:s4], $0x0  }
0x19: {  	s7 =	sld [smem:$0x3F9B]  }
0x1a: {  	s8 =	sadd.s32 $0xFFFFE003, lr  }
0x1b: {  	s9 =	sadd.s32 $0xFFFFFEF7, lr;
	s5 =	simm.s32 $0xFFFFFFFF;
	p2 =	slt.u32 s8, $0xFFFFF086  }
0x1c: {  	p1 =	slt.u32 s9, $0xF7A;
	s5 =	simm.s32 @!p2 $0x0  }
0x1d: {  	s5 =	simm.s32 @p1 $0x1;
	p0 =	seq.s32 s7, s2  }
0x1e: {  	s7 =	smul.u32 @!p0 $0xF7A, s2;
	p2 =	seq.s32 @!p0 s5, $0x0  }
0x1f: {  	s9 =	smul.u32 $0xF7A, s1;
	s8 =	simm.s32 @!p0 $0x1BF5;
	p2 =	por !p2, p0  }
0x20: {  	[sflag:s8] =	ssyncset.s32 @!p0 $0xFFFFF086;
	s6 =	sadd.s32 @!p0 s3, s7;
	s7 =	simm.s32 @!p0 $0x108  }
0x21: {  	s3 =	sadd.s32 s3, s9;
	s6 =	sadd.s32 @!p0 $0x88, s6;
	s7 =	simm.s32 @p2 $0x1082  }
0x22: {  	[simem:s7], [sflag:s8] =	dma.local @!p0 [hbm:s6], $0xF7A  }
0x23: {  	s9 =	sor.u32 $0xD0000000, s2;
	s6 =	simm.s32 $0x108;
	_ =	swait.ge @!p0 [sflag:s8], $0x0  }
0x24: {  	s3 =	sadd.s32 $0x88, s3;
	s6 =	simm.s32 @!p1 $0x1082;
	[sflag:s4] =	ssyncset.s32 $0xFFFFF086  }
0x25: {  	[simem:s6], [sflag:s4] =	dma.local [hbm:s3], $0xF7A  }
0x26: {  	[smem:$0x3F9B] =	sst s1;
	(tag) =	ssettag s2;
	_ =	strace s9  }
0x27: {  	s1 =	sld [smem:$0x3FAB]  }
0x28: {  	s2 =	sld [smem:$0x3FAC]  }
0x29: {  	s4 =	sld [smem:$0x3FAE]  }
0x2a: {  	p0 =	seq.s32 s5, $0x0;
	s5 =	sld [smem:$0x3FAF]  }
0x2b: {  	s6 =	sld [smem:$0x3FB0]  }
0x2c: {  	s7 =	sld [smem:$0x3FB1]  }
0x2d: {  	s3 =	simm.s32 $0x108;
	s8 =	sld [smem:$0x3FB2]  }
0x2e: {  	s3 =	simm.s32 @!p0 $0x1082;
	s9 =	sld [smem:$0x3FB3]  }
0x2f: {  	lr =	sadd.s32 s0, s3;
	s0 =	sld [smem:$0x3FAA]  }
0x30: {  	s3 =	sld [smem:$0x3FAD]  }
0x31: {  	[smem:$0x3FB6] =	sst s10  }
0x32: {  	s10 =	sld [smem:$0x3FB4];
	_ =	sdelay $0x3  }
0x33: {  	p0 =	seq.s32 s10, $0x1;
	s10 =	sld [smem:$0x3FB6];
	_ =	sdelay $0x3  }
0x34: {  	[smem:$0x3FB6] =	sst s10  }
0x35: {  	s10 =	sld [smem:$0x3FB5];
	_ =	sdelay $0x3  }
0x36: {  	p1 =	seq.s32 s10, $0x1;
	s10 =	sld [smem:$0x3FB6];
	_ =	sdelay $0x3  }
0x37: {  	[smem:$0x3FB6] =	sst s10  }
0x38: {  	s10 =	sld [smem:$0x3FB7]  }
0x39: {  	_ = 	snop;
	(pc) =	sbr.ind lr, $3  }
0x3a: {  	_ = 	snop  }
0x3b: {  	_ = 	snop  }
0x3c: {  	p2 =	seq.s32 s10, $0x1;
	s10 =	sld [smem:$0x3FB6]  }
0x3d: {  	_ =	shalt  }
0x3e: {  	_ =	shalt  }
0x3f: {  	_ =	shalt  }
0x40: {  	_ =	shalt  }
0x41: {  	_ =	shalt  }
0x42: {  	_ =	shalt  }
0x43: {  	_ =	shalt  }
0x44: {  	_ =	shalt  }
0x45: {  	_ =	shalt  }
0x46: {  	_ =	shalt  }
0x47: {  	_ =	shalt  }
0x48: {  	_ =	shalt  }
0x49: {  	_ =	shalt  }
0x4a: {  	_ =	shalt  }
0x4b: {  	_ =	shalt  }
0x4c: {  	_ =	shalt  }
0x4d: {  	_ =	shalt  }
0x4e: {  	_ =	shalt  }
0x4f: {  	_ =	shalt  }
0x50: {  	_ =	shalt  }
0x51: {  	_ =	shalt  }
0x52: {  	_ =	shalt  }
0x53: {  	_ =	shalt  }
0x54: {  	_ =	shalt  }
0x55: {  	_ =	shalt  }
0x56: {  	_ =	shalt  }
0x57: {  	_ =	shalt  }
0x58: {  	_ =	shalt  }
0x59: {  	_ =	shalt  }
0x5a: {  	_ =	shalt  }
0x5b: {  	_ =	shalt  }
0x5c: {  	_ =	shalt  }
0x5d: {  	_ =	shalt  }
0x5e: {  	_ =	shalt  }
0x5f: {  	_ =	shalt  }
0x60: {  	_ =	shalt  }
0x61: {  	_ =	shalt  }
0x62: {  	_ =	shalt  }
0x63: {  	_ =	shalt  }
0x64: {  	_ =	shalt  }
0x65: {  	_ =	shalt  }
0x66: {  	_ =	shalt  }
0x67: {  	_ =	shalt  }
0x68: {  	_ =	shalt  }
0x69: {  	_ =	shalt  }
0x6a: {  	_ =	shalt  }
0x6b: {  	_ =	shalt  }
0x6c: {  	_ =	shalt  }
0x6d: {  	_ =	shalt  }
0x6e: {  	_ =	shalt  }
0x6f: {  	_ =	shalt  }
0x70: {  	_ =	shalt  }
0x71: {  	_ =	shalt  }
0x72: {  	_ =	shalt  }
0x73: {  	_ =	shalt  }
0x74: {  	_ =	shalt  }
0x75: {  	_ =	shalt  }
0x76: {  	_ =	shalt  }
0x77: {  	_ =	shalt  }
0x78: {  	_ =	shalt  }
0x79: {  	_ =	shalt  }
0x7a: {  	_ =	shalt  }
0x7b: {  	_ =	shalt  }
0x7c: {  	_ =	shalt  }
0x7d: {  	_ =	shalt  }
0x7e: {  	_ =	shalt  }
0x7f: {  	_ =	shalt  }
0x80: {  	_ =	shalt  }
0x81: {  	_ =	shalt  }
0x82: {  	_ =	shalt  }
0x83: {  	_ =	shalt  }
0x84: {  	_ =	shalt  }
0x85: {  	_ =	shalt  }
0x86: {  	_ =	shalt  }
0x87: {  	_ =	shalt  }
.Lfunc_end0:
.L_simem_size_0:
called_computation_lowered:
.L_overlay_start_0:
0x88: {  	s2 =	sld [smem:$0x3FD9]  }
0x89: {  	s3 =	sld [smem:$0x3FFE];
	_ =	sdelay $0x1  }
0x8a: {  	s1 =	srdreg.scid  }
0x8b: {  	s0 =	sand.u32 $0x1, s1  }
0x8c: {  	s17 =	sshll.u32 s0, $0xA;
	s2 =	sadd.s32 s3, s2  }
0x8d: {  	s2 =	sadd.s32 s2, s17  }
0x8e: {  	[smem:$0x3FC2] =	sst s2  }
0x8f: {  	_ = 	snop  }
0x90: {  	s2 =	sld [smem:$0x3FD0];
	(tm) =	ssettm $0x1  }
0x91: {  	s18 =	sld [smem:$0x3FFB];
	_ =	sdelay $0x3  }
0x92: {  	_ =	strace s18  }
0x93: {  	s3 =	sld [smem:$0x3FFC];
	_ =	sdelay $0x3  }
0x94: {  	_ =	strace s3  }
0x95: {  	s3 =	sld [smem:$0x3FFD];
	_ =	sdelay $0x3  }
0x96: {  	_ =	strace s3  }
0x97: {  	_ =	strace $0x8FFFFFFF  }
0x98: {  	s19 =	sld [smem:$0x3FDB];
	_ =	sdelay $0x1  }
0x99: {  	s4 =	simm.s32 $_scs_section_size  }
0x9a: {  	s5 =	simm.s32 $_size__tile_overlayer_lowered;
	s6 =	simm.s32 $_tile_overlayer_lowered  }
0x9b: {  	s22 =	simm.s32 $0x1BFF;
	s21 =	sshll.u32 s6, $0x1;
	s3 =	sadd.s32 s4, s19  }
0x9c: {  	s7 =	simm.s32 $0x0;
	s20 =	sshll.u32 s5, $0x1;
	s5 =	sadd.s32 s21, s3  }
0x9d: {  	[timem:s7], [sflag:s22] =	dma.local [hbm:s5], s20  }
0x9e: {  	_ =	swait.ge [sflag:s22], s20  }
0x9f: {  	s4 =	ssub.s32 $0x0, s20;
	[sflag:s22] =	ssyncset.done $0x0  }
0xa0: {  	[sflag:s22] =	ssyncadd.s32 s4;
	_ =	sdelay $0x1  }
0xa1: {  	s23 =	simm.s32 $0x1B8B  }
0xa2: {  	_ =	swait.ge [sflag:s23], $0x1  }
0xa3: {  	[sflag:s23] =	ssyncset.done $0x0  }
0xa4: {  	s25 =	simm.s32 $0x1B8E;
	s24 =	sld [smem:$0x3FFE];
	[sflag:s23] =	ssyncadd.s32 $0xFFFFFFFF  }
0xa5: {  	s26 =	simm.s32 $execute0_lowered;
	[smem:$0x3FD2] =	sst s25  }
0xa6: {  	s5 =	sshll.u32 s26, $0x1;
	_ =	strace $0x80000046;
	[dreg:$0x1] =	wrdreg $0xFFFFFFFF  }
0xa7: {  	s28 =	simm.s32 $_size_execute0_lowered;
	s3 =	sadd.s32 s3, s5;
	[dreg:$0x0] =	wrdreg $0x0  }
0xa8: {  	s5 =	sshll.u32 s28, $0x1;
	[dreg:$0x2] =	wrdreg s3  }
0xa9: {  	[dreg:$0x3] =	wrdreg s5  }
0xaa: {  	[dreg:$0x4] =	wrdreg $0xC0  }
0xab: {  	_ =	task [dreg:s7], $0x5FFFF  }
0xac: {  	[dreg:$0x1] =	wrdreg $0xFFFFFFFF  }
0xad: {  	[dreg:$0x0] =	wrdreg $0x60  }
0xae: {  	[dreg:$0x2] =	wrdreg s24  }
0xaf: {  	[dreg:$0x3] =	wrdreg s2  }
0xb0: {  	[dreg:$0x4] =	wrdreg $0x9  }
0xb1: {  	_ =	task.clear_ibuf [dreg:s7], $0x5FFFF;
	_ =	strace $0x90000046  }
0xb2: {  	s29 =	simm.s32 $0x9;
	_ =	strace $0x80000048  }
0xb3: {  	_ =	swait.ge [sflag:s29], $0x1  }
0xb4: {  	[sflag:s29] =	ssyncadd.s32 $0xFFFFFFFF  }
0xb5: {  	_ =	strace $0x90000048  }
0xb6: {  	_ =	sfence  }
0xb7: {  	s30 =	sld [smem:$0x0];
	_ =	sdelay $0x2  }
0xb8: {  	s31 =	sshll.u32 s1, $0xD;
	s1 =	sshrl.u32 s1, $0x2  }
0xb9: {  	s3 =	sand.u32 $0x4000, s31;
	s1 =	sadd.s32 s1, s30  }
0xba: {  	s0 =	sor.u32 s3, s0;
	s1 =	sshll.u32 s1, $0x11  }
0xbb: {  	s0 =	sor.u32 s1, s0  }
0xbc: {  	s0 =	sadd.s32 $0x8F2B, s0  }
0xbd: {  	[sflag:s0] =	ssyncadd.remote.s32 $0x1  }
0xbe: {  	_ =	sfence.sel $0xFFFF  }
0xbf: {  	[dreg:$0x0] =	wrdreg $0xFFFFFFFF;
	(pc) =	sbr.abs _section_cstart, $3  }
0xc0: {  	[dreg:$0x1] =	wrdreg $0xFFFFFFFF  }
0xc1: {  	_ =	task.clear_ibuf [dreg:s7], $0x2FFFF;
	_ =	strace $0x9FFFFFFF  }
0xc2: {  	(tm) =	ssettm $0x7FFFFFFF  }
0xc3: {  	_ =	shalt  }
tec
execute0_lowered:
.L_overlay_start_1:
0x0: {  	(tag) =	ssettag $0x1  }
0x1: {  	s1 =	srdreg.scid  }
0x2: {  	s6 =	rddreg [dreg:$0x0];
	s0 =	stileid.u32  }
0x3: {  	s2 =	rddreg [dreg:$0x1];
	s3 =	simm.s32 $0x0;
	s11 =	simm.s32 $0x5  }
0x4: {  	s12 =	simm.s32 $0xC80;
	s13 =	simm.s32 $0x1900;
	s14 =	simm.s32 $0x1  }
0x5: {  	s15 =	simm.s32 $0x2;
	s16 =	simm.s32 $0xE100;
	s17 =	simm.s32 $0x1A900  }
0x6: {  	s18 =	simm.s32 $0x1B100;
	s19 =	simm.s32 $0x3;
	s7 =	sand.u32 $0x1, s1  }
0x7: {  	s20 =	simm.s32 $0x4;
	s4 =	sshll.u32 s0, $0x6;
	s5 =	sshll.u32 s7, $0x5  }
0x8: {  	s21 =	simm.s32 $0x0;
	s1 =	rddreg [dreg:$0x2];
	s4 =	sor.u32 s5, s4  }
0x9: {  	[smem:$0x7FF] =	sst s3;
	s9 =	ssub.s32 $0x2, s7;
	s8 =	smul.u32 $0x190, s4  }
0xa: {  	_ =	strace $0x80000047;
	s5 =	sadd.s32 $0x32A00, s6;
	s10 =	sshrl.u32 s9, $0x1  }
0xb: {  	s6 =	sadd.s32 $0x1C00, s6;
	s10 =	ssub.s32 s9, s10;
	s7 =	sadd.s32 s5, s8  }
0xc: {  	s9 =	sadd.s32 $0x100, s2;
	s10 =	smax.u32 s10, $0x1;
	s8 =	sadd.s32 $0x190, s7  }
.LBB2_1:
0xd: {  	[tilespmem:s3], [sflag:$0x5] =	stream.linear.gather [hbm4b:s7+s3], $0xC80, $0x38;
	[tilespmem:$0x1B900] =	vst v63  }
0xe: {  	_ =	swait.ge [sflag:s11], $0xC80  }
0xf: {  	[sflag:s11] =	ssyncset.done $0x0  }
0x10: {  	[sflag:s11] =	ssyncadd.s32 $0xFFFFF380  }
0x11: {  	[tilespmem:s13], [sflag:$0x1] =	stream.indirect.gather [hbm4b:s6+s12], $0x10, s3, s12, $0xb8;
	[tilespmem:$0x1B900] =	vst v63  }
0x12: {  	s22 =	simm.s32 $0x0  }
0x13: {  	[tilespmem:s12], [sflag:$0x2] =	stream.linear.gather [hbm4b:s8+s3], $0xC80, $0x38;
	[tilespmem:$0x1B900] =	vst v63  }
.LBB2_2:
0x14: {  	_ =	swait.ge [sflag:s14], $0xC800;
	s23 =	sshll.u32 s22, $0x1  }
0x15: {  	p0 =	seq.s32 s22, $0xF;
	[sflag:s14] =	ssyncset.done $0x0;
	s24 =	sadd.s32 s4, s23  }
0x16: {  	p1 =	seq.s32 @!p0 s22, $0x0;
	[sflag:s14] =	ssyncadd.s32 $0xFFFF3800;
	s23 =	smul.u32 @!p0 $0xC80, s24  }
0x17: {  	p1 =	por p0, !p1;
	_ =	swait.ge [sflag:s15], $0xC80  }
.Ltmp0:
0x18: {  	[sflag:s15] =	ssyncset.done $0x0;
	s23 =	sshrl.u32 @!p0 s23, $0x3;
	(pc) =	sbr.rel @!p1 .LBB2_3-.Ltmp0, $4  }
0x19: {  	[sflag:s15] =	ssyncadd.s32 $0xFFFFF380;
	s23 =	sadd.s32 @!p0 s5, s23  }
0x1a: {  	[tilespmem:s16], [sflag:$0x1] =	stream.indirect.gather [hbm4b:s6+s12], $0x10, s12, s12, $0xb8;
	[tilespmem:$0x1B900] =	vst v63  }
0x1b: {  	s26 =	simm.s32 @!p0 $0x0;
	s25 =	sadd.s32 @!p0 $0x320, s23  }
0x1c: {  	[tilespmem:s26], [sflag:$0x2] =	stream.linear.gather @!p0 [hbm4b:s25+s26], $0xC80, $0x38;
	[tilespmem:$0x1B900] =	vst v63  }
.Ltmp1:
0x1d: {  	(pc) =	sbr.rel .LBB2_5-.Ltmp1, $4  }
0x1e: {  	_ = 	snop  }
0x1f: {  	_ =	swait.ge [sflag:s19], $0x800  }
0x20: {  	[sflag:s19] =	ssyncset.done $0x0  }
0x21: {  	p1 =	por $0x0, $0x0;
	[sflag:s19] =	ssyncadd.s32 $0xFFFFF800  }
.LBB2_3:
0x22: {  	p1 =	por @!p0 $0x1, $0x1  }
.LBB2_5:
0x23: {  	s25 =	simm.s32 $0x0  }
0x24: {  	v0 =	vld [tilespmem:s25+$0x1900]  }
0x25: {  	v1 =	vld [tilespmem:s25+$0x1D00]  }
0x26: {  	v2 =	vld [tilespmem:s25+$0x2500]  }
0x27: {  	v3 =	vld [tilespmem:s25+$0x2100]  }
0x28: {  	v4 =	vld [tilespmem:s25+$0x2D00]  }
0x29: {  	v5 =	vld [tilespmem:s25+$0x2900];
	v6 =	vshll.u32 v0, $0x10  }
0x2a: {  	v7 =	vld [tilespmem:s25+$0x3500];
	v0 =	vadd.f32 $0.0e+00, v0;
	v8 =	vshll.u32 v1, $0x10;
	v1 =	vadd.f32 $0.0e+00, v1  }
0x2b: {  	v10 =	vld [tilespmem:s25+$0x3100];
	v9 =	vshll.u32 v2, $0x10;
	v6 =	vadd.f32 $0.0e+00, v6;
	v8 =	vadd.f32 $0.0e+00, v8  }
0x2c: {  	v31 =	vld [tilespmem:s25+$0x3900];
	v11 =	vshll.u32 v3, $0x10;
	v0 =	vadd.f32 v3, v0;
	v1 =	vadd.f32 v2, v1  }
0x2d: {  	v30 =	vshll.u32 v4, $0x10;
	v3 =	vld [tilespmem:s25+$0x3D00];
	v2 =	vadd.f32 v11, v6;
	v8 =	vadd.f32 v9, v8  }
0x2e: {  	v35 =	vld [tilespmem:s25+$0x4100];
	v32 =	vshll.u32 v5, $0x10;
	v0 =	vadd.f32 v5, v0;
	v1 =	vadd.f32 v4, v1  }
0x2f: {  	v33 =	vld [tilespmem:s25+$0x4500];
	v34 =	vshll.u32 v7, $0x10;
	v2 =	vadd.f32 v32, v2;
	v6 =	vadd.f32 v30, v8  }
0x30: {  	v37 =	vld [tilespmem:s25+$0x4D00];
	v36 =	vshll.u32 v10, $0x10;
	v0 =	vadd.f32 v10, v0;
	v1 =	vadd.f32 v7, v1  }
0x31: {  	v39 =	vld [tilespmem:s25+$0x4900];
	v40 =	vshll.u32 v31, $0x10;
	v2 =	vadd.f32 v36, v2;
	v4 =	vadd.f32 v34, v6  }
0x32: {  	v41 =	vld [tilespmem:s25+$0x5500];
	v38 =	vshll.u32 v3, $0x10;
	v0 =	vadd.f32 v31, v0;
	v1 =	vadd.f32 v3, v1  }
0x33: {  	v42 =	vld [tilespmem:s25+$0x5100];
	v43 =	vshll.u32 v35, $0x10;
	v2 =	vadd.f32 v40, v2;
	v4 =	vadd.f32 v38, v4  }
0x34: {  	v44 =	vld [tilespmem:s25+$0x5D00];
	v3 =	vshll.u32 v33, $0x10;
	v0 =	vadd.f32 v35, v0;
	v1 =	vadd.f32 v33, v1  }
0x35: {  	v46 =	vld [tilespmem:s25+$0x5900];
	v45 =	vshll.u32 v37, $0x10;
	v2 =	vadd.f32 v43, v2;
	v3 =	vadd.f32 v3, v4  }
0x36: {  	v48 =	vld [tilespmem:s25+$0x6500];
	v47 =	vshll.u32 v39, $0x10;
	v0 =	vadd.f32 v39, v0;
	v1 =	vadd.f32 v37, v1  }
0x37: {  	v50 =	vld [tilespmem:s25+$0x6100];
	v49 =	vshll.u32 v41, $0x10;
	v2 =	vadd.f32 v47, v2;
	v3 =	vadd.f32 v45, v3  }
0x38: {  	v52 =	vld [tilespmem:s25+$0x6D00];
	v51 =	vshll.u32 v42, $0x10;
	v0 =	vadd.f32 v42, v0;
	v1 =	vadd.f32 v41, v1  }
0x39: {  	v54 =	vld [tilespmem:s25+$0x6900];
	v53 =	vshll.u32 v44, $0x10;
	v2 =	vadd.f32 v51, v2;
	v3 =	vadd.f32 v49, v3  }
0x3a: {  	v56 =	vld [tilespmem:s25+$0x7500];
	v55 =	vshll.u32 v46, $0x10;
	v0 =	vadd.f32 v46, v0;
	v1 =	vadd.f32 v44, v1  }
0x3b: {  	v58 =	vld [tilespmem:s25+$0x7100];
	v57 =	vshll.u32 v48, $0x10;
	v2 =	vadd.f32 v55, v2;
	v3 =	vadd.f32 v53, v3  }
0x3c: {  	v60 =	vld [tilespmem:s25+$0x7D00];
	v59 =	vshll.u32 v50, $0x10;
	v0 =	vadd.f32 v50, v0;
	v1 =	vadd.f32 v48, v1  }
0x3d: {  	v62 =	vld [tilespmem:s25+$0x7900];
	v61 =	vshll.u32 v52, $0x10;
	v2 =	vadd.f32 v59, v2;
	v3 =	vadd.f32 v57, v3  }
0x3e: {  	v12 =	vld [tilespmem:s25+$0x8500];
	v63 =	vshll.u32 v54, $0x10;
	v0 =	vadd.f32 v54, v0;
	v1 =	vadd.f32 v52, v1  }
0x3f: {  	v14 =	vld [tilespmem:s25+$0x8100];
	v13 =	vshll.u32 v56, $0x10;
	v2 =	vadd.f32 v63, v2;
	v3 =	vadd.f32 v61, v3  }
0x40: {  	v16 =	vld [tilespmem:s25+$0x8D00];
	v15 =	vshll.u32 v58, $0x10;
	v0 =	vadd.f32 v58, v0;
	v1 =	vadd.f32 v56, v1  }
0x41: {  	v18 =	vld [tilespmem:s25+$0x8900];
	v17 =	vshll.u32 v60, $0x10;
	v2 =	vadd.f32 v15, v2;
	v3 =	vadd.f32 v13, v3  }
0x42: {  	v20 =	vld [tilespmem:s25+$0x9500];
	v19 =	vshll.u32 v62, $0x10;
	v0 =	vadd.f32 v62, v0;
	v1 =	vadd.f32 v60, v1  }
0x43: {  	v22 =	vld [tilespmem:s25+$0x9100];
	v21 =	vshll.u32 v12, $0x10;
	v2 =	vadd.f32 v19, v2;
	v3 =	vadd.f32 v17, v3  }
0x44: {  	v24 =	vld [tilespmem:s25+$0x9D00];
	v23 =	vshll.u32 v14, $0x10;
	v0 =	vadd.f32 v14, v0;
	v1 =	vadd.f32 v12, v1  }
0x45: {  	v26 =	vld [tilespmem:s25+$0x9900];
	v25 =	vshll.u32 v16, $0x10;
	v2 =	vadd.f32 v23, v2;
	v3 =	vadd.f32 v21, v3  }
0x46: {  	v28 =	vld [tilespmem:s25+$0xA500];
	v27 =	vshll.u32 v18, $0x10;
	v0 =	vadd.f32 v18, v0;
	v1 =	vadd.f32 v16, v1  }
0x47: {  	v29 =	vshll.u32 v20, $0x10;
	v30 =	vld [tilespmem:s25+$0xA100];
	v2 =	vadd.f32 v27, v2;
	v3 =	vadd.f32 v25, v3  }
0x48: {  	v34 =	vld [tilespmem:s25+$0xA900];
	v31 =	vshll.u32 v22, $0x10;
	v0 =	vadd.f32 v22, v0;
	v1 =	vadd.f32 v20, v1  }
0x49: {  	v32 =	vld [tilespmem:s25+$0xAD00];
	v33 =	vshll.u32 v24, $0x10;
	v2 =	vadd.f32 v31, v2;
	v3 =	vadd.f32 v29, v3  }
0x4a: {  	v36 =	vld [tilespmem:s25+$0xB500];
	v35 =	vshll.u32 v26, $0x10;
	v0 =	vadd.f32 v26, v0;
	v1 =	vadd.f32 v24, v1  }
0x4b: {  	v38 =	vld [tilespmem:s25+$0xB100];
	v37 =	vshll.u32 v28, $0x10;
	v2 =	vadd.f32 v35, v2;
	v3 =	vadd.f32 v33, v3  }
0x4c: {  	v40 =	vld [tilespmem:s25+$0xBD00];
	v39 =	vshll.u32 v30, $0x10;
	v0 =	vadd.f32 v30, v0;
	v1 =	vadd.f32 v28, v1  }
0x4d: {  	v43 =	vshll.u32 v34, $0x10;
	v42 =	vld [tilespmem:s25+$0xB900];
	v2 =	vadd.f32 v39, v2;
	v3 =	vadd.f32 v37, v3  }
0x4e: {  	v41 =	vshll.u32 v32, $0x10;
	v44 =	vld [tilespmem:s25+$0xC500];
	v0 =	vadd.f32 v34, v0;
	v1 =	vadd.f32 v32, v1  }
0x4f: {  	v45 =	vshll.u32 v36, $0x10;
	v46 =	vld [tilespmem:s25+$0xC100];
	v2 =	vadd.f32 v43, v2;
	v3 =	vadd.f32 v41, v3  }
0x50: {  	v47 =	vshll.u32 v38, $0x10;
	v48 =	vld [tilespmem:s25+$0xCD00];
	v0 =	vadd.f32 v38, v0;
	v1 =	vadd.f32 v36, v1  }
0x51: {  	v49 =	vshll.u32 v40, $0x10;
	v50 =	vld [tilespmem:s25+$0xC900];
	v2 =	vadd.f32 v47, v2;
	v3 =	vadd.f32 v45, v3  }
0x52: {  	v51 =	vshll.u32 v42, $0x10;
	v52 =	vld [tilespmem:s25+$0xD500];
	v0 =	vadd.f32 v42, v0;
	v1 =	vadd.f32 v40, v1  }
0x53: {  	v54 =	vld [tilespmem:s25+$0xD100];
	v53 =	vshll.u32 v44, $0x10;
	v2 =	vadd.f32 v51, v2;
	v3 =	vadd.f32 v49, v3  }
0x54: {  	v55 =	vshll.u32 v46, $0x10;
	v56 =	vld [tilespmem:s25+$0xDD00];
	v0 =	vadd.f32 v46, v0;
	v1 =	vadd.f32 v44, v1  }
0x55: {  	v58 =	vld [tilespmem:s25+$0xD900];
	v57 =	vshll.u32 v48, $0x10;
	v2 =	vadd.f32 v55, v2;
	v3 =	vadd.f32 v53, v3  }
0x56: {  	v59 =	vshll.u32 v50, $0x10;
	v0 =	vadd.f32 v50, v0;
	v1 =	vadd.f32 v48, v1  }
0x57: {  	v60 =	vshll.u32 v52, $0x10;
	v2 =	vadd.f32 v59, v2;
	v3 =	vadd.f32 v57, v3  }
0x58: {  	v61 =	vshll.u32 v54, $0x10;
	v0 =	vadd.f32 v54, v0;
	v1 =	vadd.f32 v52, v1  }
0x59: {  	v2 =	vadd.f32 v61, v2;
	v3 =	vadd.f32 v60, v3  }
0x5a: {  	v62 =	vshll.u32 v58, $0x10;
	v0 =	vadd.f32 v58, v0;
	v1 =	vadd.f32 v56, v1  }
0x5b: {  	v63 =	vshll.u32 v56, $0x10;
	v2 =	vadd.f32 v62, v2  }
0x5c: {  	v3 =	vadd.f32 v63, v3;
	v0 =	vadd.f32 v1, v0;
	_ =	sdelay $0x1  }
0x5d: {  	s28 =	simm.s32 $0x40;
	s26 =	simm.s32 $0x1A910;
	s25 =	simm.s32 $0x1A910;
	v1 =	vadd.f32 v3, v2;
	v0 =	vmul.f32 $1.999999960e-02, v0  }
.LBB2_6:
0x5e: {  	p2 =	sne.s32 s28, $0xFC0  }
0x5f: {  	v1 =	vmul.f32 $1.999999960e-02, v1;
	s25 =	sadd.s32 $0x20, s25;
	s29 =	smov.u32 s28;
	s28 =	sadd.s32 $0x40, s28  }
0x60: {  	[tilespmem:s26+$0x0] =	vst v0  }
0x61: {  	s29 =	sshra.s32 s29, $0x2;
	[tilespmem:s26+$0xFFFFFFF0] =	vst v1;
	s26 =	smov.u32 s25  }
0x62: {  	v0 =	vld [tilespmem:s29+$0x2500]  }
0x63: {  	v1 =	vld [tilespmem:s29+$0x1900]  }
0x64: {  	v2 =	vld [tilespmem:s29+$0x1D00]  }
0x65: {  	v3 =	vld [tilespmem:s29+$0x2100]  }
0x66: {  	v4 =	vld [tilespmem:s29+$0x2D00]  }
0x67: {  	v5 =	vld [tilespmem:s29+$0x2900]  }
0x68: {  	v7 =	vshll.u32 v0, $0x10;
	v6 =	vshll.u32 v1, $0x10;
	v1 =	vadd.f32 $0.0e+00, v1;
	v8 =	vld [tilespmem:s29+$0x3500]  }
0x69: {  	v6 =	vadd.f32 $0.0e+00, v6;
	v9 =	vshll.u32 v2, $0x10;
	v2 =	vadd.f32 $0.0e+00, v2;
	v10 =	vld [tilespmem:s29+$0x3100]  }
0x6a: {  	v9 =	vadd.f32 $0.0e+00, v9;
	v11 =	vshll.u32 v3, $0x10;
	v1 =	vadd.f32 v3, v1;
	v3 =	vld [tilespmem:s29+$0x3D00]  }
0x6b: {  	v6 =	vadd.f32 v11, v6;
	v0 =	vadd.f32 v0, v2;
	v2 =	vshll.u32 v4, $0x10;
	v11 =	vld [tilespmem:s29+$0x3900]  }
0x6c: {  	v7 =	vadd.f32 v7, v9;
	v9 =	vshll.u32 v5, $0x10;
	v1 =	vadd.f32 v5, v1;
	v5 =	vld [tilespmem:s29+$0x4500]  }
0x6d: {  	v6 =	vadd.f32 v9, v6;
	v0 =	vadd.f32 v4, v0;
	v4 =	vshll.u32 v8, $0x10;
	v9 =	vld [tilespmem:s29+$0x4100]  }
0x6e: {  	v2 =	vadd.f32 v2, v7;
	v7 =	vshll.u32 v10, $0x10;
	v1 =	vadd.f32 v10, v1;
	v10 =	vld [tilespmem:s29+$0x4D00]  }
0x6f: {  	v6 =	vadd.f32 v7, v6;
	v0 =	vadd.f32 v8, v0;
	v7 =	vshll.u32 v3, $0x10;
	v8 =	vld [tilespmem:s29+$0x4900]  }
0x70: {  	v2 =	vadd.f32 v4, v2;
	v4 =	vshll.u32 v11, $0x10;
	v1 =	vadd.f32 v11, v1;
	v11 =	vld [tilespmem:s29+$0x5500]  }
0x71: {  	v4 =	vadd.f32 v4, v6;
	v0 =	vadd.f32 v3, v0;
	v3 =	vshll.u32 v5, $0x10;
	v6 =	vld [tilespmem:s29+$0x5100]  }
0x72: {  	v2 =	vadd.f32 v7, v2;
	v7 =	vshll.u32 v9, $0x10;
	v1 =	vadd.f32 v9, v1;
	v9 =	vld [tilespmem:s29+$0x5D00]  }
0x73: {  	v4 =	vadd.f32 v7, v4;
	v0 =	vadd.f32 v5, v0;
	v5 =	vshll.u32 v10, $0x10;
	v7 =	vld [tilespmem:s29+$0x5900]  }
0x74: {  	v2 =	vadd.f32 v3, v2;
	v3 =	vshll.u32 v8, $0x10;
	v1 =	vadd.f32 v8, v1;
	v8 =	vld [tilespmem:s29+$0x6500]  }
0x75: {  	v3 =	vadd.f32 v3, v4;
	v0 =	vadd.f32 v10, v0;
	v4 =	vshll.u32 v11, $0x10;
	v10 =	vld [tilespmem:s29+$0x6100]  }
0x76: {  	v2 =	vadd.f32 v5, v2;
	v5 =	vshll.u32 v6, $0x10;
	v1 =	vadd.f32 v6, v1;
	v6 =	vld [tilespmem:s29+$0x6D00]  }
0x77: {  	v3 =	vadd.f32 v5, v3;
	v0 =	vadd.f32 v11, v0;
	v5 =	vshll.u32 v9, $0x10;
	v11 =	vld [tilespmem:s29+$0x6900]  }
0x78: {  	v2 =	vadd.f32 v4, v2;
	v4 =	vshll.u32 v7, $0x10;
	v1 =	vadd.f32 v7, v1;
	v7 =	vld [tilespmem:s29+$0x7500]  }
0x79: {  	v3 =	vadd.f32 v4, v3;
	v0 =	vadd.f32 v9, v0;
	v4 =	vshll.u32 v8, $0x10;
	v9 =	vld [tilespmem:s29+$0x7100]  }
0x7a: {  	v2 =	vadd.f32 v5, v2;
	v5 =	vshll.u32 v10, $0x10;
	v1 =	vadd.f32 v10, v1;
	v10 =	vld [tilespmem:s29+$0x7D00]  }
0x7b: {  	v3 =	vadd.f32 v5, v3;
	v0 =	vadd.f32 v8, v0;
	v5 =	vshll.u32 v6, $0x10;
	v8 =	vld [tilespmem:s29+$0x7900]  }
0x7c: {  	v2 =	vadd.f32 v4, v2;
	v4 =	vshll.u32 v11, $0x10;
	v1 =	vadd.f32 v11, v1;
	v11 =	vld [tilespmem:s29+$0x8500]  }
0x7d: {  	v3 =	vadd.f32 v4, v3;
	v0 =	vadd.f32 v6, v0;
	v4 =	vshll.u32 v7, $0x10;
	v6 =	vld [tilespmem:s29+$0x8100]  }
0x7e: {  	v2 =	vadd.f32 v5, v2;
	v5 =	vshll.u32 v9, $0x10;
	v1 =	vadd.f32 v9, v1;
	v9 =	vld [tilespmem:s29+$0x8D00]  }
0x7f: {  	v3 =	vadd.f32 v5, v3;
	v0 =	vadd.f32 v7, v0;
	v5 =	vshll.u32 v10, $0x10;
	v7 =	vld [tilespmem:s29+$0x8900]  }
0x80: {  	v2 =	vadd.f32 v4, v2;
	v4 =	vshll.u32 v8, $0x10;
	v1 =	vadd.f32 v8, v1;
	v8 =	vld [tilespmem:s29+$0x9500]  }
0x81: {  	v3 =	vadd.f32 v4, v3;
	v0 =	vadd.f32 v10, v0;
	v4 =	vshll.u32 v11, $0x10;
	v10 =	vld [tilespmem:s29+$0x9100]  }
0x82: {  	v2 =	vadd.f32 v5, v2;
	v5 =	vshll.u32 v6, $0x10;
	v1 =	vadd.f32 v6, v1;
	v6 =	vld [tilespmem:s29+$0x9D00]  }
0x83: {  	v3 =	vadd.f32 v5, v3;
	v0 =	vadd.f32 v11, v0;
	v5 =	vshll.u32 v9, $0x10;
	v11 =	vld [tilespmem:s29+$0x9900]  }
0x84: {  	v2 =	vadd.f32 v4, v2;
	v4 =	vshll.u32 v7, $0x10;
	v1 =	vadd.f32 v7, v1;
	v7 =	vld [tilespmem:s29+$0xA500]  }
0x85: {  	v3 =	vadd.f32 v4, v3;
	v0 =	vadd.f32 v9, v0;
	v4 =	vshll.u32 v8, $0x10;
	v9 =	vld [tilespmem:s29+$0xA100]  }
0x86: {  	v2 =	vadd.f32 v5, v2;
	v5 =	vshll.u32 v10, $0x10;
	v1 =	vadd.f32 v10, v1;
	v10 =	vld [tilespmem:s29+$0xAD00]  }
0x87: {  	v3 =	vadd.f32 v5, v3;
	v0 =	vadd.f32 v8, v0;
	v5 =	vshll.u32 v6, $0x10;
	v8 =	vld [tilespmem:s29+$0xA900]  }
0x88: {  	v2 =	vadd.f32 v4, v2;
	v4 =	vshll.u32 v11, $0x10;
	v1 =	vadd.f32 v11, v1;
	v11 =	vld [tilespmem:s29+$0xB500]  }
0x89: {  	v3 =	vadd.f32 v4, v3;
	v0 =	vadd.f32 v6, v0;
	v4 =	vshll.u32 v7, $0x10;
	v6 =	vld [tilespmem:s29+$0xB100]  }
0x8a: {  	v2 =	vadd.f32 v5, v2;
	v5 =	vshll.u32 v9, $0x10;
	v1 =	vadd.f32 v9, v1;
	v9 =	vld [tilespmem:s29+$0xBD00]  }
0x8b: {  	v3 =	vadd.f32 v5, v3;
	v0 =	vadd.f32 v7, v0;
	v5 =	vshll.u32 v10, $0x10;
	v7 =	vld [tilespmem:s29+$0xB900]  }
0x8c: {  	v2 =	vadd.f32 v4, v2;
	v4 =	vshll.u32 v8, $0x10;
	v1 =	vadd.f32 v8, v1;
	v8 =	vld [tilespmem:s29+$0xC500]  }
0x8d: {  	v3 =	vadd.f32 v4, v3;
	v0 =	vadd.f32 v10, v0;
	v4 =	vshll.u32 v11, $0x10;
	v10 =	vld [tilespmem:s29+$0xC100]  }
0x8e: {  	v2 =	vadd.f32 v5, v2;
	v5 =	vshll.u32 v6, $0x10;
	v1 =	vadd.f32 v6, v1;
	v6 =	vld [tilespmem:s29+$0xCD00]  }
0x8f: {  	v3 =	vadd.f32 v5, v3;
	v0 =	vadd.f32 v11, v0;
	v5 =	vshll.u32 v9, $0x10;
	v11 =	vld [tilespmem:s29+$0xC900]  }
0x90: {  	v2 =	vadd.f32 v4, v2;
	v4 =	vshll.u32 v7, $0x10;
	v1 =	vadd.f32 v7, v1;
	v7 =	vld [tilespmem:s29+$0xD500]  }
0x91: {  	v3 =	vadd.f32 v4, v3;
	v0 =	vadd.f32 v9, v0;
	v4 =	vshll.u32 v8, $0x10;
	v9 =	vld [tilespmem:s29+$0xD100]  }
0x92: {  	v2 =	vadd.f32 v5, v2;
	v5 =	vshll.u32 v10, $0x10;
	v1 =	vadd.f32 v10, v1;
	v10 =	vld [tilespmem:s29+$0xDD00]  }
0x93: {  	v3 =	vadd.f32 v5, v3;
	v0 =	vadd.f32 v8, v0;
	v5 =	vshll.u32 v6, $0x10;
	v8 =	vld [tilespmem:s29+$0xD900]  }
0x94: {  	v2 =	vadd.f32 v4, v2;
	v4 =	vshll.u32 v11, $0x10;
	v1 =	vadd.f32 v11, v1  }
0x95: {  	v3 =	vadd.f32 v4, v3;
	v0 =	vadd.f32 v6, v0;
	v4 =	vshll.u32 v7, $0x10  }
0x96: {  	v2 =	vadd.f32 v5, v2;
	v5 =	vshll.u32 v9, $0x10;
	v1 =	vadd.f32 v9, v1  }
0x97: {  	v3 =	vadd.f32 v5, v3;
	v0 =	vadd.f32 v7, v0;
	v5 =	vshll.u32 v10, $0x10  }
0x98: {  	v2 =	vadd.f32 v4, v2;
	v4 =	vshll.u32 v8, $0x10;
	v1 =	vadd.f32 v8, v1  }
.Ltmp2:
0x99: {  	v3 =	vadd.f32 v4, v3;
	v0 =	vadd.f32 v10, v0;
	(pc) =	sbr.rel @p2 .LBB2_6-.Ltmp2, $4  }
0x9a: {  	v2 =	vadd.f32 v5, v2  }
0x9b: {  	v0 =	vadd.f32 v0, v1  }
0x9c: {  	v1 =	vadd.f32 v2, v3  }
0x9d: {  	v0 =	vmul.f32 $1.999999960e-02, v0  }
0x9e: {  	v1 =	vmul.f32 $1.999999960e-02, v1  }
0x9f: {  	s24 =	sshll.u32 s24, $0x8;
	[tilespmem:s26+$0x0] =	vst v0  }
0xa0: {  	s25 =	sadd.s32 s2, s24;
	[tilespmem:s26+$0xFFFFFFF0] =	vst v1  }
0xa1: {  	[hbm4b:s25+s3] =	stream.linear.scatter [tilespmem:s17], [sflag:$0x3], $0x800, $0x38;
	[tilespmem:$0x1B900] =	vst v63  }
0xa2: {  	_ =	swait.ge [sflag:s14], $0xC800  }
0xa3: {  	[sflag:s14] =	ssyncset.done $0x0  }
0xa4: {  	s25 =	simm.s32 @!p0 $0x2;
	[sflag:s14] =	ssyncadd.s32 $0xFFFF3800  }
0xa5: {  	_ =	swait.ge @!p0 [sflag:s25], $0xC80  }
0xa6: {  	s28 =	simm.s32 @!p0 $0x1900;
	[sflag:s25] =	ssyncset.done @!p0 $0x0  }
0xa7: {  	s26 =	simm.s32 @!p0 $0x0;
	[sflag:s25] =	ssyncadd.s32 @!p0 $0xFFFFF380;
	s25 =	simm.s32 @!p0 $0xC80  }
0xa8: {  	[tilespmem:s28], [sflag:$0x1] =	stream.indirect.gather @!p0 [hbm4b:s6+s25], $0x10, s26, s25, $0xb8;
	[tilespmem:$0x1B900] =	vst v63  }
0xa9: {  	s23 =	sadd.s32 @!p0 $0x4B0, s23  }
0xaa: {  	[tilespmem:s25], [sflag:$0x2] =	stream.linear.gather @!p0 [hbm4b:s23+s26], $0xC80, $0x38;
	[tilespmem:$0x1B900] =	vst v63  }
0xab: {  	s23 =	simm.s32 @!p1 $0x4  }
0xac: {  	_ =	swait.ge @!p1 [sflag:s23], $0x800  }
0xad: {  	[sflag:s23] =	ssyncset.done @!p1 $0x0  }
0xae: {  	s31 =	simm.s32 $0x0;
	[sflag:s23] =	ssyncadd.s32 @!p1 $0xFFFFF800  }
0xaf: {  	v0 =	vld [tilespmem:s31+$0xE100]  }
0xb0: {  	v1 =	vld [tilespmem:s31+$0xE500]  }
0xb1: {  	v2 =	vld [tilespmem:s31+$0xED00]  }
0xb2: {  	v3 =	vld [tilespmem:s31+$0xE900]  }
0xb3: {  	v4 =	vld [tilespmem:s31+$0xF500]  }
0xb4: {  	v5 =	vld [tilespmem:s31+$0xF100];
	v6 =	vshll.u32 v0, $0x10  }
0xb5: {  	v7 =	vld [tilespmem:s31+$0xFD00];
	v0 =	vadd.f32 $0.0e+00, v0;
	v8 =	vshll.u32 v1, $0x10;
	v1 =	vadd.f32 $0.0e+00, v1  }
0xb6: {  	v10 =	vld [tilespmem:s31+$0xF900];
	v9 =	vshll.u32 v2, $0x10;
	v6 =	vadd.f32 $0.0e+00, v6;
	v8 =	vadd.f32 $0.0e+00, v8  }
0xb7: {  	v31 =	vld [tilespmem:s31+$0x10100];
	v11 =	vshll.u32 v3, $0x10;
	v0 =	vadd.f32 v3, v0;
	v1 =	vadd.f32 v2, v1  }
0xb8: {  	v30 =	vshll.u32 v4, $0x10;
	v3 =	vld [tilespmem:s31+$0x10500];
	v2 =	vadd.f32 v11, v6;
	v8 =	vadd.f32 v9, v8  }
0xb9: {  	v35 =	vld [tilespmem:s31+$0x10900];
	v32 =	vshll.u32 v5, $0x10;
	v0 =	vadd.f32 v5, v0;
	v1 =	vadd.f32 v4, v1  }
0xba: {  	v33 =	vld [tilespmem:s31+$0x10D00];
	v34 =	vshll.u32 v7, $0x10;
	v2 =	vadd.f32 v32, v2;
	v6 =	vadd.f32 v30, v8  }
0xbb: {  	v37 =	vld [tilespmem:s31+$0x11500];
	v36 =	vshll.u32 v10, $0x10;
	v0 =	vadd.f32 v10, v0;
	v1 =	vadd.f32 v7, v1  }
0xbc: {  	v39 =	vld [tilespmem:s31+$0x11100];
	v40 =	vshll.u32 v31, $0x10;
	v2 =	vadd.f32 v36, v2;
	v4 =	vadd.f32 v34, v6  }
0xbd: {  	v41 =	vld [tilespmem:s31+$0x11D00];
	v38 =	vshll.u32 v3, $0x10;
	v0 =	vadd.f32 v31, v0;
	v1 =	vadd.f32 v3, v1  }
0xbe: {  	v42 =	vld [tilespmem:s31+$0x11900];
	v43 =	vshll.u32 v35, $0x10;
	v2 =	vadd.f32 v40, v2;
	v4 =	vadd.f32 v38, v4  }
0xbf: {  	v44 =	vld [tilespmem:s31+$0x12500];
	v3 =	vshll.u32 v33, $0x10;
	v0 =	vadd.f32 v35, v0;
	v1 =	vadd.f32 v33, v1  }
0xc0: {  	v46 =	vld [tilespmem:s31+$0x12100];
	v45 =	vshll.u32 v37, $0x10;
	v2 =	vadd.f32 v43, v2;
	v3 =	vadd.f32 v3, v4  }
0xc1: {  	v48 =	vld [tilespmem:s31+$0x12D00];
	v47 =	vshll.u32 v39, $0x10;
	v0 =	vadd.f32 v39, v0;
	v1 =	vadd.f32 v37, v1  }
0xc2: {  	v50 =	vld [tilespmem:s31+$0x12900];
	v49 =	vshll.u32 v41, $0x10;
	v2 =	vadd.f32 v47, v2;
	v3 =	vadd.f32 v45, v3  }
0xc3: {  	v52 =	vld [tilespmem:s31+$0x13500];
	v51 =	vshll.u32 v42, $0x10;
	v0 =	vadd.f32 v42, v0;
	v1 =	vadd.f32 v41, v1  }
0xc4: {  	v54 =	vld [tilespmem:s31+$0x13100];
	v53 =	vshll.u32 v44, $0x10;
	v2 =	vadd.f32 v51, v2;
	v3 =	vadd.f32 v49, v3  }
0xc5: {  	v56 =	vld [tilespmem:s31+$0x13D00];
	v55 =	vshll.u32 v46, $0x10;
	v0 =	vadd.f32 v46, v0;
	v1 =	vadd.f32 v44, v1  }
0xc6: {  	v58 =	vld [tilespmem:s31+$0x13900];
	v57 =	vshll.u32 v48, $0x10;
	v2 =	vadd.f32 v55, v2;
	v3 =	vadd.f32 v53, v3  }
0xc7: {  	v60 =	vld [tilespmem:s31+$0x14500];
	v59 =	vshll.u32 v50, $0x10;
	v0 =	vadd.f32 v50, v0;
	v1 =	vadd.f32 v48, v1  }
0xc8: {  	v62 =	vld [tilespmem:s31+$0x14100];
	v61 =	vshll.u32 v52, $0x10;
	v2 =	vadd.f32 v59, v2;
	v3 =	vadd.f32 v57, v3  }
0xc9: {  	v12 =	vld [tilespmem:s31+$0x14D00];
	v63 =	vshll.u32 v54, $0x10;
	v0 =	vadd.f32 v54, v0;
	v1 =	vadd.f32 v52, v1  }
0xca: {  	v14 =	vld [tilespmem:s31+$0x14900];
	v13 =	vshll.u32 v56, $0x10;
	v2 =	vadd.f32 v63, v2;
	v3 =	vadd.f32 v61, v3  }
0xcb: {  	v16 =	vld [tilespmem:s31+$0x15500];
	v15 =	vshll.u32 v58, $0x10;
	v0 =	vadd.f32 v58, v0;
	v1 =	vadd.f32 v56, v1  }
0xcc: {  	v18 =	vld [tilespmem:s31+$0x15100];
	v17 =	vshll.u32 v60, $0x10;
	v2 =	vadd.f32 v15, v2;
	v3 =	vadd.f32 v13, v3  }
0xcd: {  	v20 =	vld [tilespmem:s31+$0x15D00];
	v19 =	vshll.u32 v62, $0x10;
	v0 =	vadd.f32 v62, v0;
	v1 =	vadd.f32 v60, v1  }
0xce: {  	v22 =	vld [tilespmem:s31+$0x15900];
	v21 =	vshll.u32 v12, $0x10;
	v2 =	vadd.f32 v19, v2;
	v3 =	vadd.f32 v17, v3  }
0xcf: {  	v24 =	vld [tilespmem:s31+$0x16500];
	v23 =	vshll.u32 v14, $0x10;
	v0 =	vadd.f32 v14, v0;
	v1 =	vadd.f32 v12, v1  }
0xd0: {  	v26 =	vld [tilespmem:s31+$0x16100];
	v25 =	vshll.u32 v16, $0x10;
	v2 =	vadd.f32 v23, v2;
	v3 =	vadd.f32 v21, v3  }
0xd1: {  	v28 =	vld [tilespmem:s31+$0x16D00];
	v27 =	vshll.u32 v18, $0x10;
	v0 =	vadd.f32 v18, v0;
	v1 =	vadd.f32 v16, v1  }
0xd2: {  	v29 =	vshll.u32 v20, $0x10;
	v30 =	vld [tilespmem:s31+$0x16900];
	v2 =	vadd.f32 v27, v2;
	v3 =	vadd.f32 v25, v3  }
0xd3: {  	v34 =	vld [tilespmem:s31+$0x17100];
	v31 =	vshll.u32 v22, $0x10;
	v0 =	vadd.f32 v22, v0;
	v1 =	vadd.f32 v20, v1  }
0xd4: {  	v32 =	vld [tilespmem:s31+$0x17500];
	v33 =	vshll.u32 v24, $0x10;
	v2 =	vadd.f32 v31, v2;
	v3 =	vadd.f32 v29, v3  }
0xd5: {  	v36 =	vld [tilespmem:s31+$0x17D00];
	v35 =	vshll.u32 v26, $0x10;
	v0 =	vadd.f32 v26, v0;
	v1 =	vadd.f32 v24, v1  }
0xd6: {  	v38 =	vld [tilespmem:s31+$0x17900];
	v37 =	vshll.u32 v28, $0x10;
	v2 =	vadd.f32 v35, v2;
	v3 =	vadd.f32 v33, v3  }
0xd7: {  	v40 =	vld [tilespmem:s31+$0x18500];
	v39 =	vshll.u32 v30, $0x10;
	v0 =	vadd.f32 v30, v0;
	v1 =	vadd.f32 v28, v1  }
0xd8: {  	v43 =	vshll.u32 v34, $0x10;
	v42 =	vld [tilespmem:s31+$0x18100];
	v2 =	vadd.f32 v39, v2;
	v3 =	vadd.f32 v37, v3  }
0xd9: {  	v41 =	vshll.u32 v32, $0x10;
	v44 =	vld [tilespmem:s31+$0x18D00];
	v0 =	vadd.f32 v34, v0;
	v1 =	vadd.f32 v32, v1  }
0xda: {  	v45 =	vshll.u32 v36, $0x10;
	v46 =	vld [tilespmem:s31+$0x18900];
	v2 =	vadd.f32 v43, v2;
	v3 =	vadd.f32 v41, v3  }
0xdb: {  	v47 =	vshll.u32 v38, $0x10;
	v48 =	vld [tilespmem:s31+$0x19500];
	v0 =	vadd.f32 v38, v0;
	v1 =	vadd.f32 v36, v1  }
0xdc: {  	v49 =	vshll.u32 v40, $0x10;
	v50 =	vld [tilespmem:s31+$0x19100];
	v2 =	vadd.f32 v47, v2;
	v3 =	vadd.f32 v45, v3  }
0xdd: {  	v51 =	vshll.u32 v42, $0x10;
	v52 =	vld [tilespmem:s31+$0x19D00];
	v0 =	vadd.f32 v42, v0;
	v1 =	vadd.f32 v40, v1  }
0xde: {  	v54 =	vld [tilespmem:s31+$0x19900];
	v53 =	vshll.u32 v44, $0x10;
	v2 =	vadd.f32 v51, v2;
	v3 =	vadd.f32 v49, v3  }
0xdf: {  	v55 =	vshll.u32 v46, $0x10;
	v56 =	vld [tilespmem:s31+$0x1A500];
	v0 =	vadd.f32 v46, v0;
	v1 =	vadd.f32 v44, v1  }
0xe0: {  	v58 =	vld [tilespmem:s31+$0x1A100];
	v57 =	vshll.u32 v48, $0x10;
	v2 =	vadd.f32 v55, v2;
	v3 =	vadd.f32 v53, v3  }
0xe1: {  	v59 =	vshll.u32 v50, $0x10;
	v0 =	vadd.f32 v50, v0;
	v1 =	vadd.f32 v48, v1  }
0xe2: {  	v60 =	vshll.u32 v52, $0x10;
	v2 =	vadd.f32 v59, v2;
	v3 =	vadd.f32 v57, v3  }
0xe3: {  	v61 =	vshll.u32 v54, $0x10;
	v0 =	vadd.f32 v54, v0;
	v1 =	vadd.f32 v52, v1  }
0xe4: {  	v2 =	vadd.f32 v61, v2;
	v3 =	vadd.f32 v60, v3  }
0xe5: {  	v62 =	vshll.u32 v58, $0x10;
	v0 =	vadd.f32 v58, v0;
	v1 =	vadd.f32 v56, v1  }
0xe6: {  	v63 =	vshll.u32 v56, $0x10;
	v2 =	vadd.f32 v62, v2  }
0xe7: {  	v3 =	vadd.f32 v63, v3;
	v0 =	vadd.f32 v1, v0;
	_ =	sdelay $0x1  }
0xe8: {  	s25 =	simm.s32 $0x40;
	s26 =	simm.s32 $0x1B110;
	s23 =	simm.s32 $0x1B110;
	v1 =	vadd.f32 v3, v2;
	v0 =	vmul.f32 $1.999999960e-02, v0  }
.LBB2_8:
0xe9: {  	p0 =	sne.s32 s25, $0xFC0  }
0xea: {  	v1 =	vmul.f32 $1.999999960e-02, v1;
	s23 =	sadd.s32 $0x20, s23;
	s28 =	smov.u32 s25;
	s25 =	sadd.s32 $0x40, s25  }
0xeb: {  	[tilespmem:s26+$0x0] =	vst v0  }
0xec: {  	s28 =	sshra.s32 s28, $0x2;
	[tilespmem:s26+$0xFFFFFFF0] =	vst v1;
	s26 =	smov.u32 s23  }
0xed: {  	v0 =	vld [tilespmem:s28+$0xED00]  }
0xee: {  	v1 =	vld [tilespmem:s28+$0xE100]  }
0xef: {  	v2 =	vld [tilespmem:s28+$0xE500]  }
0xf0: {  	v3 =	vld [tilespmem:s28+$0xE900]  }
0xf1: {  	v4 =	vld [tilespmem:s28+$0xF500]  }
0xf2: {  	v5 =	vld [tilespmem:s28+$0xF100]  }
0xf3: {  	v7 =	vshll.u32 v0, $0x10;
	v6 =	vshll.u32 v1, $0x10;
	v1 =	vadd.f32 $0.0e+00, v1;
	v8 =	vld [tilespmem:s28+$0xFD00]  }
0xf4: {  	v6 =	vadd.f32 $0.0e+00, v6;
	v9 =	vshll.u32 v2, $0x10;
	v2 =	vadd.f32 $0.0e+00, v2;
	v10 =	vld [tilespmem:s28+$0xF900]  }
0xf5: {  	v9 =	vadd.f32 $0.0e+00, v9;
	v11 =	vshll.u32 v3, $0x10;
	v1 =	vadd.f32 v3, v1;
	v3 =	vld [tilespmem:s28+$0x10500]  }
0xf6: {  	v6 =	vadd.f32 v11, v6;
	v0 =	vadd.f32 v0, v2;
	v2 =	vshll.u32 v4, $0x10;
	v11 =	vld [tilespmem:s28+$0x10100]  }
0xf7: {  	v7 =	vadd.f32 v7, v9;
	v9 =	vshll.u32 v5, $0x10;
	v1 =	vadd.f32 v5, v1;
	v5 =	vld [tilespmem:s28+$0x10D00]  }
0xf8: {  	v6 =	vadd.f32 v9, v6;
	v0 =	vadd.f32 v4, v0;
	v4 =	vshll.u32 v8, $0x10;
	v9 =	vld [tilespmem:s28+$0x10900]  }
0xf9: {  	v2 =	vadd.f32 v2, v7;
	v7 =	vshll.u32 v10, $0x10;
	v1 =	vadd.f32 v10, v1;
	v10 =	vld [tilespmem:s28+$0x11500]  }
0xfa: {  	v6 =	vadd.f32 v7, v6;
	v0 =	vadd.f32 v8, v0;
	v7 =	vshll.u32 v3, $0x10;
	v8 =	vld [tilespmem:s28+$0x11100]  }
0xfb: {  	v2 =	vadd.f32 v4, v2;
	v4 =	vshll.u32 v11, $0x10;
	v1 =	vadd.f32 v11, v1;
	v11 =	vld [tilespmem:s28+$0x11D00]  }
0xfc: {  	v4 =	vadd.f32 v4, v6;
	v0 =	vadd.f32 v3, v0;
	v3 =	vshll.u32 v5, $0x10;
	v6 =	vld [tilespmem:s28+$0x11900]  }
0xfd: {  	v2 =	vadd.f32 v7, v2;
	v7 =	vshll.u32 v9, $0x10;
	v1 =	vadd.f32 v9, v1;
	v9 =	vld [tilespmem:s28+$0x12500]  }
0xfe: {  	v4 =	vadd.f32 v7, v4;
	v0 =	vadd.f32 v5, v0;
	v5 =	vshll.u32 v10, $0x10;
	v7 =	vld [tilespmem:s28+$0x12100]  }
0xff: {  	v2 =	vadd.f32 v3, v2;
	v3 =	vshll.u32 v8, $0x10;
	v1 =	vadd.f32 v8, v1;
	v8 =	vld [tilespmem:s28+$0x12D00]  }
0x100: {  	v3 =	vadd.f32 v3, v4;
	v0 =	vadd.f32 v10, v0;
	v4 =	vshll.u32 v11, $0x10;
	v10 =	vld [tilespmem:s28+$0x12900]  }
0x101: {  	v2 =	vadd.f32 v5, v2;
	v5 =	vshll.u32 v6, $0x10;
	v1 =	vadd.f32 v6, v1;
	v6 =	vld [tilespmem:s28+$0x13500]  }
0x102: {  	v3 =	vadd.f32 v5, v3;
	v0 =	vadd.f32 v11, v0;
	v5 =	vshll.u32 v9, $0x10;
	v11 =	vld [tilespmem:s28+$0x13100]  }
0x103: {  	v2 =	vadd.f32 v4, v2;
	v4 =	vshll.u32 v7, $0x10;
	v1 =	vadd.f32 v7, v1;
	v7 =	vld [tilespmem:s28+$0x13D00]  }
0x104: {  	v3 =	vadd.f32 v4, v3;
	v0 =	vadd.f32 v9, v0;
	v4 =	vshll.u32 v8, $0x10;
	v9 =	vld [tilespmem:s28+$0x13900]  }
0x105: {  	v2 =	vadd.f32 v5, v2;
	v5 =	vshll.u32 v10, $0x10;
	v1 =	vadd.f32 v10, v1;
	v10 =	vld [tilespmem:s28+$0x14500]  }
0x106: {  	v3 =	vadd.f32 v5, v3;
	v0 =	vadd.f32 v8, v0;
	v5 =	vshll.u32 v6, $0x10;
	v8 =	vld [tilespmem:s28+$0x14100]  }
0x107: {  	v2 =	vadd.f32 v4, v2;
	v4 =	vshll.u32 v11, $0x10;
	v1 =	vadd.f32 v11, v1;
	v11 =	vld [tilespmem:s28+$0x14D00]  }
0x108: {  	v3 =	vadd.f32 v4, v3;
	v0 =	vadd.f32 v6, v0;
	v4 =	vshll.u32 v7, $0x10;
	v6 =	vld [tilespmem:s28+$0x14900]  }
0x109: {  	v2 =	vadd.f32 v5, v2;
	v5 =	vshll.u32 v9, $0x10;
	v1 =	vadd.f32 v9, v1;
	v9 =	vld [tilespmem:s28+$0x15500]  }
0x10a: {  	v3 =	vadd.f32 v5, v3;
	v0 =	vadd.f32 v7, v0;
	v5 =	vshll.u32 v10, $0x10;
	v7 =	vld [tilespmem:s28+$0x15100]  }
0x10b: {  	v2 =	vadd.f32 v4, v2;
	v4 =	vshll.u32 v8, $0x10;
	v1 =	vadd.f32 v8, v1;
	v8 =	vld [tilespmem:s28+$0x15D00]  }
0x10c: {  	v3 =	vadd.f32 v4, v3;
	v0 =	vadd.f32 v10, v0;
	v4 =	vshll.u32 v11, $0x10;
	v10 =	vld [tilespmem:s28+$0x15900]  }
0x10d: {  	v2 =	vadd.f32 v5, v2;
	v5 =	vshll.u32 v6, $0x10;
	v1 =	vadd.f32 v6, v1;
	v6 =	vld [tilespmem:s28+$0x16500]  }
0x10e: {  	v3 =	vadd.f32 v5, v3;
	v0 =	vadd.f32 v11, v0;
	v5 =	vshll.u32 v9, $0x10;
	v11 =	vld [tilespmem:s28+$0x16100]  }
0x10f: {  	v2 =	vadd.f32 v4, v2;
	v4 =	vshll.u32 v7, $0x10;
	v1 =	vadd.f32 v7, v1;
	v7 =	vld [tilespmem:s28+$0x16D00]  }
0x110: {  	v3 =	vadd.f32 v4, v3;
	v0 =	vadd.f32 v9, v0;
	v4 =	vshll.u32 v8, $0x10;
	v9 =	vld [tilespmem:s28+$0x16900]  }
0x111: {  	v2 =	vadd.f32 v5, v2;
	v5 =	vshll.u32 v10, $0x10;
	v1 =	vadd.f32 v10, v1;
	v10 =	vld [tilespmem:s28+$0x17500]  }
0x112: {  	v3 =	vadd.f32 v5, v3;
	v0 =	vadd.f32 v8, v0;
	v5 =	vshll.u32 v6, $0x10;
	v8 =	vld [tilespmem:s28+$0x17100]  }
0x113: {  	v2 =	vadd.f32 v4, v2;
	v4 =	vshll.u32 v11, $0x10;
	v1 =	vadd.f32 v11, v1;
	v11 =	vld [tilespmem:s28+$0x17D00]  }
0x114: {  	v3 =	vadd.f32 v4, v3;
	v0 =	vadd.f32 v6, v0;
	v4 =	vshll.u32 v7, $0x10;
	v6 =	vld [tilespmem:s28+$0x17900]  }
0x115: {  	v2 =	vadd.f32 v5, v2;
	v5 =	vshll.u32 v9, $0x10;
	v1 =	vadd.f32 v9, v1;
	v9 =	vld [tilespmem:s28+$0x18500]  }
0x116: {  	v3 =	vadd.f32 v5, v3;
	v0 =	vadd.f32 v7, v0;
	v5 =	vshll.u32 v10, $0x10;
	v7 =	vld [tilespmem:s28+$0x18100]  }
0x117: {  	v2 =	vadd.f32 v4, v2;
	v4 =	vshll.u32 v8, $0x10;
	v1 =	vadd.f32 v8, v1;
	v8 =	vld [tilespmem:s28+$0x18D00]  }
0x118: {  	v3 =	vadd.f32 v4, v3;
	v0 =	vadd.f32 v10, v0;
	v4 =	vshll.u32 v11, $0x10;
	v10 =	vld [tilespmem:s28+$0x18900]  }
0x119: {  	v2 =	vadd.f32 v5, v2;
	v5 =	vshll.u32 v6, $0x10;
	v1 =	vadd.f32 v6, v1;
	v6 =	vld [tilespmem:s28+$0x19500]  }
0x11a: {  	v3 =	vadd.f32 v5, v3;
	v0 =	vadd.f32 v11, v0;
	v5 =	vshll.u32 v9, $0x10;
	v11 =	vld [tilespmem:s28+$0x19100]  }
0x11b: {  	v2 =	vadd.f32 v4, v2;
	v4 =	vshll.u32 v7, $0x10;
	v1 =	vadd.f32 v7, v1;
	v7 =	vld [tilespmem:s28+$0x19D00]  }
0x11c: {  	v3 =	vadd.f32 v4, v3;
	v0 =	vadd.f32 v9, v0;
	v4 =	vshll.u32 v8, $0x10;
	v9 =	vld [tilespmem:s28+$0x19900]  }
0x11d: {  	v2 =	vadd.f32 v5, v2;
	v5 =	vshll.u32 v10, $0x10;
	v1 =	vadd.f32 v10, v1;
	v10 =	vld [tilespmem:s28+$0x1A500]  }
0x11e: {  	v3 =	vadd.f32 v5, v3;
	v0 =	vadd.f32 v8, v0;
	v5 =	vshll.u32 v6, $0x10;
	v8 =	vld [tilespmem:s28+$0x1A100]  }
0x11f: {  	v2 =	vadd.f32 v4, v2;
	v4 =	vshll.u32 v11, $0x10;
	v1 =	vadd.f32 v11, v1  }
0x120: {  	v3 =	vadd.f32 v4, v3;
	v0 =	vadd.f32 v6, v0;
	v4 =	vshll.u32 v7, $0x10  }
0x121: {  	v2 =	vadd.f32 v5, v2;
	v5 =	vshll.u32 v9, $0x10;
	v1 =	vadd.f32 v9, v1  }
0x122: {  	v3 =	vadd.f32 v5, v3;
	v0 =	vadd.f32 v7, v0;
	v5 =	vshll.u32 v10, $0x10  }
0x123: {  	v2 =	vadd.f32 v4, v2;
	v4 =	vshll.u32 v8, $0x10;
	v1 =	vadd.f32 v8, v1  }
.Ltmp3:
0x124: {  	v3 =	vadd.f32 v4, v3;
	v0 =	vadd.f32 v10, v0;
	(pc) =	sbr.rel @p0 .LBB2_8-.Ltmp3, $4  }
0x125: {  	v2 =	vadd.f32 v5, v2  }
0x126: {  	v0 =	vadd.f32 v0, v1  }
0x127: {  	v1 =	vadd.f32 v2, v3  }
0x128: {  	v0 =	vmul.f32 $1.999999960e-02, v0  }
0x129: {  	s22 =	sadd.s32 $0x1, s22  }
0x12a: {  	p0 =	sne.s32 s22, $0x10  }
.Ltmp4:
0x12b: {  	_ = 	snop;
	(pc) =	sbr.rel @p0 .LBB2_2-.Ltmp4, $4  }
0x12c: {  	v1 =	vmul.f32 $1.999999960e-02, v1  }
0x12d: {  	[tilespmem:s26+$0x0] =	vst v0  }
0x12e: {  	s23 =	sadd.s32 s24, s9;
	[tilespmem:s26+$0xFFFFFFF0] =	vst v1  }
0x12f: {  	[hbm4b:s23+s3] =	stream.linear.scatter [tilespmem:s18], [sflag:$0x4], $0x800, $0x38;
	[tilespmem:$0x1B900] =	vst v63  }
0x130: {  	s21 =	sadd.s32 $0x1, s21  }
0x131: {  	_ =	swait.ge [sflag:s19], $0x800;
	p0 =	sne.s32 s21, s10  }
.Ltmp5:
0x132: {  	[sflag:s19] =	ssyncset.done $0x0;
	(pc) =	sbr.rel @p0 .LBB2_1-.Ltmp5, $4  }
0x133: {  	[sflag:s19] =	ssyncadd.s32 $0xFFFFF800  }
0x134: {  	_ =	swait.ge [sflag:s20], $0x800  }
0x135: {  	[sflag:s20] =	ssyncset.done $0x0  }
0x136: {  	[sflag:s20] =	ssyncadd.s32 $0xFFFFF800  }
0x137: {  	_ =	sfence.sel $0x180000  }
0x138: {  	[bflag:$0x0] =	sbarrier.arrive $0xFFFF  }
0x139: {  	p0 =	sne.s32 s0, $0x0;
	_ =	strace $0x90000047  }
0x13a: {  	s0 =	sadd.s32 @!p0 $0x100000, s1;
	[bflag:$0x2] =	sbarrier.arrive $0xFFFF  }
0x13b: {  	[sflag:s0] =	ssyncadd.tile.s32 @!p0 $0x1;
	_ =	shalt  }
.Lfunc_end2:
_tile_overlayer_lowered:
.L_overlay_start_2:
0x13c: {  	(tag) =	ssettag $0x2  }
0x13d: {  	s0 =	rddreg [dreg:$0x0];
	s2 =	stileid.u32  }
0x13e: {  	s1 =	rddreg [dreg:$0x1];
	p0 =	sne.s32 s2, $0x0  }
0x13f: {  	s3 =	rddreg [dreg:$0x2];
	[bflag:$0x3] =	sbarrier.arrive $0xFFFF;
	s2 =	simm.s32 @!p0 $0x1C05  }
0x140: {  	[timem:s3], [sflag:s2] =	dma.local @!p0 [hbm:s0], s1  }
0x141: {  	s0 =	simm.s32 @!p0 $0x5  }
0x142: {  	_ =	swait.ge @!p0 [sflag:s0], s1  }
0x143: {  	s1 =	ssub.s32 @!p0 $0x0, s1;
	[sflag:s0] =	ssyncset.done @!p0 $0x0  }
0x144: {  	[sflag:s0] =	ssyncadd.s32 @!p0 s1  }
0x145: {  	[bflag:$0x3] =	sbarrier.arrive $0xFFFF  }
0x146: {  	_ =	shalt  }

</sc_bundles>
